<compile_context>
chip_gen: v7x
topology: tpu7x:2x2x1
jax: 0.10.2.dev20260603
libtpu: 0.0.44.dev20260713+nightly
codegen_flags: <defaults>
</compile_context>

<pallas_src>
import jax
import jax.numpy as jnp
from jax import lax
from jax.experimental import pallas as pl
from jax.experimental.pallas import tpu as pltpu
from jax.experimental.pallas import tpu_sc as plsc

_NX, _NY, _NZ = 50, 50, 40
_PLANE = _NY * _NZ
_N = _NX * _PLANE
_LANES = 16
_VPP = _PLANE // _LANES
_NWORK = 32


def _plane_copies(y_ref, j_ref, an_ref, e_ref, hx_ref, hy_ref, b_ref,
                  plane, x_st, p_st, par_st):
    e_st, hx_st, hy_st, b_st, jv_st, an_st = par_st
    """(src, dst) pairs staging one plane's inputs into TileSpmem."""
    base = plane * _PLANE
    prev = lax.rem(plane + _NX - 1, _NX) * _PLANE
    nxt = lax.rem(plane + 1, _NX) * _PLANE
    return [
        (y_ref.at[pl.ds(prev, _PLANE)], x_st.at[pl.ds(0, _PLANE)]),
        (y_ref.at[pl.ds(base, _PLANE)], x_st.at[pl.ds(_PLANE, _PLANE)]),
        (y_ref.at[pl.ds(nxt, _PLANE)], x_st.at[pl.ds(2 * _PLANE, _PLANE)]),
        (y_ref.at[pl.ds(_N + prev, _PLANE)], p_st.at[pl.ds(0, _PLANE)]),
        (y_ref.at[pl.ds(_N + base, _PLANE)], p_st.at[pl.ds(_PLANE, _PLANE)]),
        (y_ref.at[pl.ds(_N + nxt, _PLANE)], p_st.at[pl.ds(2 * _PLANE, _PLANE)]),
        (e_ref.at[pl.ds(base, _PLANE)], e_st),
        (hx_ref.at[pl.ds(base, _PLANE)], hx_st),
        (hy_ref.at[pl.ds(base, _PLANE)], hy_st),
        (b_ref.at[pl.ds(base, _PLANE)], b_st),
        (j_ref.at[pl.ds(base, _PLANE)], jv_st),
        (an_ref.at[pl.ds(base, _PLANE)], an_st),
    ]


def _compute_plane(x_st, p_st, par_st, dx_st, dp_st):
    e_st, hx_st, hy_st, b_st, jv_st, an_st = par_st
    lanes = lax.iota(jnp.int32, 16)

    def step(j):
        j80 = j * (5 * _LANES)
        for u in range(5):
            v16 = j80 + u * _LANES
            sl = pl.ds(v16, _LANES)
            csl = pl.ds(_PLANE + v16, _LANES)
            nsl = pl.ds(2 * _PLANE + v16, _LANES)
            pos = v16 + lanes
            iy1 = pos + (_PLANE - _NZ) + jnp.where(pos < _NZ, _PLANE, 0)
            iy2 = pos + (_PLANE + _NZ) - jnp.where(pos >= _PLANE - _NZ,
                                                   _PLANE, 0)
            z0 = [l for l in range(16) if (u * _LANES + l) % _NZ == 0]
            z39 = [l for l in range(16) if (u * _LANES + l) % _NZ == _NZ - 1]
            iz1 = pos + (_PLANE - 1)
            if z0:
                iz1 = iz1 + jnp.where(lanes == z0[0], _NZ, 0)
            iz2 = pos + (_PLANE + 1)
            if z39:
                iz2 = iz2 - jnp.where(lanes == z39[0], _NZ, 0)
            an = an_st[sl]
            ns_p = (p_st[sl] + p_st[nsl]
                    + plsc.load_gather(p_st, [iy1])
                    + plsc.load_gather(p_st, [iy2])
                    + an * (plsc.load_gather(p_st, [iz1])
                            + plsc.load_gather(p_st, [iz2])))
            ns_x = (x_st[sl] + x_st[nsl]
                    + plsc.load_gather(x_st, [iy1])
                    + plsc.load_gather(x_st, [iy2])
                    + an * (plsc.load_gather(x_st, [iz1])
                            + plsc.load_gather(x_st, [iz2])))
            xc = x_st[csl]
            pc = p_st[csl]
            e = e_st[sl]
            jv = jv_st[sl]
            bd = b_st[sl] * (xc * xc + pc * pc)
            dx_st[sl] = e * pc - jv * ns_p + hy_st[sl] + bd * pc
            dp_st[sl] = jv * ns_x - e * xc - hx_st[sl] - bd * xc

    plsc.parallel_loop(0, _VPP // 5)(step)


def _sc_body(y_ref, j_ref, an_ref, e_ref, hx_ref, hy_ref, b_ref,
             out_ref,
             x0, p0, x1, p1,
             e0, hx0, hy0, b0, jv0, an0,
             e1, hx1, hy1, b1, jv1, an1,
             dx0, dp0, dx1, dp1,
             sem_s0, sem_s1, sem_o):
    wid = lax.axis_index("s") * 2 + lax.axis_index("c")
    plane0 = wid
    plane1 = wid + _NWORK

    cp0 = _plane_copies(y_ref, j_ref, an_ref, e_ref, hx_ref, hy_ref, b_ref,
                        plane0, x0, p0, (e0, hx0, hy0, b0, jv0, an0))
    for s, d in cp0:
        pltpu.async_copy(s, d, sem_s0)

    @pl.when(plane1 < _NX)
    def _prefetch():
        cp1 = _plane_copies(y_ref, j_ref, an_ref, e_ref, hx_ref, hy_ref,
                            b_ref, plane1, x1, p1,
                            (e1, hx1, hy1, b1, jv1, an1))
        for s, d in cp1:
            pltpu.async_copy(s, d, sem_s1)

    for s, d in cp0:
        pltpu.make_async_copy(s, d, sem_s0).wait()

    _compute_plane(x0, p0, (e0, hx0, hy0, b0, jv0, an0), dx0, dp0)
    base0 = plane0 * _PLANE
    out0 = [(dx0, out_ref.at[pl.ds(base0, _PLANE)]),
            (dp0, out_ref.at[pl.ds(_N + base0, _PLANE)])]
    for s, d in out0:
        pltpu.async_copy(s, d, sem_o)

    @pl.when(plane1 < _NX)
    def _round1():
        cp1 = _plane_copies(y_ref, j_ref, an_ref, e_ref, hx_ref, hy_ref,
                            b_ref, plane1, x1, p1,
                            (e1, hx1, hy1, b1, jv1, an1))
        for s, d in cp1:
            pltpu.make_async_copy(s, d, sem_s1).wait()
        _compute_plane(x1, p1, (e1, hx1, hy1, b1, jv1, an1), dx1, dp1)
        base1 = plane1 * _PLANE
        out1 = [(dx1, out_ref.at[pl.ds(base1, _PLANE)]),
                (dp1, out_ref.at[pl.ds(_N + base1, _PLANE)])]
        for s, d in out1:
            pltpu.async_copy(s, d, sem_o)

    for s, d in out0:
        pltpu.make_async_copy(s, d, sem_o).wait()

    @pl.when(plane1 < _NX)
    def _drain1():
        base1 = plane1 * _PLANE
        out1 = [(dx1, out_ref.at[pl.ds(base1, _PLANE)]),
                (dp1, out_ref.at[pl.ds(_N + base1, _PLANE)])]
        for s, d in out1:
            pltpu.make_async_copy(s, d, sem_o).wait()


def kernel(t, y, J, anisotropy, e_disorder, h_dis_x_flat, h_dis_y_flat, beta,
           nn_idx_1, nn_idx_2, nn_idy_1, nn_idy_2, nn_idz_1, nn_idz_2):
    del t, nn_idx_1, nn_idx_2, nn_idy_1, nn_idy_2, nn_idz_1, nn_idz_2
    f32 = jnp.float32
    run = pl.kernel(
        _sc_body,
        mesh=plsc.VectorSubcoreMesh(core_axis_name="c", subcore_axis_name="s"),
        compiler_params=pltpu.CompilerParams(needs_layout_passes=False),
        out_type=jax.ShapeDtypeStruct((2 * _N,), f32),
        scratch_types=[
            pltpu.VMEM((3 * _PLANE,), f32),
            pltpu.VMEM((3 * _PLANE,), f32),
            pltpu.VMEM((3 * _PLANE,), f32),
            pltpu.VMEM((3 * _PLANE,), f32),
            *[pltpu.VMEM((_PLANE,), f32) for _ in range(6)],
            *[pltpu.VMEM((_PLANE,), f32) for _ in range(6)],
            pltpu.VMEM((_PLANE,), f32),
            pltpu.VMEM((_PLANE,), f32),
            pltpu.VMEM((_PLANE,), f32),
            pltpu.VMEM((_PLANE,), f32),
            pltpu.SemaphoreType.DMA,
            pltpu.SemaphoreType.DMA,
            pltpu.SemaphoreType.DMA,
        ],
    )
    return run(y, J, anisotropy, e_disorder, h_dis_x_flat, h_dis_y_flat,
               beta)

# --- scband reference (transcript-rebuilt; emitter-appended) ---
"""Pipeline reference for scband-dgpe-ode-10213432230105 (READ-ONLY COPY).

The authoritative reference and input builder live on the scoring server;
editing this copy changes nothing except your own understanding.
"""

import jax, jax.numpy as jnp
import numpy as np

Nx, Ny, Nz = 50, 50, 40
N_WELLS = Nx * Ny * Nz  # 100000


def setup_inputs(seed: int = 0) -> dict:
    key = jax.random.key(seed)
    k_y, k_e, k_hx, k_hy, k_b = jax.random.split(key, 5)
    idx = np.arange(N_WELLS).reshape(Nx, Ny, Nz)
    inp = {}
    inp['t'] = jnp.zeros((), dtype=jnp.float32)
    inp['y'] = jax.random.normal(k_y, (2 * N_WELLS,), dtype=jnp.float32)
    # frozen parameters sized per init_kwargs (scalars broadcast to N_wells)
    inp['J'] = jnp.full((N_WELLS,), 1.0, dtype=jnp.float32)
    inp['anisotropy'] = jnp.full((N_WELLS,), 0.6, dtype=jnp.float32)
    inp['e_disorder'] = jnp.full((N_WELLS,), 0.1, dtype=jnp.float32) + 0.02 * jax.random.normal(k_e, (N_WELLS,), dtype=jnp.float32)
    inp['h_dis_x_flat'] = jnp.full((N_WELLS,), 0.01, dtype=jnp.float32) + 0.002 * jax.random.normal(k_hx, (N_WELLS,), dtype=jnp.float32)
    inp['h_dis_y_flat'] = jnp.full((N_WELLS,), 0.01, dtype=jnp.float32) + 0.002 * jax.random.normal(k_hy, (N_WELLS,), dtype=jnp.float32)
    inp['beta'] = jnp.full((N_WELLS,), 0.05, dtype=jnp.float32) + 0.005 * jax.random.normal(k_b, (N_WELLS,), dtype=jnp.float32)
    # periodic nearest-neighbor index maps on the 3D lattice
    inp['nn_idx_1'] = jnp.asarray(np.roll(idx, 1, axis=0).ravel(), dtype=jnp.int32)
    inp['nn_idx_2'] = jnp.asarray(np.roll(idx, -1, axis=0).ravel(), dtype=jnp.int32)
    inp['nn_idy_1'] = jnp.asarray(np.roll(idx, 1, axis=1).ravel(), dtype=jnp.int32)
    inp['nn_idy_2'] = jnp.asarray(np.roll(idx, -1, axis=1).ravel(), dtype=jnp.int32)
    inp['nn_idz_1'] = jnp.asarray(np.roll(idx, 1, axis=2).ravel(), dtype=jnp.int32)
    inp['nn_idz_2'] = jnp.asarray(np.roll(idx, -1, axis=2).ravel(), dtype=jnp.int32)
    return inp


def reference(t, y, J, anisotropy, e_disorder, h_dis_x_flat, h_dis_y_flat, beta,
              nn_idx_1, nn_idx_2, nn_idy_1, nn_idy_2, nn_idz_1, nn_idz_2):
    N = J.shape[0]
    x = y[:N]
    p = y[N:]
    def nn_sum(v):
        return (jnp.take(v, nn_idx_1) + jnp.take(v, nn_idx_2)
                + jnp.take(v, nn_idy_1) + jnp.take(v, nn_idy_2)
                + anisotropy * (jnp.take(v, nn_idz_1) + jnp.take(v, nn_idz_2)))
    dens = jnp.power(p, 2) + jnp.power(x, 2)
    dx = e_disorder * p - J * nn_sum(p) + h_dis_y_flat + beta * dens * p
    dp = -e_disorder * x + J * nn_sum(x) - h_dis_x_flat - beta * dens * x
    return jnp.concatenate([dx, dp], axis=0)

if __name__ == "__main__":
    import jax
    _d = setup_inputs()
    print(jax.jit(kernel)(*tuple(_d.values())))

</pallas_src>

<mosaic_0001>
#map = affine_map<(d0, d1) -> (0)>
module attributes {stable_mosaic.version = 14 : i64} {
  func.func @_sc_body(%arg0: i32, %arg1: i32, %arg2: memref<200000xf32, #tpu.memory_space<hbm>>, %arg3: memref<100000xf32, #tpu.memory_space<hbm>>, %arg4: memref<100000xf32, #tpu.memory_space<hbm>>, %arg5: memref<100000xf32, #tpu.memory_space<hbm>>, %arg6: memref<100000xf32, #tpu.memory_space<hbm>>, %arg7: memref<100000xf32, #tpu.memory_space<hbm>>, %arg8: memref<100000xf32, #tpu.memory_space<hbm>>, %arg9: memref<200000xf32, #tpu.memory_space<hbm>>, %arg10: memref<6000xf32, #tpu.memory_space<vmem>>, %arg11: memref<6000xf32, #tpu.memory_space<vmem>>, %arg12: memref<6000xf32, #tpu.memory_space<vmem>>, %arg13: memref<6000xf32, #tpu.memory_space<vmem>>, %arg14: memref<2000xf32, #tpu.memory_space<vmem>>, %arg15: memref<2000xf32, #tpu.memory_space<vmem>>, %arg16: memref<2000xf32, #tpu.memory_space<vmem>>, %arg17: memref<2000xf32, #tpu.memory_space<vmem>>, %arg18: memref<2000xf32, #tpu.memory_space<vmem>>, %arg19: memref<2000xf32, #tpu.memory_space<vmem>>, %arg20: memref<2000xf32, #tpu.memory_space<vmem>>, %arg21: memref<2000xf32, #tpu.memory_space<vmem>>, %arg22: memref<2000xf32, #tpu.memory_space<vmem>>, %arg23: memref<2000xf32, #tpu.memory_space<vmem>>, %arg24: memref<2000xf32, #tpu.memory_space<vmem>>, %arg25: memref<2000xf32, #tpu.memory_space<vmem>>, %arg26: memref<2000xf32, #tpu.memory_space<vmem>>, %arg27: memref<2000xf32, #tpu.memory_space<vmem>>, %arg28: memref<2000xf32, #tpu.memory_space<vmem>>, %arg29: memref<2000xf32, #tpu.memory_space<vmem>>, %arg30: memref<!tpu.dma_semaphore, #tpu.memory_space<semaphore_mem>>, %arg31: memref<!tpu.dma_semaphore, #tpu.memory_space<semaphore_mem>>, %arg32: memref<!tpu.dma_semaphore, #tpu.memory_space<semaphore_mem>>) attributes {dimension_semantics = [#tpu.dimension_semantics<core_parallel>, #tpu.dimension_semantics<subcore_parallel>], iteration_bounds = array<i64: 2, 16>, scalar_prefetch = 0 : i64, scratch_operands = 23 : i64, tpu.core_type = #tpu.core_type<sc_vector_subcore>, window_params = [{transform_indices = #map}, {transform_indices = #map}, {transform_indices = #map}, {transform_indices = #map}, {transform_indices = #map}, {transform_indices = #map}, {transform_indices = #map}, {transform_indices = #map}]} {
    %mul3A = arith.constant 2 : i32
    %mul3A_0 = arith.muli %arg1, %mul3A : i32
    %add3A = arith.addi %mul3A_0, %arg0 : i32
    %add3A_1 = arith.constant 32 : i32
    %add3A_2 = arith.addi %add3A, %add3A_1 : i32
    %mul3A_3 = arith.constant 2000 : i32
    %mul3A_4 = arith.muli %add3A, %mul3A_3 : i32
    %add3A_5 = arith.constant 50 : i32
    %add3A_6 = arith.addi %add3A, %add3A_5 : i32
    %sub3A = arith.constant 1 : i32
    %sub3A_7 = arith.subi %add3A_6, %sub3A : i32
    %rem3A = arith.constant 50 : i32
    %rem3A_8 = arith.remsi %sub3A_7, %rem3A : i32
    %mul3A_9 = arith.constant 2000 : i32
    %mul3A_10 = arith.muli %rem3A_8, %mul3A_9 : i32
    %add3A_11 = arith.constant 1 : i32
    %add3A_12 = arith.addi %add3A, %add3A_11 : i32
    %rem3A_13 = arith.constant 50 : i32
    %rem3A_14 = arith.remsi %add3A_12, %rem3A_13 : i32
    %mul3A_15 = arith.constant 2000 : i32
    %mul3A_16 = arith.muli %rem3A_14, %mul3A_15 : i32
    %add3A_17 = arith.constant 100000 : i32
    %add3A_18 = arith.addi %add3A_17, %mul3A_10 : i32
    %add3A_19 = arith.constant 100000 : i32
    %add3A_20 = arith.addi %add3A_19, %mul3A_4 : i32
    %add3A_21 = arith.constant 100000 : i32
    %add3A_22 = arith.addi %add3A_21, %mul3A_16 : i32
    %dma_start3A = arith.constant 0 : i32
    %dma_start3A_23 = tpu.memref_slice %arg10[%dma_start3A] : memref<6000xf32, #tpu.memory_space<vmem>> -> memref<2000xf32, #tpu.memory_space<vmem>>
    %dma_start3A_24 = tpu.memref_slice %arg2[%mul3A_10] : memref<200000xf32, #tpu.memory_space<hbm>> -> memref<2000xf32, #tpu.memory_space<hbm>>
    %dma_start3A_25 = arith.constant 0 : i32
    %dma_start3A_26 = tpu.memref_slice %arg10[%dma_start3A_25] : memref<6000xf32, #tpu.memory_space<vmem>> -> memref<2000xf32, #tpu.memory_space<vmem>>
    %dma_start3A_27 = tpu.memref_slice %arg2[%mul3A_10] : memref<200000xf32, #tpu.memory_space<hbm>> -> memref<2000xf32, #tpu.memory_space<hbm>>
    tpu.enqueue_dma source(%dma_start3A_27 : memref<2000xf32, #tpu.memory_space<hbm>>) target(%dma_start3A_26 : memref<2000xf32, #tpu.memory_space<vmem>>) target_semaphore(%arg30 : memref<!tpu.dma_semaphore, #tpu.memory_space<semaphore_mem>>)
    %dma_start3A_28 = arith.constant 2000 : i32
    %dma_start3A_29 = tpu.memref_slice %arg10[%dma_start3A_28] : memref<6000xf32, #tpu.memory_space<vmem>> -> memref<2000xf32, #tpu.memory_space<vmem>>
    %dma_start3A_30 = tpu.memref_slice %arg2[%mul3A_4] : memref<200000xf32, #tpu.memory_space<hbm>> -> memref<2000xf32, #tpu.memory_space<hbm>>
    %dma_start3A_31 = arith.constant 2000 : i32
    %dma_start3A_32 = tpu.memref_slice %arg10[%dma_start3A_31] : memref<6000xf32, #tpu.memory_space<vmem>> -> memref<2000xf32, #tpu.memory_space<vmem>>
    %dma_start3A_33 = tpu.memref_slice %arg2[%mul3A_4] : memref<200000xf32, #tpu.memory_space<hbm>> -> memref<2000xf32, #tpu.memory_space<hbm>>
    tpu.enqueue_dma source(%dma_start3A_33 : memref<2000xf32, #tpu.memory_space<hbm>>) target(%dma_start3A_32 : memref<2000xf32, #tpu.memory_space<vmem>>) target_semaphore(%arg30 : memref<!tpu.dma_semaphore, #tpu.memory_space<semaphore_mem>>)
    %dma_start3A_34 = arith.constant 4000 : i32
    %dma_start3A_35 = tpu.memref_slice %arg10[%dma_start3A_34] : memref<6000xf32, #tpu.memory_space<vmem>> -> memref<2000xf32, #tpu.memory_space<vmem>>
    %dma_start3A_36 = tpu.memref_slice %arg2[%mul3A_16] : memref<200000xf32, #tpu.memory_space<hbm>> -> memref<2000xf32, #tpu.memory_space<hbm>>
    %dma_start3A_37 = arith.constant 4000 : i32
    %dma_start3A_38 = tpu.memref_slice %arg10[%dma_start3A_37] : memref<6000xf32, #tpu.memory_space<vmem>> -> memref<2000xf32, #tpu.memory_space<vmem>>
    %dma_start3A_39 = tpu.memref_slice %arg2[%mul3A_16] : memref<200000xf32, #tpu.memory_space<hbm>> -> memref<2000xf32, #tpu.memory_space<hbm>>
    tpu.enqueue_dma source(%dma_start3A_39 : memref<2000xf32, #tpu.memory_space<hbm>>) target(%dma_start3A_38 : memref<2000xf32, #tpu.memory_space<vmem>>) target_semaphore(%arg30 : memref<!tpu.dma_semaphore, #tpu.memory_space<semaphore_mem>>)
    %dma_start3A_40 = arith.constant 0 : i32
    %dma_start3A_41 = tpu.memref_slice %arg11[%dma_start3A_40] : memref<6000xf32, #tpu.memory_space<vmem>> -> memref<2000xf32, #tpu.memory_space<vmem>>
    %dma_start3A_42 = tpu.memref_slice %arg2[%add3A_18] : memref<200000xf32, #tpu.memory_space<hbm>> -> memref<2000xf32, #tpu.memory_space<hbm>>
    %dma_start3A_43 = arith.constant 0 : i32
    %dma_start3A_44 = tpu.memref_slice %arg11[%dma_start3A_43] : memref<6000xf32, #tpu.memory_space<vmem>> -> memref<2000xf32, #tpu.memory_space<vmem>>
    %dma_start3A_45 = tpu.memref_slice %arg2[%add3A_18] : memref<200000xf32, #tpu.memory_space<hbm>> -> memref<2000xf32, #tpu.memory_space<hbm>>
    tpu.enqueue_dma source(%dma_start3A_45 : memref<2000xf32, #tpu.memory_space<hbm>>) target(%dma_start3A_44 : memref<2000xf32, #tpu.memory_space<vmem>>) target_semaphore(%arg30 : memref<!tpu.dma_semaphore, #tpu.memory_space<semaphore_mem>>)
    %dma_start3A_46 = arith.constant 2000 : i32
    %dma_start3A_47 = tpu.memref_slice %arg11[%dma_start3A_46] : memref<6000xf32, #tpu.memory_space<vmem>> -> memref<2000xf32, #tpu.memory_space<vmem>>
    %dma_start3A_48 = tpu.memref_slice %arg2[%add3A_20] : memref<200000xf32, #tpu.memory_space<hbm>> -> memref<2000xf32, #tpu.memory_space<hbm>>
    %dma_start3A_49 = arith.constant 2000 : i32
    %dma_start3A_50 = tpu.memref_slice %arg11[%dma_start3A_49] : memref<6000xf32, #tpu.memory_space<vmem>> -> memref<2000xf32, #tpu.memory_space<vmem>>
    %dma_start3A_51 = tpu.memref_slice %arg2[%add3A_20] : memref<200000xf32, #tpu.memory_space<hbm>> -> memref<2000xf32, #tpu.memory_space<hbm>>
    tpu.enqueue_dma source(%dma_start3A_51 : memref<2000xf32, #tpu.memory_space<hbm>>) target(%dma_start3A_50 : memref<2000xf32, #tpu.memory_space<vmem>>) target_semaphore(%arg30 : memref<!tpu.dma_semaphore, #tpu.memory_space<semaphore_mem>>)
    %dma_start3A_52 = arith.constant 4000 : i32
    %dma_start3A_53 = tpu.memref_slice %arg11[%dma_start3A_52] : memref<6000xf32, #tpu.memory_space<vmem>> -> memref<2000xf32, #tpu.memory_space<vmem>>
    %dma_start3A_54 = tpu.memref_slice %arg2[%add3A_22] : memref<200000xf32, #tpu.memory_space<hbm>> -> memref<2000xf32, #tpu.memory_space<hbm>>
    %dma_start3A_55 = arith.constant 4000 : i32
    %dma_start3A_56 = tpu.memref_slice %arg11[%dma_start3A_55] : memref<6000xf32, #tpu.memory_space<vmem>> -> memref<2000xf32, #tpu.memory_space<vmem>>
    %dma_start3A_57 = tpu.memref_slice %arg2[%add3A_22] : memref<200000xf32, #tpu.memory_space<hbm>> -> memref<2000xf32, #tpu.memory_space<hbm>>
    tpu.enqueue_dma source(%dma_start3A_57 : memref<2000xf32, #tpu.memory_space<hbm>>) target(%dma_start3A_56 : memref<2000xf32, #tpu.memory_space<vmem>>) target_semaphore(%arg30 : memref<!tpu.dma_semaphore, #tpu.memory_space<semaphore_mem>>)
    %dma_start3A_58 = tpu.memref_slice %arg5[%mul3A_4] : memref<100000xf32, #tpu.memory_space<hbm>> -> memref<2000xf32, #tpu.memory_space<hbm>>
    %dma_start3A_59 = tpu.memref_slice %arg5[%mul3A_4] : memref<100000xf32, #tpu.memory_space<hbm>> -> memref<2000xf32, #tpu.memory_space<hbm>>
    tpu.enqueue_dma source(%dma_start3A_59 : memref<2000xf32, #tpu.memory_space<hbm>>) target(%arg14 : memref<2000xf32, #tpu.memory_space<vmem>>) target_semaphore(%arg30 : memref<!tpu.dma_semaphore, #tpu.memory_space<semaphore_mem>>)
    %dma_start3A_60 = tpu.memref_slice %arg6[%mul3A_4] : memref<100000xf32, #tpu.memory_space<hbm>> -> memref<2000xf32, #tpu.memory_space<hbm>>
    %dma_start3A_61 = tpu.memref_slice %arg6[%mul3A_4] : memref<100000xf32, #tpu.memory_space<hbm>> -> memref<2000xf32, #tpu.memory_space<hbm>>
    tpu.enqueue_dma source(%dma_start3A_61 : memref<2000xf32, #tpu.memory_space<hbm>>) target(%arg15 : memref<2000xf32, #tpu.memory_space<vmem>>) target_semaphore(%arg30 : memref<!tpu.dma_semaphore, #tpu.memory_space<semaphore_mem>>)
    %dma_start3A_62 = tpu.memref_slice %arg7[%mul3A_4] : memref<100000xf32, #tpu.memory_space<hbm>> -> memref<2000xf32, #tpu.memory_space<hbm>>
    %dma_start3A_63 = tpu.memref_slice %arg7[%mul3A_4] : memref<100000xf32, #tpu.memory_space<hbm>> -> memref<2000xf32, #tpu.memory_space<hbm>>
    tpu.enqueue_dma source(%dma_start3A_63 : memref<2000xf32, #tpu.memory_space<hbm>>) target(%arg16 : memref<2000xf32, #tpu.memory_space<vmem>>) target_semaphore(%arg30 : memref<!tpu.dma_semaphore, #tpu.memory_space<semaphore_mem>>)
    %dma_start3A_64 = tpu.memref_slice %arg8[%mul3A_4] : memref<100000xf32, #tpu.memory_space<hbm>> -> memref<2000xf32, #tpu.memory_space<hbm>>
    %dma_start3A_65 = tpu.memref_slice %arg8[%mul3A_4] : memref<100000xf32, #tpu.memory_space<hbm>> -> memref<2000xf32, #tpu.memory_space<hbm>>
    tpu.enqueue_dma source(%dma_start3A_65 : memref<2000xf32, #tpu.memory_space<hbm>>) target(%arg17 : memref<2000xf32, #tpu.memory_space<vmem>>) target_semaphore(%arg30 : memref<!tpu.dma_semaphore, #tpu.memory_space<semaphore_mem>>)
    %dma_start3A_66 = tpu.memref_slice %arg3[%mul3A_4] : memref<100000xf32, #tpu.memory_space<hbm>> -> memref<2000xf32, #tpu.memory_space<hbm>>
    %dma_start3A_67 = tpu.memref_slice %arg3[%mul3A_4] : memref<100000xf32, #tpu.memory_space<hbm>> -> memref<2000xf32, #tpu.memory_space<hbm>>
    tpu.enqueue_dma source(%dma_start3A_67 : memref<2000xf32, #tpu.memory_space<hbm>>) target(%arg18 : memref<2000xf32, #tpu.memory_space<vmem>>) target_semaphore(%arg30 : memref<!tpu.dma_semaphore, #tpu.memory_space<semaphore_mem>>)
    %dma_start3A_68 = tpu.memref_slice %arg4[%mul3A_4] : memref<100000xf32, #tpu.memory_space<hbm>> -> memref<2000xf32, #tpu.memory_space<hbm>>
    %dma_start3A_69 = tpu.memref_slice %arg4[%mul3A_4] : memref<100000xf32, #tpu.memory_space<hbm>> -> memref<2000xf32, #tpu.memory_space<hbm>>
    tpu.enqueue_dma source(%dma_start3A_69 : memref<2000xf32, #tpu.memory_space<hbm>>) target(%arg19 : memref<2000xf32, #tpu.memory_space<vmem>>) target_semaphore(%arg30 : memref<!tpu.dma_semaphore, #tpu.memory_space<semaphore_mem>>)
    %lt3A = arith.constant 50 : i32
    %lt3A_70 = arith.cmpi slt, %add3A_2, %lt3A : i32
    %convert_element_type3A = arith.extui %lt3A_70 : i1 to i32
    %cond3A = arith.constant 0 : i32
    %cond3A_71 = arith.cmpi ne, %convert_element_type3A, %cond3A : i32
    scf.if %cond3A_71 {
      %mul3A_143 = arith.constant 2000 : i32
      %mul3A_144 = arith.muli %add3A_2, %mul3A_143 : i32
      %add3A_145 = arith.constant 50 : i32
      %add3A_146 = arith.addi %add3A_2, %add3A_145 : i32
      %sub3A_147 = arith.constant 1 : i32
      %sub3A_148 = arith.subi %add3A_146, %sub3A_147 : i32
      %rem3A_149 = arith.constant 50 : i32
      %rem3A_150 = arith.remsi %sub3A_148, %rem3A_149 : i32
      %mul3A_151 = arith.constant 2000 : i32
      %mul3A_152 = arith.muli %rem3A_150, %mul3A_151 : i32
      %add3A_153 = arith.constant 1 : i32
      %add3A_154 = arith.addi %add3A_2, %add3A_153 : i32
      %rem3A_155 = arith.constant 50 : i32
      %rem3A_156 = arith.remsi %add3A_154, %rem3A_155 : i32
      %mul3A_157 = arith.constant 2000 : i32
      %mul3A_158 = arith.muli %rem3A_156, %mul3A_157 : i32
      %add3A_159 = arith.constant 100000 : i32
      %add3A_160 = arith.addi %add3A_159, %mul3A_152 : i32
      %add3A_161 = arith.constant 100000 : i32
      %add3A_162 = arith.addi %add3A_161, %mul3A_144 : i32
      %add3A_163 = arith.constant 100000 : i32
      %add3A_164 = arith.addi %add3A_163, %mul3A_158 : i32
      %dma_start3A_165 = arith.constant 0 : i32
      %dma_start3A_166 = tpu.memref_slice %arg12[%dma_start3A_165] : memref<6000xf32, #tpu.memory_space<vmem>> -> memref<2000xf32, #tpu.memory_space<vmem>>
      %dma_start3A_167 = tpu.memref_slice %arg2[%mul3A_152] : memref<200000xf32, #tpu.memory_space<hbm>> -> memref<2000xf32, #tpu.memory_space<hbm>>
      %dma_start3A_168 = arith.constant 0 : i32
      %dma_start3A_169 = tpu.memref_slice %arg12[%dma_start3A_168] : memref<6000xf32, #tpu.memory_space<vmem>> -> memref<2000xf32, #tpu.memory_space<vmem>>
      %dma_start3A_170 = tpu.memref_slice %arg2[%mul3A_152] : memref<200000xf32, #tpu.memory_space<hbm>> -> memref<2000xf32, #tpu.memory_space<hbm>>
      tpu.enqueue_dma source(%dma_start3A_170 : memref<2000xf32, #tpu.memory_space<hbm>>) target(%dma_start3A_169 : memref<2000xf32, #tpu.memory_space<vmem>>) target_semaphore(%arg31 : memref<!tpu.dma_semaphore, #tpu.memory_space<semaphore_mem>>)
      %dma_start3A_171 = arith.constant 2000 : i32
      %dma_start3A_172 = tpu.memref_slice %arg12[%dma_start3A_171] : memref<6000xf32, #tpu.memory_space<vmem>> -> memref<2000xf32, #tpu.memory_space<vmem>>
      %dma_start3A_173 = tpu.memref_slice %arg2[%mul3A_144] : memref<200000xf32, #tpu.memory_space<hbm>> -> memref<2000xf32, #tpu.memory_space<hbm>>
      %dma_start3A_174 = arith.constant 2000 : i32
      %dma_start3A_175 = tpu.memref_slice %arg12[%dma_start3A_174] : memref<6000xf32, #tpu.memory_space<vmem>> -> memref<2000xf32, #tpu.memory_space<vmem>>
      %dma_start3A_176 = tpu.memref_slice %arg2[%mul3A_144] : memref<200000xf32, #tpu.memory_space<hbm>> -> memref<2000xf32, #tpu.memory_space<hbm>>
      tpu.enqueue_dma source(%dma_start3A_176 : memref<2000xf32, #tpu.memory_space<hbm>>) target(%dma_start3A_175 : memref<2000xf32, #tpu.memory_space<vmem>>) target_semaphore(%arg31 : memref<!tpu.dma_semaphore, #tpu.memory_space<semaphore_mem>>)
      %dma_start3A_177 = arith.constant 4000 : i32
      %dma_start3A_178 = tpu.memref_slice %arg12[%dma_start3A_177] : memref<6000xf32, #tpu.memory_space<vmem>> -> memref<2000xf32, #tpu.memory_space<vmem>>
      %dma_start3A_179 = tpu.memref_slice %arg2[%mul3A_158] : memref<200000xf32, #tpu.memory_space<hbm>> -> memref<2000xf32, #tpu.memory_space<hbm>>
      %dma_start3A_180 = arith.constant 4000 : i32
      %dma_start3A_181 = tpu.memref_slice %arg12[%dma_start3A_180] : memref<6000xf32, #tpu.memory_space<vmem>> -> memref<2000xf32, #tpu.memory_space<vmem>>
      %dma_start3A_182 = tpu.memref_slice %arg2[%mul3A_158] : memref<200000xf32, #tpu.memory_space<hbm>> -> memref<2000xf32, #tpu.memory_space<hbm>>
      tpu.enqueue_dma source(%dma_start3A_182 : memref<2000xf32, #tpu.memory_space<hbm>>) target(%dma_start3A_181 : memref<2000xf32, #tpu.memory_space<vmem>>) target_semaphore(%arg31 : memref<!tpu.dma_semaphore, #tpu.memory_space<semaphore_mem>>)
      %dma_start3A_183 = arith.constant 0 : i32
      %dma_start3A_184 = tpu.memref_slice %arg13[%dma_start3A_183] : memref<6000xf32, #tpu.memory_space<vmem>> -> memref<2000xf32, #tpu.memory_space<vmem>>
      %dma_start3A_185 = tpu.memref_slice %arg2[%add3A_160] : memref<200000xf32, #tpu.memory_space<hbm>> -> memref<2000xf32, #tpu.memory_space<hbm>>
      %dma_start3A_186 = arith.constant 0 : i32
      %dma_start3A_187 = tpu.memref_slice %arg13[%dma_start3A_186] : memref<6000xf32, #tpu.memory_space<vmem>> -> memref<2000xf32, #tpu.memory_space<vmem>>
      %dma_start3A_188 = tpu.memref_slice %arg2[%add3A_160] : memref<200000xf32, #tpu.memory_space<hbm>> -> memref<2000xf32, #tpu.memory_space<hbm>>
      tpu.enqueue_dma source(%dma_start3A_188 : memref<2000xf32, #tpu.memory_space<hbm>>) target(%dma_start3A_187 : memref<2000xf32, #tpu.memory_space<vmem>>) target_semaphore(%arg31 : memref<!tpu.dma_semaphore, #tpu.memory_space<semaphore_mem>>)
      %dma_start3A_189 = arith.constant 2000 : i32
      %dma_start3A_190 = tpu.memref_slice %arg13[%dma_start3A_189] : memref<6000xf32, #tpu.memory_space<vmem>> -> memref<2000xf32, #tpu.memory_space<vmem>>
      %dma_start3A_191 = tpu.memref_slice %arg2[%add3A_162] : memref<200000xf32, #tpu.memory_space<hbm>> -> memref<2000xf32, #tpu.memory_space<hbm>>
      %dma_start3A_192 = arith.constant 2000 : i32
      %dma_start3A_193 = tpu.memref_slice %arg13[%dma_start3A_192] : memref<6000xf32, #tpu.memory_space<vmem>> -> memref<2000xf32, #tpu.memory_space<vmem>>
      %dma_start3A_194 = tpu.memref_slice %arg2[%add3A_162] : memref<200000xf32, #tpu.memory_space<hbm>> -> memref<2000xf32, #tpu.memory_space<hbm>>
      tpu.enqueue_dma source(%dma_start3A_194 : memref<2000xf32, #tpu.memory_space<hbm>>) target(%dma_start3A_193 : memref<2000xf32, #tpu.memory_space<vmem>>) target_semaphore(%arg31 : memref<!tpu.dma_semaphore, #tpu.memory_space<semaphore_mem>>)
      %dma_start3A_195 = arith.constant 4000 : i32
      %dma_start3A_196 = tpu.memref_slice %arg13[%dma_start3A_195] : memref<6000xf32, #tpu.memory_space<vmem>> -> memref<2000xf32, #tpu.memory_space<vmem>>
      %dma_start3A_197 = tpu.memref_slice %arg2[%add3A_164] : memref<200000xf32, #tpu.memory_space<hbm>> -> memref<2000xf32, #tpu.memory_space<hbm>>
      %dma_start3A_198 = arith.constant 4000 : i32
      %dma_start3A_199 = tpu.memref_slice %arg13[%dma_start3A_198] : memref<6000xf32, #tpu.memory_space<vmem>> -> memref<2000xf32, #tpu.memory_space<vmem>>
      %dma_start3A_200 = tpu.memref_slice %arg2[%add3A_164] : memref<200000xf32, #tpu.memory_space<hbm>> -> memref<2000xf32, #tpu.memory_space<hbm>>
      tpu.enqueue_dma source(%dma_start3A_200 : memref<2000xf32, #tpu.memory_space<hbm>>) target(%dma_start3A_199 : memref<2000xf32, #tpu.memory_space<vmem>>) target_semaphore(%arg31 : memref<!tpu.dma_semaphore, #tpu.memory_space<semaphore_mem>>)
      %dma_start3A_201 = tpu.memref_slice %arg5[%mul3A_144] : memref<100000xf32, #tpu.memory_space<hbm>> -> memref<2000xf32, #tpu.memory_space<hbm>>
      %dma_start3A_202 = tpu.memref_slice %arg5[%mul3A_144] : memref<100000xf32, #tpu.memory_space<hbm>> -> memref<2000xf32, #tpu.memory_space<hbm>>
      tpu.enqueue_dma source(%dma_start3A_202 : memref<2000xf32, #tpu.memory_space<hbm>>) target(%arg20 : memref<2000xf32, #tpu.memory_space<vmem>>) target_semaphore(%arg31 : memref<!tpu.dma_semaphore, #tpu.memory_space<semaphore_mem>>)
      %dma_start3A_203 = tpu.memref_slice %arg6[%mul3A_144] : memref<100000xf32, #tpu.memory_space<hbm>> -> memref<2000xf32, #tpu.memory_space<hbm>>
      %dma_start3A_204 = tpu.memref_slice %arg6[%mul3A_144] : memref<100000xf32, #tpu.memory_space<hbm>> -> memref<2000xf32, #tpu.memory_space<hbm>>
      tpu.enqueue_dma source(%dma_start3A_204 : memref<2000xf32, #tpu.memory_space<hbm>>) target(%arg21 : memref<2000xf32, #tpu.memory_space<vmem>>) target_semaphore(%arg31 : memref<!tpu.dma_semaphore, #tpu.memory_space<semaphore_mem>>)
      %dma_start3A_205 = tpu.memref_slice %arg7[%mul3A_144] : memref<100000xf32, #tpu.memory_space<hbm>> -> memref<2000xf32, #tpu.memory_space<hbm>>
      %dma_start3A_206 = tpu.memref_slice %arg7[%mul3A_144] : memref<100000xf32, #tpu.memory_space<hbm>> -> memref<2000xf32, #tpu.memory_space<hbm>>
      tpu.enqueue_dma source(%dma_start3A_206 : memref<2000xf32, #tpu.memory_space<hbm>>) target(%arg22 : memref<2000xf32, #tpu.memory_space<vmem>>) target_semaphore(%arg31 : memref<!tpu.dma_semaphore, #tpu.memory_space<semaphore_mem>>)
      %dma_start3A_207 = tpu.memref_slice %arg8[%mul3A_144] : memref<100000xf32, #tpu.memory_space<hbm>> -> memref<2000xf32, #tpu.memory_space<hbm>>
      %dma_start3A_208 = tpu.memref_slice %arg8[%mul3A_144] : memref<100000xf32, #tpu.memory_space<hbm>> -> memref<2000xf32, #tpu.memory_space<hbm>>
      tpu.enqueue_dma source(%dma_start3A_208 : memref<2000xf32, #tpu.memory_space<hbm>>) target(%arg23 : memref<2000xf32, #tpu.memory_space<vmem>>) target_semaphore(%arg31 : memref<!tpu.dma_semaphore, #tpu.memory_space<semaphore_mem>>)
      %dma_start3A_209 = tpu.memref_slice %arg3[%mul3A_144] : memref<100000xf32, #tpu.memory_space<hbm>> -> memref<2000xf32, #tpu.memory_space<hbm>>
      %dma_start3A_210 = tpu.memref_slice %arg3[%mul3A_144] : memref<100000xf32, #tpu.memory_space<hbm>> -> memref<2000xf32, #tpu.memory_space<hbm>>
      tpu.enqueue_dma source(%dma_start3A_210 : memref<2000xf32, #tpu.memory_space<hbm>>) target(%arg24 : memref<2000xf32, #tpu.memory_space<vmem>>) target_semaphore(%arg31 : memref<!tpu.dma_semaphore, #tpu.memory_space<semaphore_mem>>)
      %dma_start3A_211 = tpu.memref_slice %arg4[%mul3A_144] : memref<100000xf32, #tpu.memory_space<hbm>> -> memref<2000xf32, #tpu.memory_space<hbm>>
      %dma_start3A_212 = tpu.memref_slice %arg4[%mul3A_144] : memref<100000xf32, #tpu.memory_space<hbm>> -> memref<2000xf32, #tpu.memory_space<hbm>>
      tpu.enqueue_dma source(%dma_start3A_212 : memref<2000xf32, #tpu.memory_space<hbm>>) target(%arg25 : memref<2000xf32, #tpu.memory_space<vmem>>) target_semaphore(%arg31 : memref<!tpu.dma_semaphore, #tpu.memory_space<semaphore_mem>>)
    } else {
    }
    %dma_wait3A = arith.constant 0 : i32
    %dma_wait3A_72 = tpu.memref_slice %arg10[%dma_wait3A] : memref<6000xf32, #tpu.memory_space<vmem>> -> memref<2000xf32, #tpu.memory_space<vmem>>
    %dma_wait3A_73 = tpu.memref_slice %arg2[%mul3A_10] : memref<200000xf32, #tpu.memory_space<hbm>> -> memref<2000xf32, #tpu.memory_space<hbm>>
    %dma_wait3A_74 = arith.constant 0 : i32
    %dma_wait3A_75 = tpu.memref_slice %arg10[%dma_wait3A_74] : memref<6000xf32, #tpu.memory_space<vmem>> -> memref<2000xf32, #tpu.memory_space<vmem>>
    %dma_wait3A_76 = tpu.memref_slice %arg2[%mul3A_10] : memref<200000xf32, #tpu.memory_space<hbm>> -> memref<2000xf32, #tpu.memory_space<hbm>>
    tpu.wait_dma2 semaphore(%arg30 : memref<!tpu.dma_semaphore, #tpu.memory_space<semaphore_mem>>) src(%dma_wait3A_76 : memref<2000xf32, #tpu.memory_space<hbm>>) dst(%dma_wait3A_75 : memref<2000xf32, #tpu.memory_space<vmem>>)
    %dma_wait3A_77 = arith.constant 2000 : i32
    %dma_wait3A_78 = tpu.memref_slice %arg10[%dma_wait3A_77] : memref<6000xf32, #tpu.memory_space<vmem>> -> memref<2000xf32, #tpu.memory_space<vmem>>
    %dma_wait3A_79 = tpu.memref_slice %arg2[%mul3A_4] : memref<200000xf32, #tpu.memory_space<hbm>> -> memref<2000xf32, #tpu.memory_space<hbm>>
    %dma_wait3A_80 = arith.constant 2000 : i32
    %dma_wait3A_81 = tpu.memref_slice %arg10[%dma_wait3A_80] : memref<6000xf32, #tpu.memory_space<vmem>> -> memref<2000xf32, #tpu.memory_space<vmem>>
    %dma_wait3A_82 = tpu.memref_slice %arg2[%mul3A_4] : memref<200000xf32, #tpu.memory_space<hbm>> -> memref<2000xf32, #tpu.memory_space<hbm>>
    tpu.wait_dma2 semaphore(%arg30 : memref<!tpu.dma_semaphore, #tpu.memory_space<semaphore_mem>>) src(%dma_wait3A_82 : memref<2000xf32, #tpu.memory_space<hbm>>) dst(%dma_wait3A_81 : memref<2000xf32, #tpu.memory_space<vmem>>)
    %dma_wait3A_83 = arith.constant 4000 : i32
    %dma_wait3A_84 = tpu.memref_slice %arg10[%dma_wait3A_83] : memref<6000xf32, #tpu.memory_space<vmem>> -> memref<2000xf32, #tpu.memory_space<vmem>>
    %dma_wait3A_85 = tpu.memref_slice %arg2[%mul3A_16] : memref<200000xf32, #tpu.memory_space<hbm>> -> memref<2000xf32, #tpu.memory_space<hbm>>
    %dma_wait3A_86 = arith.constant 4000 : i32
    %dma_wait3A_87 = tpu.memref_slice %arg10[%dma_wait3A_86] : memref<6000xf32, #tpu.memory_space<vmem>> -> memref<2000xf32, #tpu.memory_space<vmem>>
    %dma_wait3A_88 = tpu.memref_slice %arg2[%mul3A_16] : memref<200000xf32, #tpu.memory_space<hbm>> -> memref<2000xf32, #tpu.memory_space<hbm>>
    tpu.wait_dma2 semaphore(%arg30 : memref<!tpu.dma_semaphore, #tpu.memory_space<semaphore_mem>>) src(%dma_wait3A_88 : memref<2000xf32, #tpu.memory_space<hbm>>) dst(%dma_wait3A_87 : memref<2000xf32, #tpu.memory_space<vmem>>)
    %dma_wait3A_89 = arith.constant 0 : i32
    %dma_wait3A_90 = tpu.memref_slice %arg11[%dma_wait3A_89] : memref<6000xf32, #tpu.memory_space<vmem>> -> memref<2000xf32, #tpu.memory_space<vmem>>
    %dma_wait3A_91 = tpu.memref_slice %arg2[%add3A_18] : memref<200000xf32, #tpu.memory_space<hbm>> -> memref<2000xf32, #tpu.memory_space<hbm>>
    %dma_wait3A_92 = arith.constant 0 : i32
    %dma_wait3A_93 = tpu.memref_slice %arg11[%dma_wait3A_92] : memref<6000xf32, #tpu.memory_space<vmem>> -> memref<2000xf32, #tpu.memory_space<vmem>>
    %dma_wait3A_94 = tpu.memref_slice %arg2[%add3A_18] : memref<200000xf32, #tpu.memory_space<hbm>> -> memref<2000xf32, #tpu.memory_space<hbm>>
    tpu.wait_dma2 semaphore(%arg30 : memref<!tpu.dma_semaphore, #tpu.memory_space<semaphore_mem>>) src(%dma_wait3A_94 : memref<2000xf32, #tpu.memory_space<hbm>>) dst(%dma_wait3A_93 : memref<2000xf32, #tpu.memory_space<vmem>>)
    %dma_wait3A_95 = arith.constant 2000 : i32
    %dma_wait3A_96 = tpu.memref_slice %arg11[%dma_wait3A_95] : memref<6000xf32, #tpu.memory_space<vmem>> -> memref<2000xf32, #tpu.memory_space<vmem>>
    %dma_wait3A_97 = tpu.memref_slice %arg2[%add3A_20] : memref<200000xf32, #tpu.memory_space<hbm>> -> memref<2000xf32, #tpu.memory_space<hbm>>
    %dma_wait3A_98 = arith.constant 2000 : i32
    %dma_wait3A_99 = tpu.memref_slice %arg11[%dma_wait3A_98] : memref<6000xf32, #tpu.memory_space<vmem>> -> memref<2000xf32, #tpu.memory_space<vmem>>
    %dma_wait3A_100 = tpu.memref_slice %arg2[%add3A_20] : memref<200000xf32, #tpu.memory_space<hbm>> -> memref<2000xf32, #tpu.memory_space<hbm>>
    tpu.wait_dma2 semaphore(%arg30 : memref<!tpu.dma_semaphore, #tpu.memory_space<semaphore_mem>>) src(%dma_wait3A_100 : memref<2000xf32, #tpu.memory_space<hbm>>) dst(%dma_wait3A_99 : memref<2000xf32, #tpu.memory_space<vmem>>)
    %dma_wait3A_101 = arith.constant 4000 : i32
    %dma_wait3A_102 = tpu.memref_slice %arg11[%dma_wait3A_101] : memref<6000xf32, #tpu.memory_space<vmem>> -> memref<2000xf32, #tpu.memory_space<vmem>>
    %dma_wait3A_103 = tpu.memref_slice %arg2[%add3A_22] : memref<200000xf32, #tpu.memory_space<hbm>> -> memref<2000xf32, #tpu.memory_space<hbm>>
    %dma_wait3A_104 = arith.constant 4000 : i32
    %dma_wait3A_105 = tpu.memref_slice %arg11[%dma_wait3A_104] : memref<6000xf32, #tpu.memory_space<vmem>> -> memref<2000xf32, #tpu.memory_space<vmem>>
    %dma_wait3A_106 = tpu.memref_slice %arg2[%add3A_22] : memref<200000xf32, #tpu.memory_space<hbm>> -> memref<2000xf32, #tpu.memory_space<hbm>>
    tpu.wait_dma2 semaphore(%arg30 : memref<!tpu.dma_semaphore, #tpu.memory_space<semaphore_mem>>) src(%dma_wait3A_106 : memref<2000xf32, #tpu.memory_space<hbm>>) dst(%dma_wait3A_105 : memref<2000xf32, #tpu.memory_space<vmem>>)
    %dma_wait3A_107 = tpu.memref_slice %arg5[%mul3A_4] : memref<100000xf32, #tpu.memory_space<hbm>> -> memref<2000xf32, #tpu.memory_space<hbm>>
    %dma_wait3A_108 = tpu.memref_slice %arg5[%mul3A_4] : memref<100000xf32, #tpu.memory_space<hbm>> -> memref<2000xf32, #tpu.memory_space<hbm>>
    tpu.wait_dma2 semaphore(%arg30 : memref<!tpu.dma_semaphore, #tpu.memory_space<semaphore_mem>>) src(%dma_wait3A_108 : memref<2000xf32, #tpu.memory_space<hbm>>) dst(%arg14 : memref<2000xf32, #tpu.memory_space<vmem>>)
    %dma_wait3A_109 = tpu.memref_slice %arg6[%mul3A_4] : memref<100000xf32, #tpu.memory_space<hbm>> -> memref<2000xf32, #tpu.memory_space<hbm>>
    %dma_wait3A_110 = tpu.memref_slice %arg6[%mul3A_4] : memref<100000xf32, #tpu.memory_space<hbm>> -> memref<2000xf32, #tpu.memory_space<hbm>>
    tpu.wait_dma2 semaphore(%arg30 : memref<!tpu.dma_semaphore, #tpu.memory_space<semaphore_mem>>) src(%dma_wait3A_110 : memref<2000xf32, #tpu.memory_space<hbm>>) dst(%arg15 : memref<2000xf32, #tpu.memory_space<vmem>>)
    %dma_wait3A_111 = tpu.memref_slice %arg7[%mul3A_4] : memref<100000xf32, #tpu.memory_space<hbm>> -> memref<2000xf32, #tpu.memory_space<hbm>>
    %dma_wait3A_112 = tpu.memref_slice %arg7[%mul3A_4] : memref<100000xf32, #tpu.memory_space<hbm>> -> memref<2000xf32, #tpu.memory_space<hbm>>
    tpu.wait_dma2 semaphore(%arg30 : memref<!tpu.dma_semaphore, #tpu.memory_space<semaphore_mem>>) src(%dma_wait3A_112 : memref<2000xf32, #tpu.memory_space<hbm>>) dst(%arg16 : memref<2000xf32, #tpu.memory_space<vmem>>)
    %dma_wait3A_113 = tpu.memref_slice %arg8[%mul3A_4] : memref<100000xf32, #tpu.memory_space<hbm>> -> memref<2000xf32, #tpu.memory_space<hbm>>
    %dma_wait3A_114 = tpu.memref_slice %arg8[%mul3A_4] : memref<100000xf32, #tpu.memory_space<hbm>> -> memref<2000xf32, #tpu.memory_space<hbm>>
    tpu.wait_dma2 semaphore(%arg30 : memref<!tpu.dma_semaphore, #tpu.memory_space<semaphore_mem>>) src(%dma_wait3A_114 : memref<2000xf32, #tpu.memory_space<hbm>>) dst(%arg17 : memref<2000xf32, #tpu.memory_space<vmem>>)
    %dma_wait3A_115 = tpu.memref_slice %arg3[%mul3A_4] : memref<100000xf32, #tpu.memory_space<hbm>> -> memref<2000xf32, #tpu.memory_space<hbm>>
    %dma_wait3A_116 = tpu.memref_slice %arg3[%mul3A_4] : memref<100000xf32, #tpu.memory_space<hbm>> -> memref<2000xf32, #tpu.memory_space<hbm>>
    tpu.wait_dma2 semaphore(%arg30 : memref<!tpu.dma_semaphore, #tpu.memory_space<semaphore_mem>>) src(%dma_wait3A_116 : memref<2000xf32, #tpu.memory_space<hbm>>) dst(%arg18 : memref<2000xf32, #tpu.memory_space<vmem>>)
    %dma_wait3A_117 = tpu.memref_slice %arg4[%mul3A_4] : memref<100000xf32, #tpu.memory_space<hbm>> -> memref<2000xf32, #tpu.memory_space<hbm>>
    %dma_wait3A_118 = tpu.memref_slice %arg4[%mul3A_4] : memref<100000xf32, #tpu.memory_space<hbm>> -> memref<2000xf32, #tpu.memory_space<hbm>>
    tpu.wait_dma2 semaphore(%arg30 : memref<!tpu.dma_semaphore, #tpu.memory_space<semaphore_mem>>) src(%dma_wait3A_118 : memref<2000xf32, #tpu.memory_space<hbm>>) dst(%arg19 : memref<2000xf32, #tpu.memory_space<vmem>>)
    %iota3A = tpu.iota {dimensions = array<i32: 0>} : vector<16xi32>
    %parallel_loop3A = arith.constant 0 : i32
    %parallel_loop3A_119 = arith.constant 25 : i32
    %parallel_loop3A_120 = arith.constant 1 : i32
    scf.for %parallel_loop3A_143 = %parallel_loop3A to %parallel_loop3A_119 step %parallel_loop3A_120  : i32 {
      %parallel_loop3A_144 = arith.constant 80 : i32
      %parallel_loop3A_145 = arith.muli %parallel_loop3A_143, %parallel_loop3A_144 : i32
      %parallel_loop3A_146 = arith.constant 0 : i32
      %parallel_loop3A_147 = arith.addi %parallel_loop3A_145, %parallel_loop3A_146 : i32
      %parallel_loop3A_148 = arith.constant 2000 : i32
      %parallel_loop3A_149 = arith.addi %parallel_loop3A_148, %parallel_loop3A_147 : i32
      %parallel_loop3A_150 = arith.constant 4000 : i32
      %parallel_loop3A_151 = arith.addi %parallel_loop3A_150, %parallel_loop3A_147 : i32
      %parallel_loop3A_152 = vector.broadcast %parallel_loop3A_147 : i32 to vector<16xi32>
      %parallel_loop3A_153 = arith.addi %parallel_loop3A_152, %iota3A : vector<16xi32>
      %parallel_loop3A_154 = arith.constant 1960 : i32
      %parallel_loop3A_155 = vector.broadcast %parallel_loop3A_154 : i32 to vector<16xi32>
      %parallel_loop3A_156 = arith.addi %parallel_loop3A_153, %parallel_loop3A_155 : vector<16xi32>
      %parallel_loop3A_157 = arith.constant 40 : i32
      %parallel_loop3A_158 = vector.broadcast %parallel_loop3A_157 : i32 to vector<16xi32>
      %parallel_loop3A_159 = arith.cmpi slt, %parallel_loop3A_153, %parallel_loop3A_158 : vector<16xi32>
      %parallel_loop3A_160 = arith.constant 2000 : i32
      %parallel_loop3A_161 = arith.constant 0 : i32
      %parallel_loop3A_162 = vector.broadcast %parallel_loop3A_160 : i32 to vector<16xi32>
      %parallel_loop3A_163 = vector.broadcast %parallel_loop3A_161 : i32 to vector<16xi32>
      %parallel_loop3A_164 = arith.select %parallel_loop3A_159, %parallel_loop3A_162, %parallel_loop3A_163 : vector<16xi1>, vector<16xi32>
      %parallel_loop3A_165 = arith.addi %parallel_loop3A_156, %parallel_loop3A_164 : vector<16xi32>
      %parallel_loop3A_166 = arith.constant 2040 : i32
      %parallel_loop3A_167 = vector.broadcast %parallel_loop3A_166 : i32 to vector<16xi32>
      %parallel_loop3A_168 = arith.addi %parallel_loop3A_153, %parallel_loop3A_167 : vector<16xi32>
      %parallel_loop3A_169 = arith.constant 1960 : i32
      %parallel_loop3A_170 = vector.broadcast %parallel_loop3A_169 : i32 to vector<16xi32>
      %parallel_loop3A_171 = arith.cmpi sge, %parallel_loop3A_153, %parallel_loop3A_170 : vector<16xi32>
      %parallel_loop3A_172 = arith.constant 2000 : i32
      %parallel_loop3A_173 = arith.constant 0 : i32
      %parallel_loop3A_174 = vector.broadcast %parallel_loop3A_172 : i32 to vector<16xi32>
      %parallel_loop3A_175 = vector.broadcast %parallel_loop3A_173 : i32 to vector<16xi32>
      %parallel_loop3A_176 = arith.select %parallel_loop3A_171, %parallel_loop3A_174, %parallel_loop3A_175 : vector<16xi1>, vector<16xi32>
      %parallel_loop3A_177 = arith.subi %parallel_loop3A_168, %parallel_loop3A_176 : vector<16xi32>
      %parallel_loop3A_178 = arith.constant 1999 : i32
      %parallel_loop3A_179 = vector.broadcast %parallel_loop3A_178 : i32 to vector<16xi32>
      %parallel_loop3A_180 = arith.addi %parallel_loop3A_153, %parallel_loop3A_179 : vector<16xi32>
      %parallel_loop3A_181 = arith.constant 0 : i32
      %parallel_loop3A_182 = vector.broadcast %parallel_loop3A_181 : i32 to vector<16xi32>
      %parallel_loop3A_183 = arith.cmpi eq, %iota3A, %parallel_loop3A_182 : vector<16xi32>
      %parallel_loop3A_184 = arith.constant 40 : i32
      %parallel_loop3A_185 = arith.constant 0 : i32
      %parallel_loop3A_186 = vector.broadcast %parallel_loop3A_184 : i32 to vector<16xi32>
      %parallel_loop3A_187 = vector.broadcast %parallel_loop3A_185 : i32 to vector<16xi32>
      %parallel_loop3A_188 = arith.select %parallel_loop3A_183, %parallel_loop3A_186, %parallel_loop3A_187 : vector<16xi1>, vector<16xi32>
      %parallel_loop3A_189 = arith.addi %parallel_loop3A_180, %parallel_loop3A_188 : vector<16xi32>
      %parallel_loop3A_190 = arith.constant 2001 : i32
      %parallel_loop3A_191 = vector.broadcast %parallel_loop3A_190 : i32 to vector<16xi32>
      %parallel_loop3A_192 = arith.addi %parallel_loop3A_153, %parallel_loop3A_191 : vector<16xi32>
      %parallel_loop3A_193 = arith.index_cast %parallel_loop3A_147 : i32 to index
      %parallel_loop3A_194 = tpu.vector_load %arg19[%parallel_loop3A_193] {strides = array<i32>} : memref<2000xf32, #tpu.memory_space<vmem>>, vector<16xf32>,
      %parallel_loop3A_195 = arith.index_cast %parallel_loop3A_147 : i32 to index
      %parallel_loop3A_196 = tpu.vector_load %arg11[%parallel_loop3A_195] {strides = array<i32>} : memref<6000xf32, #tpu.memory_space<vmem>>, vector<16xf32>,
      %parallel_loop3A_197 = arith.index_cast %parallel_loop3A_151 : i32 to index
      %parallel_loop3A_198 = tpu.vector_load %arg11[%parallel_loop3A_197] {strides = array<i32>} : memref<6000xf32, #tpu.memory_space<vmem>>, vector<16xf32>,
      %parallel_loop3A_199 = arith.addf %parallel_loop3A_196, %parallel_loop3A_198 : vector<16xf32>
      %parallel_loop3A_200 = tpu.vector_load_idx %arg11[%parallel_loop3A_165] : memref<6000xf32, #tpu.memory_space<vmem>>[vector<16xi32>], vector<16xf32>,
      %parallel_loop3A_201 = arith.addf %parallel_loop3A_199, %parallel_loop3A_200 : vector<16xf32>
      %parallel_loop3A_202 = tpu.vector_load_idx %arg11[%parallel_loop3A_177] : memref<6000xf32, #tpu.memory_space<vmem>>[vector<16xi32>], vector<16xf32>,
      %parallel_loop3A_203 = arith.addf %parallel_loop3A_201, %parallel_loop3A_202 : vector<16xf32>
      %parallel_loop3A_204 = tpu.vector_load_idx %arg11[%parallel_loop3A_189] : memref<6000xf32, #tpu.memory_space<vmem>>[vector<16xi32>], vector<16xf32>,
      %parallel_loop3A_205 = tpu.vector_load_idx %arg11[%parallel_loop3A_192] : memref<6000xf32, #tpu.memory_space<vmem>>[vector<16xi32>], vector<16xf32>,
      %parallel_loop3A_206 = arith.addf %parallel_loop3A_204, %parallel_loop3A_205 : vector<16xf32>
      %parallel_loop3A_207 = arith.mulf %parallel_loop3A_194, %parallel_loop3A_206 : vector<16xf32>
      %parallel_loop3A_208 = arith.addf %parallel_loop3A_203, %parallel_loop3A_207 : vector<16xf32>
      %parallel_loop3A_209 = arith.index_cast %parallel_loop3A_147 : i32 to index
      %parallel_loop3A_210 = tpu.vector_load %arg10[%parallel_loop3A_209] {strides = array<i32>} : memref<6000xf32, #tpu.memory_space<vmem>>, vector<16xf32>,
      %parallel_loop3A_211 = arith.index_cast %parallel_loop3A_151 : i32 to index
      %parallel_loop3A_212 = tpu.vector_load %arg10[%parallel_loop3A_211] {strides = array<i32>} : memref<6000xf32, #tpu.memory_space<vmem>>, vector<16xf32>,
      %parallel_loop3A_213 = arith.addf %parallel_loop3A_210, %parallel_loop3A_212 : vector<16xf32>
      %parallel_loop3A_214 = tpu.vector_load_idx %arg10[%parallel_loop3A_165] : memref<6000xf32, #tpu.memory_space<vmem>>[vector<16xi32>], vector<16xf32>,
      %parallel_loop3A_215 = arith.addf %parallel_loop3A_213, %parallel_loop3A_214 : vector<16xf32>
      %parallel_loop3A_216 = tpu.vector_load_idx %arg10[%parallel_loop3A_177] : memref<6000xf32, #tpu.memory_space<vmem>>[vector<16xi32>], vector<16xf32>,
      %parallel_loop3A_217 = arith.addf %parallel_loop3A_215, %parallel_loop3A_216 : vector<16xf32>
      %parallel_loop3A_218 = tpu.vector_load_idx %arg10[%parallel_loop3A_189] : memref<6000xf32, #tpu.memory_space<vmem>>[vector<16xi32>], vector<16xf32>,
      %parallel_loop3A_219 = tpu.vector_load_idx %arg10[%parallel_loop3A_192] : memref<6000xf32, #tpu.memory_space<vmem>>[vector<16xi32>], vector<16xf32>,
      %parallel_loop3A_220 = arith.addf %parallel_loop3A_218, %parallel_loop3A_219 : vector<16xf32>
      %parallel_loop3A_221 = arith.mulf %parallel_loop3A_194, %parallel_loop3A_220 : vector<16xf32>
      %parallel_loop3A_222 = arith.addf %parallel_loop3A_217, %parallel_loop3A_221 : vector<16xf32>
      %parallel_loop3A_223 = arith.index_cast %parallel_loop3A_149 : i32 to index
      %parallel_loop3A_224 = tpu.vector_load %arg10[%parallel_loop3A_223] {strides = array<i32>} : memref<6000xf32, #tpu.memory_space<vmem>>, vector<16xf32>,
      %parallel_loop3A_225 = arith.index_cast %parallel_loop3A_149 : i32 to index
      %parallel_loop3A_226 = tpu.vector_load %arg11[%parallel_loop3A_225] {strides = array<i32>} : memref<6000xf32, #tpu.memory_space<vmem>>, vector<16xf32>,
      %parallel_loop3A_227 = arith.index_cast %parallel_loop3A_147 : i32 to index
      %parallel_loop3A_228 = tpu.vector_load %arg14[%parallel_loop3A_227] {strides = array<i32>} : memref<2000xf32, #tpu.memory_space<vmem>>, vector<16xf32>,
      %parallel_loop3A_229 = arith.index_cast %parallel_loop3A_147 : i32 to index
      %parallel_loop3A_230 = tpu.vector_load %arg18[%parallel_loop3A_229] {strides = array<i32>} : memref<2000xf32, #tpu.memory_space<vmem>>, vector<16xf32>,
      %parallel_loop3A_231 = arith.index_cast %parallel_loop3A_147 : i32 to index
      %parallel_loop3A_232 = tpu.vector_load %arg17[%parallel_loop3A_231] {strides = array<i32>} : memref<2000xf32, #tpu.memory_space<vmem>>, vector<16xf32>,
      %parallel_loop3A_233 = arith.mulf %parallel_loop3A_224, %parallel_loop3A_224 : vector<16xf32>
      %parallel_loop3A_234 = arith.mulf %parallel_loop3A_226, %parallel_loop3A_226 : vector<16xf32>
      %parallel_loop3A_235 = arith.addf %parallel_loop3A_233, %parallel_loop3A_234 : vector<16xf32>
      %parallel_loop3A_236 = arith.mulf %parallel_loop3A_232, %parallel_loop3A_235 : vector<16xf32>
      %parallel_loop3A_237 = arith.mulf %parallel_loop3A_228, %parallel_loop3A_226 : vector<16xf32>
      %parallel_loop3A_238 = arith.mulf %parallel_loop3A_230, %parallel_loop3A_208 : vector<16xf32>
      %parallel_loop3A_239 = arith.subf %parallel_loop3A_237, %parallel_loop3A_238 : vector<16xf32>
      %parallel_loop3A_240 = arith.index_cast %parallel_loop3A_147 : i32 to index
      %parallel_loop3A_241 = tpu.vector_load %arg16[%parallel_loop3A_240] {strides = array<i32>} : memref<2000xf32, #tpu.memory_space<vmem>>, vector<16xf32>,
      %parallel_loop3A_242 = arith.addf %parallel_loop3A_239, %parallel_loop3A_241 : vector<16xf32>
      %parallel_loop3A_243 = arith.mulf %parallel_loop3A_236, %parallel_loop3A_226 : vector<16xf32>
      %parallel_loop3A_244 = arith.addf %parallel_loop3A_242, %parallel_loop3A_243 : vector<16xf32>
      %parallel_loop3A_245 = arith.index_cast %parallel_loop3A_147 : i32 to index
      %parallel_loop3A_246 = tpu.vector_load %arg26[%parallel_loop3A_245] {strides = array<i32>} : memref<2000xf32, #tpu.memory_space<vmem>>, vector<16xf32>,
      tpu.vector_store %arg26[%parallel_loop3A_245], %parallel_loop3A_244 {strides = array<i32>} : memref<2000xf32, #tpu.memory_space<vmem>>, vector<16xf32>,
      %parallel_loop3A_247 = arith.mulf %parallel_loop3A_230, %parallel_loop3A_222 : vector<16xf32>
      %parallel_loop3A_248 = arith.mulf %parallel_loop3A_228, %parallel_loop3A_224 : vector<16xf32>
      %parallel_loop3A_249 = arith.subf %parallel_loop3A_247, %parallel_loop3A_248 : vector<16xf32>
      %parallel_loop3A_250 = arith.index_cast %parallel_loop3A_147 : i32 to index
      %parallel_loop3A_251 = tpu.vector_load %arg15[%parallel_loop3A_250] {strides = array<i32>} : memref<2000xf32, #tpu.memory_space<vmem>>, vector<16xf32>,
      %parallel_loop3A_252 = arith.subf %parallel_loop3A_249, %parallel_loop3A_251 : vector<16xf32>
      %parallel_loop3A_253 = arith.mulf %parallel_loop3A_236, %parallel_loop3A_224 : vector<16xf32>
      %parallel_loop3A_254 = arith.subf %parallel_loop3A_252, %parallel_loop3A_253 : vector<16xf32>
      %parallel_loop3A_255 = arith.index_cast %parallel_loop3A_147 : i32 to index
      %parallel_loop3A_256 = tpu.vector_load %arg27[%parallel_loop3A_255] {strides = array<i32>} : memref<2000xf32, #tpu.memory_space<vmem>>, vector<16xf32>,
      tpu.vector_store %arg27[%parallel_loop3A_255], %parallel_loop3A_254 {strides = array<i32>} : memref<2000xf32, #tpu.memory_space<vmem>>, vector<16xf32>,
      %parallel_loop3A_257 = arith.constant 16 : i32
      %parallel_loop3A_258 = arith.addi %parallel_loop3A_145, %parallel_loop3A_257 : i32
      %parallel_loop3A_259 = arith.constant 2000 : i32
      %parallel_loop3A_260 = arith.addi %parallel_loop3A_259, %parallel_loop3A_258 : i32
      %parallel_loop3A_261 = arith.constant 4000 : i32
      %parallel_loop3A_262 = arith.addi %parallel_loop3A_261, %parallel_loop3A_258 : i32
      %parallel_loop3A_263 = vector.broadcast %parallel_loop3A_258 : i32 to vector<16xi32>
      %parallel_loop3A_264 = arith.addi %parallel_loop3A_263, %iota3A : vector<16xi32>
      %parallel_loop3A_265 = arith.constant 1960 : i32
      %parallel_loop3A_266 = vector.broadcast %parallel_loop3A_265 : i32 to vector<16xi32>
      %parallel_loop3A_267 = arith.addi %parallel_loop3A_264, %parallel_loop3A_266 : vector<16xi32>
      %parallel_loop3A_268 = arith.constant 40 : i32
      %parallel_loop3A_269 = vector.broadcast %parallel_loop3A_268 : i32 to vector<16xi32>
      %parallel_loop3A_270 = arith.cmpi slt, %parallel_loop3A_264, %parallel_loop3A_269 : vector<16xi32>
      %parallel_loop3A_271 = arith.constant 2000 : i32
      %parallel_loop3A_272 = arith.constant 0 : i32
      %parallel_loop3A_273 = vector.broadcast %parallel_loop3A_271 : i32 to vector<16xi32>
      %parallel_loop3A_274 = vector.broadcast %parallel_loop3A_272 : i32 to vector<16xi32>
      %parallel_loop3A_275 = arith.select %parallel_loop3A_270, %parallel_loop3A_273, %parallel_loop3A_274 : vector<16xi1>, vector<16xi32>
      %parallel_loop3A_276 = arith.addi %parallel_loop3A_267, %parallel_loop3A_275 : vector<16xi32>
      %parallel_loop3A_277 = arith.constant 2040 : i32
      %parallel_loop3A_278 = vector.broadcast %parallel_loop3A_277 : i32 to vector<16xi32>
      %parallel_loop3A_279 = arith.addi %parallel_loop3A_264, %parallel_loop3A_278 : vector<16xi32>
      %parallel_loop3A_280 = arith.constant 1960 : i32
      %parallel_loop3A_281 = vector.broadcast %parallel_loop3A_280 : i32 to vector<16xi32>
      %parallel_loop3A_282 = arith.cmpi sge, %parallel_loop3A_264, %parallel_loop3A_281 : vector<16xi32>
      %parallel_loop3A_283 = arith.constant 2000 : i32
      %parallel_loop3A_284 = arith.constant 0 : i32
      %parallel_loop3A_285 = vector.broadcast %parallel_loop3A_283 : i32 to vector<16xi32>
      %parallel_loop3A_286 = vector.broadcast %parallel_loop3A_284 : i32 to vector<16xi32>
      %parallel_loop3A_287 = arith.select %parallel_loop3A_282, %parallel_loop3A_285, %parallel_loop3A_286 : vector<16xi1>, vector<16xi32>
      %parallel_loop3A_288 = arith.subi %parallel_loop3A_279, %parallel_loop3A_287 : vector<16xi32>
      %parallel_loop3A_289 = arith.constant 1999 : i32
      %parallel_loop3A_290 = vector.broadcast %parallel_loop3A_289 : i32 to vector<16xi32>
      %parallel_loop3A_291 = arith.addi %parallel_loop3A_264, %parallel_loop3A_290 : vector<16xi32>
      %parallel_loop3A_292 = arith.constant 2001 : i32
      %parallel_loop3A_293 = vector.broadcast %parallel_loop3A_292 : i32 to vector<16xi32>
      %parallel_loop3A_294 = arith.addi %parallel_loop3A_264, %parallel_loop3A_293 : vector<16xi32>
      %parallel_loop3A_295 = arith.index_cast %parallel_loop3A_258 : i32 to index
      %parallel_loop3A_296 = tpu.vector_load %arg19[%parallel_loop3A_295] {strides = array<i32>} : memref<2000xf32, #tpu.memory_space<vmem>>, vector<16xf32>,
      %parallel_loop3A_297 = arith.index_cast %parallel_loop3A_258 : i32 to index
      %parallel_loop3A_298 = tpu.vector_load %arg11[%parallel_loop3A_297] {strides = array<i32>} : memref<6000xf32, #tpu.memory_space<vmem>>, vector<16xf32>,
      %parallel_loop3A_299 = arith.index_cast %parallel_loop3A_262 : i32 to index
      %parallel_loop3A_300 = tpu.vector_load %arg11[%parallel_loop3A_299] {strides = array<i32>} : memref<6000xf32, #tpu.memory_space<vmem>>, vector<16xf32>,
      %parallel_loop3A_301 = arith.addf %parallel_loop3A_298, %parallel_loop3A_300 : vector<16xf32>
      %parallel_loop3A_302 = tpu.vector_load_idx %arg11[%parallel_loop3A_276] : memref<6000xf32, #tpu.memory_space<vmem>>[vector<16xi32>], vector<16xf32>,
      %parallel_loop3A_303 = arith.addf %parallel_loop3A_301, %parallel_loop3A_302 : vector<16xf32>
      %parallel_loop3A_304 = tpu.vector_load_idx %arg11[%parallel_loop3A_288] : memref<6000xf32, #tpu.memory_space<vmem>>[vector<16xi32>], vector<16xf32>,
      %parallel_loop3A_305 = arith.addf %parallel_loop3A_303, %parallel_loop3A_304 : vector<16xf32>
      %parallel_loop3A_306 = tpu.vector_load_idx %arg11[%parallel_loop3A_291] : memref<6000xf32, #tpu.memory_space<vmem>>[vector<16xi32>], vector<16xf32>,
      %parallel_loop3A_307 = tpu.vector_load_idx %arg11[%parallel_loop3A_294] : memref<6000xf32, #tpu.memory_space<vmem>>[vector<16xi32>], vector<16xf32>,
      %parallel_loop3A_308 = arith.addf %parallel_loop3A_306, %parallel_loop3A_307 : vector<16xf32>
      %parallel_loop3A_309 = arith.mulf %parallel_loop3A_296, %parallel_loop3A_308 : vector<16xf32>
      %parallel_loop3A_310 = arith.addf %parallel_loop3A_305, %parallel_loop3A_309 : vector<16xf32>
      %parallel_loop3A_311 = arith.index_cast %parallel_loop3A_258 : i32 to index
      %parallel_loop3A_312 = tpu.vector_load %arg10[%parallel_loop3A_311] {strides = array<i32>} : memref<6000xf32, #tpu.memory_space<vmem>>, vector<16xf32>,
      %parallel_loop3A_313 = arith.index_cast %parallel_loop3A_262 : i32 to index
      %parallel_loop3A_314 = tpu.vector_load %arg10[%parallel_loop3A_313] {strides = array<i32>} : memref<6000xf32, #tpu.memory_space<vmem>>, vector<16xf32>,
      %parallel_loop3A_315 = arith.addf %parallel_loop3A_312, %parallel_loop3A_314 : vector<16xf32>
      %parallel_loop3A_316 = tpu.vector_load_idx %arg10[%parallel_loop3A_276] : memref<6000xf32, #tpu.memory_space<vmem>>[vector<16xi32>], vector<16xf32>,
      %parallel_loop3A_317 = arith.addf %parallel_loop3A_315, %parallel_loop3A_316 : vector<16xf32>
      %parallel_loop3A_318 = tpu.vector_load_idx %arg10[%parallel_loop3A_288] : memref<6000xf32, #tpu.memory_space<vmem>>[vector<16xi32>], vector<16xf32>,
      %parallel_loop3A_319 = arith.addf %parallel_loop3A_317, %parallel_loop3A_318 : vector<16xf32>
      %parallel_loop3A_320 = tpu.vector_load_idx %arg10[%parallel_loop3A_291] : memref<6000xf32, #tpu.memory_space<vmem>>[vector<16xi32>], vector<16xf32>,
      %parallel_loop3A_321 = tpu.vector_load_idx %arg10[%parallel_loop3A_294] : memref<6000xf32, #tpu.memory_space<vmem>>[vector<16xi32>], vector<16xf32>,
      %parallel_loop3A_322 = arith.addf %parallel_loop3A_320, %parallel_loop3A_321 : vector<16xf32>
      %parallel_loop3A_323 = arith.mulf %parallel_loop3A_296, %parallel_loop3A_322 : vector<16xf32>
      %parallel_loop3A_324 = arith.addf %parallel_loop3A_319, %parallel_loop3A_323 : vector<16xf32>
      %parallel_loop3A_325 = arith.index_cast %parallel_loop3A_260 : i32 to index
      %parallel_loop3A_326 = tpu.vector_load %arg10[%parallel_loop3A_325] {strides = array<i32>} : memref<6000xf32, #tpu.memory_space<vmem>>, vector<16xf32>,
      %parallel_loop3A_327 = arith.index_cast %parallel_loop3A_260 : i32 to index
      %parallel_loop3A_328 = tpu.vector_load %arg11[%parallel_loop3A_327] {strides = array<i32>} : memref<6000xf32, #tpu.memory_space<vmem>>, vector<16xf32>,
      %parallel_loop3A_329 = arith.index_cast %parallel_loop3A_258 : i32 to index
      %parallel_loop3A_330 = tpu.vector_load %arg14[%parallel_loop3A_329] {strides = array<i32>} : memref<2000xf32, #tpu.memory_space<vmem>>, vector<16xf32>,
      %parallel_loop3A_331 = arith.index_cast %parallel_loop3A_258 : i32 to index
      %parallel_loop3A_332 = tpu.vector_load %arg18[%parallel_loop3A_331] {strides = array<i32>} : memref<2000xf32, #tpu.memory_space<vmem>>, vector<16xf32>,
      %parallel_loop3A_333 = arith.index_cast %parallel_loop3A_258 : i32 to index
      %parallel_loop3A_334 = tpu.vector_load %arg17[%parallel_loop3A_333] {strides = array<i32>} : memref<2000xf32, #tpu.memory_space<vmem>>, vector<16xf32>,
      %parallel_loop3A_335 = arith.mulf %parallel_loop3A_326, %parallel_loop3A_326 : vector<16xf32>
      %parallel_loop3A_336 = arith.mulf %parallel_loop3A_328, %parallel_loop3A_328 : vector<16xf32>
      %parallel_loop3A_337 = arith.addf %parallel_loop3A_335, %parallel_loop3A_336 : vector<16xf32>
      %parallel_loop3A_338 = arith.mulf %parallel_loop3A_334, %parallel_loop3A_337 : vector<16xf32>
      %parallel_loop3A_339 = arith.mulf %parallel_loop3A_330, %parallel_loop3A_328 : vector<16xf32>
      %parallel_loop3A_340 = arith.mulf %parallel_loop3A_332, %parallel_loop3A_310 : vector<16xf32>
      %parallel_loop3A_341 = arith.subf %parallel_loop3A_339, %parallel_loop3A_340 : vector<16xf32>
      %parallel_loop3A_342 = arith.index_cast %parallel_loop3A_258 : i32 to index
      %parallel_loop3A_343 = tpu.vector_load %arg16[%parallel_loop3A_342] {strides = array<i32>} : memref<2000xf32, #tpu.memory_space<vmem>>, vector<16xf32>,
      %parallel_loop3A_344 = arith.addf %parallel_loop3A_341, %parallel_loop3A_343 : vector<16xf32>
      %parallel_loop3A_345 = arith.mulf %parallel_loop3A_338, %parallel_loop3A_328 : vector<16xf32>
      %parallel_loop3A_346 = arith.addf %parallel_loop3A_344, %parallel_loop3A_345 : vector<16xf32>
      %parallel_loop3A_347 = arith.index_cast %parallel_loop3A_258 : i32 to index
      %parallel_loop3A_348 = tpu.vector_load %arg26[%parallel_loop3A_347] {strides = array<i32>} : memref<2000xf32, #tpu.memory_space<vmem>>, vector<16xf32>,
      tpu.vector_store %arg26[%parallel_loop3A_347], %parallel_loop3A_346 {strides = array<i32>} : memref<2000xf32, #tpu.memory_space<vmem>>, vector<16xf32>,
      %parallel_loop3A_349 = arith.mulf %parallel_loop3A_332, %parallel_loop3A_324 : vector<16xf32>
      %parallel_loop3A_350 = arith.mulf %parallel_loop3A_330, %parallel_loop3A_326 : vector<16xf32>
      %parallel_loop3A_351 = arith.subf %parallel_loop3A_349, %parallel_loop3A_350 : vector<16xf32>
      %parallel_loop3A_352 = arith.index_cast %parallel_loop3A_258 : i32 to index
      %parallel_loop3A_353 = tpu.vector_load %arg15[%parallel_loop3A_352] {strides = array<i32>} : memref<2000xf32, #tpu.memory_space<vmem>>, vector<16xf32>,
      %parallel_loop3A_354 = arith.subf %parallel_loop3A_351, %parallel_loop3A_353 : vector<16xf32>
      %parallel_loop3A_355 = arith.mulf %parallel_loop3A_338, %parallel_loop3A_326 : vector<16xf32>
      %parallel_loop3A_356 = arith.subf %parallel_loop3A_354, %parallel_loop3A_355 : vector<16xf32>
      %parallel_loop3A_357 = arith.index_cast %parallel_loop3A_258 : i32 to index
      %parallel_loop3A_358 = tpu.vector_load %arg27[%parallel_loop3A_357] {strides = array<i32>} : memref<2000xf32, #tpu.memory_space<vmem>>, vector<16xf32>,
      tpu.vector_store %arg27[%parallel_loop3A_357], %parallel_loop3A_356 {strides = array<i32>} : memref<2000xf32, #tpu.memory_space<vmem>>, vector<16xf32>,
      %parallel_loop3A_359 = arith.constant 32 : i32
      %parallel_loop3A_360 = arith.addi %parallel_loop3A_145, %parallel_loop3A_359 : i32
      %parallel_loop3A_361 = arith.constant 2000 : i32
      %parallel_loop3A_362 = arith.addi %parallel_loop3A_361, %parallel_loop3A_360 : i32
      %parallel_loop3A_363 = arith.constant 4000 : i32
      %parallel_loop3A_364 = arith.addi %parallel_loop3A_363, %parallel_loop3A_360 : i32
      %parallel_loop3A_365 = vector.broadcast %parallel_loop3A_360 : i32 to vector<16xi32>
      %parallel_loop3A_366 = arith.addi %parallel_loop3A_365, %iota3A : vector<16xi32>
      %parallel_loop3A_367 = arith.constant 1960 : i32
      %parallel_loop3A_368 = vector.broadcast %parallel_loop3A_367 : i32 to vector<16xi32>
      %parallel_loop3A_369 = arith.addi %parallel_loop3A_366, %parallel_loop3A_368 : vector<16xi32>
      %parallel_loop3A_370 = arith.constant 40 : i32
      %parallel_loop3A_371 = vector.broadcast %parallel_loop3A_370 : i32 to vector<16xi32>
      %parallel_loop3A_372 = arith.cmpi slt, %parallel_loop3A_366, %parallel_loop3A_371 : vector<16xi32>
      %parallel_loop3A_373 = arith.constant 2000 : i32
      %parallel_loop3A_374 = arith.constant 0 : i32
      %parallel_loop3A_375 = vector.broadcast %parallel_loop3A_373 : i32 to vector<16xi32>
      %parallel_loop3A_376 = vector.broadcast %parallel_loop3A_374 : i32 to vector<16xi32>
      %parallel_loop3A_377 = arith.select %parallel_loop3A_372, %parallel_loop3A_375, %parallel_loop3A_376 : vector<16xi1>, vector<16xi32>
      %parallel_loop3A_378 = arith.addi %parallel_loop3A_369, %parallel_loop3A_377 : vector<16xi32>
      %parallel_loop3A_379 = arith.constant 2040 : i32
      %parallel_loop3A_380 = vector.broadcast %parallel_loop3A_379 : i32 to vector<16xi32>
      %parallel_loop3A_381 = arith.addi %parallel_loop3A_366, %parallel_loop3A_380 : vector<16xi32>
      %parallel_loop3A_382 = arith.constant 1960 : i32
      %parallel_loop3A_383 = vector.broadcast %parallel_loop3A_382 : i32 to vector<16xi32>
      %parallel_loop3A_384 = arith.cmpi sge, %parallel_loop3A_366, %parallel_loop3A_383 : vector<16xi32>
      %parallel_loop3A_385 = arith.constant 2000 : i32
      %parallel_loop3A_386 = arith.constant 0 : i32
      %parallel_loop3A_387 = vector.broadcast %parallel_loop3A_385 : i32 to vector<16xi32>
      %parallel_loop3A_388 = vector.broadcast %parallel_loop3A_386 : i32 to vector<16xi32>
      %parallel_loop3A_389 = arith.select %parallel_loop3A_384, %parallel_loop3A_387, %parallel_loop3A_388 : vector<16xi1>, vector<16xi32>
      %parallel_loop3A_390 = arith.subi %parallel_loop3A_381, %parallel_loop3A_389 : vector<16xi32>
      %parallel_loop3A_391 = arith.constant 1999 : i32
      %parallel_loop3A_392 = vector.broadcast %parallel_loop3A_391 : i32 to vector<16xi32>
      %parallel_loop3A_393 = arith.addi %parallel_loop3A_366, %parallel_loop3A_392 : vector<16xi32>
      %parallel_loop3A_394 = arith.constant 8 : i32
      %parallel_loop3A_395 = vector.broadcast %parallel_loop3A_394 : i32 to vector<16xi32>
      %parallel_loop3A_396 = arith.cmpi eq, %iota3A, %parallel_loop3A_395 : vector<16xi32>
      %parallel_loop3A_397 = arith.constant 40 : i32
      %parallel_loop3A_398 = arith.constant 0 : i32
      %parallel_loop3A_399 = vector.broadcast %parallel_loop3A_397 : i32 to vector<16xi32>
      %parallel_loop3A_400 = vector.broadcast %parallel_loop3A_398 : i32 to vector<16xi32>
      %parallel_loop3A_401 = arith.select %parallel_loop3A_396, %parallel_loop3A_399, %parallel_loop3A_400 : vector<16xi1>, vector<16xi32>
      %parallel_loop3A_402 = arith.addi %parallel_loop3A_393, %parallel_loop3A_401 : vector<16xi32>
      %parallel_loop3A_403 = arith.constant 2001 : i32
      %parallel_loop3A_404 = vector.broadcast %parallel_loop3A_403 : i32 to vector<16xi32>
      %parallel_loop3A_405 = arith.addi %parallel_loop3A_366, %parallel_loop3A_404 : vector<16xi32>
      %parallel_loop3A_406 = arith.constant 7 : i32
      %parallel_loop3A_407 = vector.broadcast %parallel_loop3A_406 : i32 to vector<16xi32>
      %parallel_loop3A_408 = arith.cmpi eq, %iota3A, %parallel_loop3A_407 : vector<16xi32>
      %parallel_loop3A_409 = arith.constant 40 : i32
      %parallel_loop3A_410 = arith.constant 0 : i32
      %parallel_loop3A_411 = vector.broadcast %parallel_loop3A_409 : i32 to vector<16xi32>
      %parallel_loop3A_412 = vector.broadcast %parallel_loop3A_410 : i32 to vector<16xi32>
      %parallel_loop3A_413 = arith.select %parallel_loop3A_408, %parallel_loop3A_411, %parallel_loop3A_412 : vector<16xi1>, vector<16xi32>
      %parallel_loop3A_414 = arith.subi %parallel_loop3A_405, %parallel_loop3A_413 : vector<16xi32>
      %parallel_loop3A_415 = arith.index_cast %parallel_loop3A_360 : i32 to index
      %parallel_loop3A_416 = tpu.vector_load %arg19[%parallel_loop3A_415] {strides = array<i32>} : memref<2000xf32, #tpu.memory_space<vmem>>, vector<16xf32>,
      %parallel_loop3A_417 = arith.index_cast %parallel_loop3A_360 : i32 to index
      %parallel_loop3A_418 = tpu.vector_load %arg11[%parallel_loop3A_417] {strides = array<i32>} : memref<6000xf32, #tpu.memory_space<vmem>>, vector<16xf32>,
      %parallel_loop3A_419 = arith.index_cast %parallel_loop3A_364 : i32 to index
      %parallel_loop3A_420 = tpu.vector_load %arg11[%parallel_loop3A_419] {strides = array<i32>} : memref<6000xf32, #tpu.memory_space<vmem>>, vector<16xf32>,
      %parallel_loop3A_421 = arith.addf %parallel_loop3A_418, %parallel_loop3A_420 : vector<16xf32>
      %parallel_loop3A_422 = tpu.vector_load_idx %arg11[%parallel_loop3A_378] : memref<6000xf32, #tpu.memory_space<vmem>>[vector<16xi32>], vector<16xf32>,
      %parallel_loop3A_423 = arith.addf %parallel_loop3A_421, %parallel_loop3A_422 : vector<16xf32>
      %parallel_loop3A_424 = tpu.vector_load_idx %arg11[%parallel_loop3A_390] : memref<6000xf32, #tpu.memory_space<vmem>>[vector<16xi32>], vector<16xf32>,
      %parallel_loop3A_425 = arith.addf %parallel_loop3A_423, %parallel_loop3A_424 : vector<16xf32>
      %parallel_loop3A_426 = tpu.vector_load_idx %arg11[%parallel_loop3A_402] : memref<6000xf32, #tpu.memory_space<vmem>>[vector<16xi32>], vector<16xf32>,
      %parallel_loop3A_427 = tpu.vector_load_idx %arg11[%parallel_loop3A_414] : memref<6000xf32, #tpu.memory_space<vmem>>[vector<16xi32>], vector<16xf32>,
      %parallel_loop3A_428 = arith.addf %parallel_loop3A_426, %parallel_loop3A_427 : vector<16xf32>
      %parallel_loop3A_429 = arith.mulf %parallel_loop3A_416, %parallel_loop3A_428 : vector<16xf32>
      %parallel_loop3A_430 = arith.addf %parallel_loop3A_425, %parallel_loop3A_429 : vector<16xf32>
      %parallel_loop3A_431 = arith.index_cast %parallel_loop3A_360 : i32 to index
      %parallel_loop3A_432 = tpu.vector_load %arg10[%parallel_loop3A_431] {strides = array<i32>} : memref<6000xf32, #tpu.memory_space<vmem>>, vector<16xf32>,
      %parallel_loop3A_433 = arith.index_cast %parallel_loop3A_364 : i32 to index
      %parallel_loop3A_434 = tpu.vector_load %arg10[%parallel_loop3A_433] {strides = array<i32>} : memref<6000xf32, #tpu.memory_space<vmem>>, vector<16xf32>,
      %parallel_loop3A_435 = arith.addf %parallel_loop3A_432, %parallel_loop3A_434 : vector<16xf32>
      %parallel_loop3A_436 = tpu.vector_load_idx %arg10[%parallel_loop3A_378] : memref<6000xf32, #tpu.memory_space<vmem>>[vector<16xi32>], vector<16xf32>,
      %parallel_loop3A_437 = arith.addf %parallel_loop3A_435, %parallel_loop3A_436 : vector<16xf32>
      %parallel_loop3A_438 = tpu.vector_load_idx %arg10[%parallel_loop3A_390] : memref<6000xf32, #tpu.memory_space<vmem>>[vector<16xi32>], vector<16xf32>,
      %parallel_loop3A_439 = arith.addf %parallel_loop3A_437, %parallel_loop3A_438 : vector<16xf32>
      %parallel_loop3A_440 = tpu.vector_load_idx %arg10[%parallel_loop3A_402] : memref<6000xf32, #tpu.memory_space<vmem>>[vector<16xi32>], vector<16xf32>,
      %parallel_loop3A_441 = tpu.vector_load_idx %arg10[%parallel_loop3A_414] : memref<6000xf32, #tpu.memory_space<vmem>>[vector<16xi32>], vector<16xf32>,
      %parallel_loop3A_442 = arith.addf %parallel_loop3A_440, %parallel_loop3A_441 : vector<16xf32>
      %parallel_loop3A_443 = arith.mulf %parallel_loop3A_416, %parallel_loop3A_442 : vector<16xf32>
      %parallel_loop3A_444 = arith.addf %parallel_loop3A_439, %parallel_loop3A_443 : vector<16xf32>
      %parallel_loop3A_445 = arith.index_cast %parallel_loop3A_362 : i32 to index
      %parallel_loop3A_446 = tpu.vector_load %arg10[%parallel_loop3A_445] {strides = array<i32>} : memref<6000xf32, #tpu.memory_space<vmem>>, vector<16xf32>,
      %parallel_loop3A_447 = arith.index_cast %parallel_loop3A_362 : i32 to index
      %parallel_loop3A_448 = tpu.vector_load %arg11[%parallel_loop3A_447] {strides = array<i32>} : memref<6000xf32, #tpu.memory_space<vmem>>, vector<16xf32>,
      %parallel_loop3A_449 = arith.index_cast %parallel_loop3A_360 : i32 to index
      %parallel_loop3A_450 = tpu.vector_load %arg14[%parallel_loop3A_449] {strides = array<i32>} : memref<2000xf32, #tpu.memory_space<vmem>>, vector<16xf32>,
      %parallel_loop3A_451 = arith.index_cast %parallel_loop3A_360 : i32 to index
      %parallel_loop3A_452 = tpu.vector_load %arg18[%parallel_loop3A_451] {strides = array<i32>} : memref<2000xf32, #tpu.memory_space<vmem>>, vector<16xf32>,
      %parallel_loop3A_453 = arith.index_cast %parallel_loop3A_360 : i32 to index
      %parallel_loop3A_454 = tpu.vector_load %arg17[%parallel_loop3A_453] {strides = array<i32>} : memref<2000xf32, #tpu.memory_space<vmem>>, vector<16xf32>,
      %parallel_loop3A_455 = arith.mulf %parallel_loop3A_446, %parallel_loop3A_446 : vector<16xf32>
      %parallel_loop3A_456 = arith.mulf %parallel_loop3A_448, %parallel_loop3A_448 : vector<16xf32>
      %parallel_loop3A_457 = arith.addf %parallel_loop3A_455, %parallel_loop3A_456 : vector<16xf32>
      %parallel_loop3A_458 = arith.mulf %parallel_loop3A_454, %parallel_loop3A_457 : vector<16xf32>
      %parallel_loop3A_459 = arith.mulf %parallel_loop3A_450, %parallel_loop3A_448 : vector<16xf32>
      %parallel_loop3A_460 = arith.mulf %parallel_loop3A_452, %parallel_loop3A_430 : vector<16xf32>
      %parallel_loop3A_461 = arith.subf %parallel_loop3A_459, %parallel_loop3A_460 : vector<16xf32>
      %parallel_loop3A_462 = arith.index_cast %parallel_loop3A_360 : i32 to index
      %parallel_loop3A_463 = tpu.vector_load %arg16[%parallel_loop3A_462] {strides = array<i32>} : memref<2000xf32, #tpu.memory_space<vmem>>, vector<16xf32>,
      %parallel_loop3A_464 = arith.addf %parallel_loop3A_461, %parallel_loop3A_463 : vector<16xf32>
      %parallel_loop3A_465 = arith.mulf %parallel_loop3A_458, %parallel_loop3A_448 : vector<16xf32>
      %parallel_loop3A_466 = arith.addf %parallel_loop3A_464, %parallel_loop3A_465 : vector<16xf32>
      %parallel_loop3A_467 = arith.index_cast %parallel_loop3A_360 : i32 to index
      %parallel_loop3A_468 = tpu.vector_load %arg26[%parallel_loop3A_467] {strides = array<i32>} : memref<2000xf32, #tpu.memory_space<vmem>>, vector<16xf32>,
      tpu.vector_store %arg26[%parallel_loop3A_467], %parallel_loop3A_466 {strides = array<i32>} : memref<2000xf32, #tpu.memory_space<vmem>>, vector<16xf32>,
      %parallel_loop3A_469 = arith.mulf %parallel_loop3A_452, %parallel_loop3A_444 : vector<16xf32>
      %parallel_loop3A_470 = arith.mulf %parallel_loop3A_450, %parallel_loop3A_446 : vector<16xf32>
      %parallel_loop3A_471 = arith.subf %parallel_loop3A_469, %parallel_loop3A_470 : vector<16xf32>
      %parallel_loop3A_472 = arith.index_cast %parallel_loop3A_360 : i32 to index
      %parallel_loop3A_473 = tpu.vector_load %arg15[%parallel_loop3A_472] {strides = array<i32>} : memref<2000xf32, #tpu.memory_space<vmem>>, vector<16xf32>,
      %parallel_loop3A_474 = arith.subf %parallel_loop3A_471, %parallel_loop3A_473 : vector<16xf32>
      %parallel_loop3A_475 = arith.mulf %parallel_loop3A_458, %parallel_loop3A_446 : vector<16xf32>
      %parallel_loop3A_476 = arith.subf %parallel_loop3A_474, %parallel_loop3A_475 : vector<16xf32>
      %parallel_loop3A_477 = arith.index_cast %parallel_loop3A_360 : i32 to index
      %parallel_loop3A_478 = tpu.vector_load %arg27[%parallel_loop3A_477] {strides = array<i32>} : memref<2000xf32, #tpu.memory_space<vmem>>, vector<16xf32>,
      tpu.vector_store %arg27[%parallel_loop3A_477], %parallel_loop3A_476 {strides = array<i32>} : memref<2000xf32, #tpu.memory_space<vmem>>, vector<16xf32>,
      %parallel_loop3A_479 = arith.constant 48 : i32
      %parallel_loop3A_480 = arith.addi %parallel_loop3A_145, %parallel_loop3A_479 : i32
      %parallel_loop3A_481 = arith.constant 2000 : i32
      %parallel_loop3A_482 = arith.addi %parallel_loop3A_481, %parallel_loop3A_480 : i32
      %parallel_loop3A_483 = arith.constant 4000 : i32
      %parallel_loop3A_484 = arith.addi %parallel_loop3A_483, %parallel_loop3A_480 : i32
      %parallel_loop3A_485 = vector.broadcast %parallel_loop3A_480 : i32 to vector<16xi32>
      %parallel_loop3A_486 = arith.addi %parallel_loop3A_485, %iota3A : vector<16xi32>
      %parallel_loop3A_487 = arith.constant 1960 : i32
      %parallel_loop3A_488 = vector.broadcast %parallel_loop3A_487 : i32 to vector<16xi32>
      %parallel_loop3A_489 = arith.addi %parallel_loop3A_486, %parallel_loop3A_488 : vector<16xi32>
      %parallel_loop3A_490 = arith.constant 40 : i32
      %parallel_loop3A_491 = vector.broadcast %parallel_loop3A_490 : i32 to vector<16xi32>
      %parallel_loop3A_492 = arith.cmpi slt, %parallel_loop3A_486, %parallel_loop3A_491 : vector<16xi32>
      %parallel_loop3A_493 = arith.constant 2000 : i32
      %parallel_loop3A_494 = arith.constant 0 : i32
      %parallel_loop3A_495 = vector.broadcast %parallel_loop3A_493 : i32 to vector<16xi32>
      %parallel_loop3A_496 = vector.broadcast %parallel_loop3A_494 : i32 to vector<16xi32>
      %parallel_loop3A_497 = arith.select %parallel_loop3A_492, %parallel_loop3A_495, %parallel_loop3A_496 : vector<16xi1>, vector<16xi32>
      %parallel_loop3A_498 = arith.addi %parallel_loop3A_489, %parallel_loop3A_497 : vector<16xi32>
      %parallel_loop3A_499 = arith.constant 2040 : i32
      %parallel_loop3A_500 = vector.broadcast %parallel_loop3A_499 : i32 to vector<16xi32>
      %parallel_loop3A_501 = arith.addi %parallel_loop3A_486, %parallel_loop3A_500 : vector<16xi32>
      %parallel_loop3A_502 = arith.constant 1960 : i32
      %parallel_loop3A_503 = vector.broadcast %parallel_loop3A_502 : i32 to vector<16xi32>
      %parallel_loop3A_504 = arith.cmpi sge, %parallel_loop3A_486, %parallel_loop3A_503 : vector<16xi32>
      %parallel_loop3A_505 = arith.constant 2000 : i32
      %parallel_loop3A_506 = arith.constant 0 : i32
      %parallel_loop3A_507 = vector.broadcast %parallel_loop3A_505 : i32 to vector<16xi32>
      %parallel_loop3A_508 = vector.broadcast %parallel_loop3A_506 : i32 to vector<16xi32>
      %parallel_loop3A_509 = arith.select %parallel_loop3A_504, %parallel_loop3A_507, %parallel_loop3A_508 : vector<16xi1>, vector<16xi32>
      %parallel_loop3A_510 = arith.subi %parallel_loop3A_501, %parallel_loop3A_509 : vector<16xi32>
      %parallel_loop3A_511 = arith.constant 1999 : i32
      %parallel_loop3A_512 = vector.broadcast %parallel_loop3A_511 : i32 to vector<16xi32>
      %parallel_loop3A_513 = arith.addi %parallel_loop3A_486, %parallel_loop3A_512 : vector<16xi32>
      %parallel_loop3A_514 = arith.constant 2001 : i32
      %parallel_loop3A_515 = vector.broadcast %parallel_loop3A_514 : i32 to vector<16xi32>
      %parallel_loop3A_516 = arith.addi %parallel_loop3A_486, %parallel_loop3A_515 : vector<16xi32>
      %parallel_loop3A_517 = arith.index_cast %parallel_loop3A_480 : i32 to index
      %parallel_loop3A_518 = tpu.vector_load %arg19[%parallel_loop3A_517] {strides = array<i32>} : memref<2000xf32, #tpu.memory_space<vmem>>, vector<16xf32>,
      %parallel_loop3A_519 = arith.index_cast %parallel_loop3A_480 : i32 to index
      %parallel_loop3A_520 = tpu.vector_load %arg11[%parallel_loop3A_519] {strides = array<i32>} : memref<6000xf32, #tpu.memory_space<vmem>>, vector<16xf32>,
      %parallel_loop3A_521 = arith.index_cast %parallel_loop3A_484 : i32 to index
      %parallel_loop3A_522 = tpu.vector_load %arg11[%parallel_loop3A_521] {strides = array<i32>} : memref<6000xf32, #tpu.memory_space<vmem>>, vector<16xf32>,
      %parallel_loop3A_523 = arith.addf %parallel_loop3A_520, %parallel_loop3A_522 : vector<16xf32>
      %parallel_loop3A_524 = tpu.vector_load_idx %arg11[%parallel_loop3A_498] : memref<6000xf32, #tpu.memory_space<vmem>>[vector<16xi32>], vector<16xf32>,
      %parallel_loop3A_525 = arith.addf %parallel_loop3A_523, %parallel_loop3A_524 : vector<16xf32>
      %parallel_loop3A_526 = tpu.vector_load_idx %arg11[%parallel_loop3A_510] : memref<6000xf32, #tpu.memory_space<vmem>>[vector<16xi32>], vector<16xf32>,
      %parallel_loop3A_527 = arith.addf %parallel_loop3A_525, %parallel_loop3A_526 : vector<16xf32>
      %parallel_loop3A_528 = tpu.vector_load_idx %arg11[%parallel_loop3A_513] : memref<6000xf32, #tpu.memory_space<vmem>>[vector<16xi32>], vector<16xf32>,
      %parallel_loop3A_529 = tpu.vector_load_idx %arg11[%parallel_loop3A_516] : memref<6000xf32, #tpu.memory_space<vmem>>[vector<16xi32>], vector<16xf32>,
      %parallel_loop3A_530 = arith.addf %parallel_loop3A_528, %parallel_loop3A_529 : vector<16xf32>
      %parallel_loop3A_531 = arith.mulf %parallel_loop3A_518, %parallel_loop3A_530 : vector<16xf32>
      %parallel_loop3A_532 = arith.addf %parallel_loop3A_527, %parallel_loop3A_531 : vector<16xf32>
      %parallel_loop3A_533 = arith.index_cast %parallel_loop3A_480 : i32 to index
      %parallel_loop3A_534 = tpu.vector_load %arg10[%parallel_loop3A_533] {strides = array<i32>} : memref<6000xf32, #tpu.memory_space<vmem>>, vector<16xf32>,
      %parallel_loop3A_535 = arith.index_cast %parallel_loop3A_484 : i32 to index
      %parallel_loop3A_536 = tpu.vector_load %arg10[%parallel_loop3A_535] {strides = array<i32>} : memref<6000xf32, #tpu.memory_space<vmem>>, vector<16xf32>,
      %parallel_loop3A_537 = arith.addf %parallel_loop3A_534, %parallel_loop3A_536 : vector<16xf32>
      %parallel_loop3A_538 = tpu.vector_load_idx %arg10[%parallel_loop3A_498] : memref<6000xf32, #tpu.memory_space<vmem>>[vector<16xi32>], vector<16xf32>,
      %parallel_loop3A_539 = arith.addf %parallel_loop3A_537, %parallel_loop3A_538 : vector<16xf32>
      %parallel_loop3A_540 = tpu.vector_load_idx %arg10[%parallel_loop3A_510] : memref<6000xf32, #tpu.memory_space<vmem>>[vector<16xi32>], vector<16xf32>,
      %parallel_loop3A_541 = arith.addf %parallel_loop3A_539, %parallel_loop3A_540 : vector<16xf32>
      %parallel_loop3A_542 = tpu.vector_load_idx %arg10[%parallel_loop3A_513] : memref<6000xf32, #tpu.memory_space<vmem>>[vector<16xi32>], vector<16xf32>,
      %parallel_loop3A_543 = tpu.vector_load_idx %arg10[%parallel_loop3A_516] : memref<6000xf32, #tpu.memory_space<vmem>>[vector<16xi32>], vector<16xf32>,
      %parallel_loop3A_544 = arith.addf %parallel_loop3A_542, %parallel_loop3A_543 : vector<16xf32>
      %parallel_loop3A_545 = arith.mulf %parallel_loop3A_518, %parallel_loop3A_544 : vector<16xf32>
      %parallel_loop3A_546 = arith.addf %parallel_loop3A_541, %parallel_loop3A_545 : vector<16xf32>
      %parallel_loop3A_547 = arith.index_cast %parallel_loop3A_482 : i32 to index
      %parallel_loop3A_548 = tpu.vector_load %arg10[%parallel_loop3A_547] {strides = array<i32>} : memref<6000xf32, #tpu.memory_space<vmem>>, vector<16xf32>,
      %parallel_loop3A_549 = arith.index_cast %parallel_loop3A_482 : i32 to index
      %parallel_loop3A_550 = tpu.vector_load %arg11[%parallel_loop3A_549] {strides = array<i32>} : memref<6000xf32, #tpu.memory_space<vmem>>, vector<16xf32>,
      %parallel_loop3A_551 = arith.index_cast %parallel_loop3A_480 : i32 to index
      %parallel_loop3A_552 = tpu.vector_load %arg14[%parallel_loop3A_551] {strides = array<i32>} : memref<2000xf32, #tpu.memory_space<vmem>>, vector<16xf32>,
      %parallel_loop3A_553 = arith.index_cast %parallel_loop3A_480 : i32 to index
      %parallel_loop3A_554 = tpu.vector_load %arg18[%parallel_loop3A_553] {strides = array<i32>} : memref<2000xf32, #tpu.memory_space<vmem>>, vector<16xf32>,
      %parallel_loop3A_555 = arith.index_cast %parallel_loop3A_480 : i32 to index
      %parallel_loop3A_556 = tpu.vector_load %arg17[%parallel_loop3A_555] {strides = array<i32>} : memref<2000xf32, #tpu.memory_space<vmem>>, vector<16xf32>,
      %parallel_loop3A_557 = arith.mulf %parallel_loop3A_548, %parallel_loop3A_548 : vector<16xf32>
      %parallel_loop3A_558 = arith.mulf %parallel_loop3A_550, %parallel_loop3A_550 : vector<16xf32>
      %parallel_loop3A_559 = arith.addf %parallel_loop3A_557, %parallel_loop3A_558 : vector<16xf32>
      %parallel_loop3A_560 = arith.mulf %parallel_loop3A_556, %parallel_loop3A_559 : vector<16xf32>
      %parallel_loop3A_561 = arith.mulf %parallel_loop3A_552, %parallel_loop3A_550 : vector<16xf32>
      %parallel_loop3A_562 = arith.mulf %parallel_loop3A_554, %parallel_loop3A_532 : vector<16xf32>
      %parallel_loop3A_563 = arith.subf %parallel_loop3A_561, %parallel_loop3A_562 : vector<16xf32>
      %parallel_loop3A_564 = arith.index_cast %parallel_loop3A_480 : i32 to index
      %parallel_loop3A_565 = tpu.vector_load %arg16[%parallel_loop3A_564] {strides = array<i32>} : memref<2000xf32, #tpu.memory_space<vmem>>, vector<16xf32>,
      %parallel_loop3A_566 = arith.addf %parallel_loop3A_563, %parallel_loop3A_565 : vector<16xf32>
      %parallel_loop3A_567 = arith.mulf %parallel_loop3A_560, %parallel_loop3A_550 : vector<16xf32>
      %parallel_loop3A_568 = arith.addf %parallel_loop3A_566, %parallel_loop3A_567 : vector<16xf32>
      %parallel_loop3A_569 = arith.index_cast %parallel_loop3A_480 : i32 to index
      %parallel_loop3A_570 = tpu.vector_load %arg26[%parallel_loop3A_569] {strides = array<i32>} : memref<2000xf32, #tpu.memory_space<vmem>>, vector<16xf32>,
      tpu.vector_store %arg26[%parallel_loop3A_569], %parallel_loop3A_568 {strides = array<i32>} : memref<2000xf32, #tpu.memory_space<vmem>>, vector<16xf32>,
      %parallel_loop3A_571 = arith.mulf %parallel_loop3A_554, %parallel_loop3A_546 : vector<16xf32>
      %parallel_loop3A_572 = arith.mulf %parallel_loop3A_552, %parallel_loop3A_548 : vector<16xf32>
      %parallel_loop3A_573 = arith.subf %parallel_loop3A_571, %parallel_loop3A_572 : vector<16xf32>
      %parallel_loop3A_574 = arith.index_cast %parallel_loop3A_480 : i32 to index
      %parallel_loop3A_575 = tpu.vector_load %arg15[%parallel_loop3A_574] {strides = array<i32>} : memref<2000xf32, #tpu.memory_space<vmem>>, vector<16xf32>,
      %parallel_loop3A_576 = arith.subf %parallel_loop3A_573, %parallel_loop3A_575 : vector<16xf32>
      %parallel_loop3A_577 = arith.mulf %parallel_loop3A_560, %parallel_loop3A_548 : vector<16xf32>
      %parallel_loop3A_578 = arith.subf %parallel_loop3A_576, %parallel_loop3A_577 : vector<16xf32>
      %parallel_loop3A_579 = arith.index_cast %parallel_loop3A_480 : i32 to index
      %parallel_loop3A_580 = tpu.vector_load %arg27[%parallel_loop3A_579] {strides = array<i32>} : memref<2000xf32, #tpu.memory_space<vmem>>, vector<16xf32>,
      tpu.vector_store %arg27[%parallel_loop3A_579], %parallel_loop3A_578 {strides = array<i32>} : memref<2000xf32, #tpu.memory_space<vmem>>, vector<16xf32>,
      %parallel_loop3A_581 = arith.constant 64 : i32
      %parallel_loop3A_582 = arith.addi %parallel_loop3A_145, %parallel_loop3A_581 : i32
      %parallel_loop3A_583 = arith.constant 2000 : i32
      %parallel_loop3A_584 = arith.addi %parallel_loop3A_583, %parallel_loop3A_582 : i32
      %parallel_loop3A_585 = arith.constant 4000 : i32
      %parallel_loop3A_586 = arith.addi %parallel_loop3A_585, %parallel_loop3A_582 : i32
      %parallel_loop3A_587 = vector.broadcast %parallel_loop3A_582 : i32 to vector<16xi32>
      %parallel_loop3A_588 = arith.addi %parallel_loop3A_587, %iota3A : vector<16xi32>
      %parallel_loop3A_589 = arith.constant 1960 : i32
      %parallel_loop3A_590 = vector.broadcast %parallel_loop3A_589 : i32 to vector<16xi32>
      %parallel_loop3A_591 = arith.addi %parallel_loop3A_588, %parallel_loop3A_590 : vector<16xi32>
      %parallel_loop3A_592 = arith.constant 40 : i32
      %parallel_loop3A_593 = vector.broadcast %parallel_loop3A_592 : i32 to vector<16xi32>
      %parallel_loop3A_594 = arith.cmpi slt, %parallel_loop3A_588, %parallel_loop3A_593 : vector<16xi32>
      %parallel_loop3A_595 = arith.constant 2000 : i32
      %parallel_loop3A_596 = arith.constant 0 : i32
      %parallel_loop3A_597 = vector.broadcast %parallel_loop3A_595 : i32 to vector<16xi32>
      %parallel_loop3A_598 = vector.broadcast %parallel_loop3A_596 : i32 to vector<16xi32>
      %parallel_loop3A_599 = arith.select %parallel_loop3A_594, %parallel_loop3A_597, %parallel_loop3A_598 : vector<16xi1>, vector<16xi32>
      %parallel_loop3A_600 = arith.addi %parallel_loop3A_591, %parallel_loop3A_599 : vector<16xi32>
      %parallel_loop3A_601 = arith.constant 2040 : i32
      %parallel_loop3A_602 = vector.broadcast %parallel_loop3A_601 : i32 to vector<16xi32>
      %parallel_loop3A_603 = arith.addi %parallel_loop3A_588, %parallel_loop3A_602 : vector<16xi32>
      %parallel_loop3A_604 = arith.constant 1960 : i32
      %parallel_loop3A_605 = vector.broadcast %parallel_loop3A_604 : i32 to vector<16xi32>
      %parallel_loop3A_606 = arith.cmpi sge, %parallel_loop3A_588, %parallel_loop3A_605 : vector<16xi32>
      %parallel_loop3A_607 = arith.constant 2000 : i32
      %parallel_loop3A_608 = arith.constant 0 : i32
      %parallel_loop3A_609 = vector.broadcast %parallel_loop3A_607 : i32 to vector<16xi32>
      %parallel_loop3A_610 = vector.broadcast %parallel_loop3A_608 : i32 to vector<16xi32>
      %parallel_loop3A_611 = arith.select %parallel_loop3A_606, %parallel_loop3A_609, %parallel_loop3A_610 : vector<16xi1>, vector<16xi32>
      %parallel_loop3A_612 = arith.subi %parallel_loop3A_603, %parallel_loop3A_611 : vector<16xi32>
      %parallel_loop3A_613 = arith.constant 1999 : i32
      %parallel_loop3A_614 = vector.broadcast %parallel_loop3A_613 : i32 to vector<16xi32>
      %parallel_loop3A_615 = arith.addi %parallel_loop3A_588, %parallel_loop3A_614 : vector<16xi32>
      %parallel_loop3A_616 = arith.constant 2001 : i32
      %parallel_loop3A_617 = vector.broadcast %parallel_loop3A_616 : i32 to vector<16xi32>
      %parallel_loop3A_618 = arith.addi %parallel_loop3A_588, %parallel_loop3A_617 : vector<16xi32>
      %parallel_loop3A_619 = arith.constant 15 : i32
      %parallel_loop3A_620 = vector.broadcast %parallel_loop3A_619 : i32 to vector<16xi32>
      %parallel_loop3A_621 = arith.cmpi eq, %iota3A, %parallel_loop3A_620 : vector<16xi32>
      %parallel_loop3A_622 = arith.constant 40 : i32
      %parallel_loop3A_623 = arith.constant 0 : i32
      %parallel_loop3A_624 = vector.broadcast %parallel_loop3A_622 : i32 to vector<16xi32>
      %parallel_loop3A_625 = vector.broadcast %parallel_loop3A_623 : i32 to vector<16xi32>
      %parallel_loop3A_626 = arith.select %parallel_loop3A_621, %parallel_loop3A_624, %parallel_loop3A_625 : vector<16xi1>, vector<16xi32>
      %parallel_loop3A_627 = arith.subi %parallel_loop3A_618, %parallel_loop3A_626 : vector<16xi32>
      %parallel_loop3A_628 = arith.index_cast %parallel_loop3A_582 : i32 to index
      %parallel_loop3A_629 = tpu.vector_load %arg19[%parallel_loop3A_628] {strides = array<i32>} : memref<2000xf32, #tpu.memory_space<vmem>>, vector<16xf32>,
      %parallel_loop3A_630 = arith.index_cast %parallel_loop3A_582 : i32 to index
      %parallel_loop3A_631 = tpu.vector_load %arg11[%parallel_loop3A_630] {strides = array<i32>} : memref<6000xf32, #tpu.memory_space<vmem>>, vector<16xf32>,
      %parallel_loop3A_632 = arith.index_cast %parallel_loop3A_586 : i32 to index
      %parallel_loop3A_633 = tpu.vector_load %arg11[%parallel_loop3A_632] {strides = array<i32>} : memref<6000xf32, #tpu.memory_space<vmem>>, vector<16xf32>,
      %parallel_loop3A_634 = arith.addf %parallel_loop3A_631, %parallel_loop3A_633 : vector<16xf32>
      %parallel_loop3A_635 = tpu.vector_load_idx %arg11[%parallel_loop3A_600] : memref<6000xf32, #tpu.memory_space<vmem>>[vector<16xi32>], vector<16xf32>,
      %parallel_loop3A_636 = arith.addf %parallel_loop3A_634, %parallel_loop3A_635 : vector<16xf32>
      %parallel_loop3A_637 = tpu.vector_load_idx %arg11[%parallel_loop3A_612] : memref<6000xf32, #tpu.memory_space<vmem>>[vector<16xi32>], vector<16xf32>,
      %parallel_loop3A_638 = arith.addf %parallel_loop3A_636, %parallel_loop3A_637 : vector<16xf32>
      %parallel_loop3A_639 = tpu.vector_load_idx %arg11[%parallel_loop3A_615] : memref<6000xf32, #tpu.memory_space<vmem>>[vector<16xi32>], vector<16xf32>,
      %parallel_loop3A_640 = tpu.vector_load_idx %arg11[%parallel_loop3A_627] : memref<6000xf32, #tpu.memory_space<vmem>>[vector<16xi32>], vector<16xf32>,
      %parallel_loop3A_641 = arith.addf %parallel_loop3A_639, %parallel_loop3A_640 : vector<16xf32>
      %parallel_loop3A_642 = arith.mulf %parallel_loop3A_629, %parallel_loop3A_641 : vector<16xf32>
      %parallel_loop3A_643 = arith.addf %parallel_loop3A_638, %parallel_loop3A_642 : vector<16xf32>
      %parallel_loop3A_644 = arith.index_cast %parallel_loop3A_582 : i32 to index
      %parallel_loop3A_645 = tpu.vector_load %arg10[%parallel_loop3A_644] {strides = array<i32>} : memref<6000xf32, #tpu.memory_space<vmem>>, vector<16xf32>,
      %parallel_loop3A_646 = arith.index_cast %parallel_loop3A_586 : i32 to index
      %parallel_loop3A_647 = tpu.vector_load %arg10[%parallel_loop3A_646] {strides = array<i32>} : memref<6000xf32, #tpu.memory_space<vmem>>, vector<16xf32>,
      %parallel_loop3A_648 = arith.addf %parallel_loop3A_645, %parallel_loop3A_647 : vector<16xf32>
      %parallel_loop3A_649 = tpu.vector_load_idx %arg10[%parallel_loop3A_600] : memref<6000xf32, #tpu.memory_space<vmem>>[vector<16xi32>], vector<16xf32>,
      %parallel_loop3A_650 = arith.addf %parallel_loop3A_648, %parallel_loop3A_649 : vector<16xf32>
      %parallel_loop3A_651 = tpu.vector_load_idx %arg10[%parallel_loop3A_612] : memref<6000xf32, #tpu.memory_space<vmem>>[vector<16xi32>], vector<16xf32>,
      %parallel_loop3A_652 = arith.addf %parallel_loop3A_650, %parallel_loop3A_651 : vector<16xf32>
      %parallel_loop3A_653 = tpu.vector_load_idx %arg10[%parallel_loop3A_615] : memref<6000xf32, #tpu.memory_space<vmem>>[vector<16xi32>], vector<16xf32>,
      %parallel_loop3A_654 = tpu.vector_load_idx %arg10[%parallel_loop3A_627] : memref<6000xf32, #tpu.memory_space<vmem>>[vector<16xi32>], vector<16xf32>,
      %parallel_loop3A_655 = arith.addf %parallel_loop3A_653, %parallel_loop3A_654 : vector<16xf32>
      %parallel_loop3A_656 = arith.mulf %parallel_loop3A_629, %parallel_loop3A_655 : vector<16xf32>
      %parallel_loop3A_657 = arith.addf %parallel_loop3A_652, %parallel_loop3A_656 : vector<16xf32>
      %parallel_loop3A_658 = arith.index_cast %parallel_loop3A_584 : i32 to index
      %parallel_loop3A_659 = tpu.vector_load %arg10[%parallel_loop3A_658] {strides = array<i32>} : memref<6000xf32, #tpu.memory_space<vmem>>, vector<16xf32>,
      %parallel_loop3A_660 = arith.index_cast %parallel_loop3A_584 : i32 to index
      %parallel_loop3A_661 = tpu.vector_load %arg11[%parallel_loop3A_660] {strides = array<i32>} : memref<6000xf32, #tpu.memory_space<vmem>>, vector<16xf32>,
      %parallel_loop3A_662 = arith.index_cast %parallel_loop3A_582 : i32 to index
      %parallel_loop3A_663 = tpu.vector_load %arg14[%parallel_loop3A_662] {strides = array<i32>} : memref<2000xf32, #tpu.memory_space<vmem>>, vector<16xf32>,
      %parallel_loop3A_664 = arith.index_cast %parallel_loop3A_582 : i32 to index
      %parallel_loop3A_665 = tpu.vector_load %arg18[%parallel_loop3A_664] {strides = array<i32>} : memref<2000xf32, #tpu.memory_space<vmem>>, vector<16xf32>,
      %parallel_loop3A_666 = arith.index_cast %parallel_loop3A_582 : i32 to index
      %parallel_loop3A_667 = tpu.vector_load %arg17[%parallel_loop3A_666] {strides = array<i32>} : memref<2000xf32, #tpu.memory_space<vmem>>, vector<16xf32>,
      %parallel_loop3A_668 = arith.mulf %parallel_loop3A_659, %parallel_loop3A_659 : vector<16xf32>
      %parallel_loop3A_669 = arith.mulf %parallel_loop3A_661, %parallel_loop3A_661 : vector<16xf32>
      %parallel_loop3A_670 = arith.addf %parallel_loop3A_668, %parallel_loop3A_669 : vector<16xf32>
      %parallel_loop3A_671 = arith.mulf %parallel_loop3A_667, %parallel_loop3A_670 : vector<16xf32>
      %parallel_loop3A_672 = arith.mulf %parallel_loop3A_663, %parallel_loop3A_661 : vector<16xf32>
      %parallel_loop3A_673 = arith.mulf %parallel_loop3A_665, %parallel_loop3A_643 : vector<16xf32>
      %parallel_loop3A_674 = arith.subf %parallel_loop3A_672, %parallel_loop3A_673 : vector<16xf32>
      %parallel_loop3A_675 = arith.index_cast %parallel_loop3A_582 : i32 to index
      %parallel_loop3A_676 = tpu.vector_load %arg16[%parallel_loop3A_675] {strides = array<i32>} : memref<2000xf32, #tpu.memory_space<vmem>>, vector<16xf32>,
      %parallel_loop3A_677 = arith.addf %parallel_loop3A_674, %parallel_loop3A_676 : vector<16xf32>
      %parallel_loop3A_678 = arith.mulf %parallel_loop3A_671, %parallel_loop3A_661 : vector<16xf32>
      %parallel_loop3A_679 = arith.addf %parallel_loop3A_677, %parallel_loop3A_678 : vector<16xf32>
      %parallel_loop3A_680 = arith.index_cast %parallel_loop3A_582 : i32 to index
      %parallel_loop3A_681 = tpu.vector_load %arg26[%parallel_loop3A_680] {strides = array<i32>} : memref<2000xf32, #tpu.memory_space<vmem>>, vector<16xf32>,
      tpu.vector_store %arg26[%parallel_loop3A_680], %parallel_loop3A_679 {strides = array<i32>} : memref<2000xf32, #tpu.memory_space<vmem>>, vector<16xf32>,
      %parallel_loop3A_682 = arith.mulf %parallel_loop3A_665, %parallel_loop3A_657 : vector<16xf32>
      %parallel_loop3A_683 = arith.mulf %parallel_loop3A_663, %parallel_loop3A_659 : vector<16xf32>
      %parallel_loop3A_684 = arith.subf %parallel_loop3A_682, %parallel_loop3A_683 : vector<16xf32>
      %parallel_loop3A_685 = arith.index_cast %parallel_loop3A_582 : i32 to index
      %parallel_loop3A_686 = tpu.vector_load %arg15[%parallel_loop3A_685] {strides = array<i32>} : memref<2000xf32, #tpu.memory_space<vmem>>, vector<16xf32>,
      %parallel_loop3A_687 = arith.subf %parallel_loop3A_684, %parallel_loop3A_686 : vector<16xf32>
      %parallel_loop3A_688 = arith.mulf %parallel_loop3A_671, %parallel_loop3A_659 : vector<16xf32>
      %parallel_loop3A_689 = arith.subf %parallel_loop3A_687, %parallel_loop3A_688 : vector<16xf32>
      %parallel_loop3A_690 = arith.index_cast %parallel_loop3A_582 : i32 to index
      %parallel_loop3A_691 = tpu.vector_load %arg27[%parallel_loop3A_690] {strides = array<i32>} : memref<2000xf32, #tpu.memory_space<vmem>>, vector<16xf32>,
      tpu.vector_store %arg27[%parallel_loop3A_690], %parallel_loop3A_689 {strides = array<i32>} : memref<2000xf32, #tpu.memory_space<vmem>>, vector<16xf32>,
    } {sc.loop_unroll_factor = 1 : i64, sc.parallel_access}
    %mul3A_121 = arith.constant 2000 : i32
    %mul3A_122 = arith.muli %add3A, %mul3A_121 : i32
    %add3A_123 = arith.constant 100000 : i32
    %add3A_124 = arith.addi %add3A_123, %mul3A_122 : i32
    %dma_start3A_125 = tpu.memref_slice %arg9[%mul3A_122] : memref<200000xf32, #tpu.memory_space<hbm>> -> memref<2000xf32, #tpu.memory_space<hbm>>
    %dma_start3A_126 = tpu.memref_slice %arg9[%mul3A_122] : memref<200000xf32, #tpu.memory_space<hbm>> -> memref<2000xf32, #tpu.memory_space<hbm>>
    tpu.enqueue_dma source(%arg26 : memref<2000xf32, #tpu.memory_space<vmem>>) target(%dma_start3A_126 : memref<2000xf32, #tpu.memory_space<hbm>>) target_semaphore(%arg32 : memref<!tpu.dma_semaphore, #tpu.memory_space<semaphore_mem>>)
    %dma_start3A_127 = tpu.memref_slice %arg9[%add3A_124] : memref<200000xf32, #tpu.memory_space<hbm>> -> memref<2000xf32, #tpu.memory_space<hbm>>
    %dma_start3A_128 = tpu.memref_slice %arg9[%add3A_124] : memref<200000xf32, #tpu.memory_space<hbm>> -> memref<2000xf32, #tpu.memory_space<hbm>>
    tpu.enqueue_dma source(%arg27 : memref<2000xf32, #tpu.memory_space<vmem>>) target(%dma_start3A_128 : memref<2000xf32, #tpu.memory_space<hbm>>) target_semaphore(%arg32 : memref<!tpu.dma_semaphore, #tpu.memory_space<semaphore_mem>>)
    %lt3A_129 = arith.constant 50 : i32
    %lt3A_130 = arith.cmpi slt, %add3A_2, %lt3A_129 : i32
    %convert_element_type3A_131 = arith.extui %lt3A_130 : i1 to i32
    %cond3A_132 = arith.constant 0 : i32
    %cond3A_133 = arith.cmpi ne, %convert_element_type3A_131, %cond3A_132 : i32
    scf.if %cond3A_133 {
      %mul3A_143 = arith.constant 2000 : i32
      %mul3A_144 = arith.muli %add3A_2, %mul3A_143 : i32
      %add3A_145 = arith.constant 50 : i32
      %add3A_146 = arith.addi %add3A_2, %add3A_145 : i32
      %sub3A_147 = arith.constant 1 : i32
      %sub3A_148 = arith.subi %add3A_146, %sub3A_147 : i32
      %rem3A_149 = arith.constant 50 : i32
      %rem3A_150 = arith.remsi %sub3A_148, %rem3A_149 : i32
      %mul3A_151 = arith.constant 2000 : i32
      %mul3A_152 = arith.muli %rem3A_150, %mul3A_151 : i32
      %add3A_153 = arith.constant 1 : i32
      %add3A_154 = arith.addi %add3A_2, %add3A_153 : i32
      %rem3A_155 = arith.constant 50 : i32
      %rem3A_156 = arith.remsi %add3A_154, %rem3A_155 : i32
      %mul3A_157 = arith.constant 2000 : i32
      %mul3A_158 = arith.muli %rem3A_156, %mul3A_157 : i32
      %add3A_159 = arith.constant 100000 : i32
      %add3A_160 = arith.addi %add3A_159, %mul3A_152 : i32
      %add3A_161 = arith.constant 100000 : i32
      %add3A_162 = arith.addi %add3A_161, %mul3A_144 : i32
      %add3A_163 = arith.constant 100000 : i32
      %add3A_164 = arith.addi %add3A_163, %mul3A_158 : i32
      %dma_wait3A_165 = arith.constant 0 : i32
      %dma_wait3A_166 = tpu.memref_slice %arg12[%dma_wait3A_165] : memref<6000xf32, #tpu.memory_space<vmem>> -> memref<2000xf32, #tpu.memory_space<vmem>>
      %dma_wait3A_167 = tpu.memref_slice %arg2[%mul3A_152] : memref<200000xf32, #tpu.memory_space<hbm>> -> memref<2000xf32, #tpu.memory_space<hbm>>
      %dma_wait3A_168 = arith.constant 0 : i32
      %dma_wait3A_169 = tpu.memref_slice %arg12[%dma_wait3A_168] : memref<6000xf32, #tpu.memory_space<vmem>> -> memref<2000xf32, #tpu.memory_space<vmem>>
      %dma_wait3A_170 = tpu.memref_slice %arg2[%mul3A_152] : memref<200000xf32, #tpu.memory_space<hbm>> -> memref<2000xf32, #tpu.memory_space<hbm>>
      tpu.wait_dma2 semaphore(%arg31 : memref<!tpu.dma_semaphore, #tpu.memory_space<semaphore_mem>>) src(%dma_wait3A_170 : memref<2000xf32, #tpu.memory_space<hbm>>) dst(%dma_wait3A_169 : memref<2000xf32, #tpu.memory_space<vmem>>)
      %dma_wait3A_171 = arith.constant 2000 : i32
      %dma_wait3A_172 = tpu.memref_slice %arg12[%dma_wait3A_171] : memref<6000xf32, #tpu.memory_space<vmem>> -> memref<2000xf32, #tpu.memory_space<vmem>>
      %dma_wait3A_173 = tpu.memref_slice %arg2[%mul3A_144] : memref<200000xf32, #tpu.memory_space<hbm>> -> memref<2000xf32, #tpu.memory_space<hbm>>
      %dma_wait3A_174 = arith.constant 2000 : i32
      %dma_wait3A_175 = tpu.memref_slice %arg12[%dma_wait3A_174] : memref<6000xf32, #tpu.memory_space<vmem>> -> memref<2000xf32, #tpu.memory_space<vmem>>
      %dma_wait3A_176 = tpu.memref_slice %arg2[%mul3A_144] : memref<200000xf32, #tpu.memory_space<hbm>> -> memref<2000xf32, #tpu.memory_space<hbm>>
      tpu.wait_dma2 semaphore(%arg31 : memref<!tpu.dma_semaphore, #tpu.memory_space<semaphore_mem>>) src(%dma_wait3A_176 : memref<2000xf32, #tpu.memory_space<hbm>>) dst(%dma_wait3A_175 : memref<2000xf32, #tpu.memory_space<vmem>>)
      %dma_wait3A_177 = arith.constant 4000 : i32
      %dma_wait3A_178 = tpu.memref_slice %arg12[%dma_wait3A_177] : memref<6000xf32, #tpu.memory_space<vmem>> -> memref<2000xf32, #tpu.memory_space<vmem>>
      %dma_wait3A_179 = tpu.memref_slice %arg2[%mul3A_158] : memref<200000xf32, #tpu.memory_space<hbm>> -> memref<2000xf32, #tpu.memory_space<hbm>>
      %dma_wait3A_180 = arith.constant 4000 : i32
      %dma_wait3A_181 = tpu.memref_slice %arg12[%dma_wait3A_180] : memref<6000xf32, #tpu.memory_space<vmem>> -> memref<2000xf32, #tpu.memory_space<vmem>>
      %dma_wait3A_182 = tpu.memref_slice %arg2[%mul3A_158] : memref<200000xf32, #tpu.memory_space<hbm>> -> memref<2000xf32, #tpu.memory_space<hbm>>
      tpu.wait_dma2 semaphore(%arg31 : memref<!tpu.dma_semaphore, #tpu.memory_space<semaphore_mem>>) src(%dma_wait3A_182 : memref<2000xf32, #tpu.memory_space<hbm>>) dst(%dma_wait3A_181 : memref<2000xf32, #tpu.memory_space<vmem>>)
      %dma_wait3A_183 = arith.constant 0 : i32
      %dma_wait3A_184 = tpu.memref_slice %arg13[%dma_wait3A_183] : memref<6000xf32, #tpu.memory_space<vmem>> -> memref<2000xf32, #tpu.memory_space<vmem>>
      %dma_wait3A_185 = tpu.memref_slice %arg2[%add3A_160] : memref<200000xf32, #tpu.memory_space<hbm>> -> memref<2000xf32, #tpu.memory_space<hbm>>
      %dma_wait3A_186 = arith.constant 0 : i32
      %dma_wait3A_187 = tpu.memref_slice %arg13[%dma_wait3A_186] : memref<6000xf32, #tpu.memory_space<vmem>> -> memref<2000xf32, #tpu.memory_space<vmem>>
      %dma_wait3A_188 = tpu.memref_slice %arg2[%add3A_160] : memref<200000xf32, #tpu.memory_space<hbm>> -> memref<2000xf32, #tpu.memory_space<hbm>>
      tpu.wait_dma2 semaphore(%arg31 : memref<!tpu.dma_semaphore, #tpu.memory_space<semaphore_mem>>) src(%dma_wait3A_188 : memref<2000xf32, #tpu.memory_space<hbm>>) dst(%dma_wait3A_187 : memref<2000xf32, #tpu.memory_space<vmem>>)
      %dma_wait3A_189 = arith.constant 2000 : i32
      %dma_wait3A_190 = tpu.memref_slice %arg13[%dma_wait3A_189] : memref<6000xf32, #tpu.memory_space<vmem>> -> memref<2000xf32, #tpu.memory_space<vmem>>
      %dma_wait3A_191 = tpu.memref_slice %arg2[%add3A_162] : memref<200000xf32, #tpu.memory_space<hbm>> -> memref<2000xf32, #tpu.memory_space<hbm>>
      %dma_wait3A_192 = arith.constant 2000 : i32
      %dma_wait3A_193 = tpu.memref_slice %arg13[%dma_wait3A_192] : memref<6000xf32, #tpu.memory_space<vmem>> -> memref<2000xf32, #tpu.memory_space<vmem>>
      %dma_wait3A_194 = tpu.memref_slice %arg2[%add3A_162] : memref<200000xf32, #tpu.memory_space<hbm>> -> memref<2000xf32, #tpu.memory_space<hbm>>
      tpu.wait_dma2 semaphore(%arg31 : memref<!tpu.dma_semaphore, #tpu.memory_space<semaphore_mem>>) src(%dma_wait3A_194 : memref<2000xf32, #tpu.memory_space<hbm>>) dst(%dma_wait3A_193 : memref<2000xf32, #tpu.memory_space<vmem>>)
      %dma_wait3A_195 = arith.constant 4000 : i32
      %dma_wait3A_196 = tpu.memref_slice %arg13[%dma_wait3A_195] : memref<6000xf32, #tpu.memory_space<vmem>> -> memref<2000xf32, #tpu.memory_space<vmem>>
      %dma_wait3A_197 = tpu.memref_slice %arg2[%add3A_164] : memref<200000xf32, #tpu.memory_space<hbm>> -> memref<2000xf32, #tpu.memory_space<hbm>>
      %dma_wait3A_198 = arith.constant 4000 : i32
      %dma_wait3A_199 = tpu.memref_slice %arg13[%dma_wait3A_198] : memref<6000xf32, #tpu.memory_space<vmem>> -> memref<2000xf32, #tpu.memory_space<vmem>>
      %dma_wait3A_200 = tpu.memref_slice %arg2[%add3A_164] : memref<200000xf32, #tpu.memory_space<hbm>> -> memref<2000xf32, #tpu.memory_space<hbm>>
      tpu.wait_dma2 semaphore(%arg31 : memref<!tpu.dma_semaphore, #tpu.memory_space<semaphore_mem>>) src(%dma_wait3A_200 : memref<2000xf32, #tpu.memory_space<hbm>>) dst(%dma_wait3A_199 : memref<2000xf32, #tpu.memory_space<vmem>>)
      %dma_wait3A_201 = tpu.memref_slice %arg5[%mul3A_144] : memref<100000xf32, #tpu.memory_space<hbm>> -> memref<2000xf32, #tpu.memory_space<hbm>>
      %dma_wait3A_202 = tpu.memref_slice %arg5[%mul3A_144] : memref<100000xf32, #tpu.memory_space<hbm>> -> memref<2000xf32, #tpu.memory_space<hbm>>
      tpu.wait_dma2 semaphore(%arg31 : memref<!tpu.dma_semaphore, #tpu.memory_space<semaphore_mem>>) src(%dma_wait3A_202 : memref<2000xf32, #tpu.memory_space<hbm>>) dst(%arg20 : memref<2000xf32, #tpu.memory_space<vmem>>)
      %dma_wait3A_203 = tpu.memref_slice %arg6[%mul3A_144] : memref<100000xf32, #tpu.memory_space<hbm>> -> memref<2000xf32, #tpu.memory_space<hbm>>
      %dma_wait3A_204 = tpu.memref_slice %arg6[%mul3A_144] : memref<100000xf32, #tpu.memory_space<hbm>> -> memref<2000xf32, #tpu.memory_space<hbm>>
      tpu.wait_dma2 semaphore(%arg31 : memref<!tpu.dma_semaphore, #tpu.memory_space<semaphore_mem>>) src(%dma_wait3A_204 : memref<2000xf32, #tpu.memory_space<hbm>>) dst(%arg21 : memref<2000xf32, #tpu.memory_space<vmem>>)
      %dma_wait3A_205 = tpu.memref_slice %arg7[%mul3A_144] : memref<100000xf32, #tpu.memory_space<hbm>> -> memref<2000xf32, #tpu.memory_space<hbm>>
      %dma_wait3A_206 = tpu.memref_slice %arg7[%mul3A_144] : memref<100000xf32, #tpu.memory_space<hbm>> -> memref<2000xf32, #tpu.memory_space<hbm>>
      tpu.wait_dma2 semaphore(%arg31 : memref<!tpu.dma_semaphore, #tpu.memory_space<semaphore_mem>>) src(%dma_wait3A_206 : memref<2000xf32, #tpu.memory_space<hbm>>) dst(%arg22 : memref<2000xf32, #tpu.memory_space<vmem>>)
      %dma_wait3A_207 = tpu.memref_slice %arg8[%mul3A_144] : memref<100000xf32, #tpu.memory_space<hbm>> -> memref<2000xf32, #tpu.memory_space<hbm>>
      %dma_wait3A_208 = tpu.memref_slice %arg8[%mul3A_144] : memref<100000xf32, #tpu.memory_space<hbm>> -> memref<2000xf32, #tpu.memory_space<hbm>>
      tpu.wait_dma2 semaphore(%arg31 : memref<!tpu.dma_semaphore, #tpu.memory_space<semaphore_mem>>) src(%dma_wait3A_208 : memref<2000xf32, #tpu.memory_space<hbm>>) dst(%arg23 : memref<2000xf32, #tpu.memory_space<vmem>>)
      %dma_wait3A_209 = tpu.memref_slice %arg3[%mul3A_144] : memref<100000xf32, #tpu.memory_space<hbm>> -> memref<2000xf32, #tpu.memory_space<hbm>>
      %dma_wait3A_210 = tpu.memref_slice %arg3[%mul3A_144] : memref<100000xf32, #tpu.memory_space<hbm>> -> memref<2000xf32, #tpu.memory_space<hbm>>
      tpu.wait_dma2 semaphore(%arg31 : memref<!tpu.dma_semaphore, #tpu.memory_space<semaphore_mem>>) src(%dma_wait3A_210 : memref<2000xf32, #tpu.memory_space<hbm>>) dst(%arg24 : memref<2000xf32, #tpu.memory_space<vmem>>)
      %dma_wait3A_211 = tpu.memref_slice %arg4[%mul3A_144] : memref<100000xf32, #tpu.memory_space<hbm>> -> memref<2000xf32, #tpu.memory_space<hbm>>
      %dma_wait3A_212 = tpu.memref_slice %arg4[%mul3A_144] : memref<100000xf32, #tpu.memory_space<hbm>> -> memref<2000xf32, #tpu.memory_space<hbm>>
      tpu.wait_dma2 semaphore(%arg31 : memref<!tpu.dma_semaphore, #tpu.memory_space<semaphore_mem>>) src(%dma_wait3A_212 : memref<2000xf32, #tpu.memory_space<hbm>>) dst(%arg25 : memref<2000xf32, #tpu.memory_space<vmem>>)
      %iota3A_213 = tpu.iota {dimensions = array<i32: 0>} : vector<16xi32>
      %parallel_loop3A_214 = arith.constant 0 : i32
      %parallel_loop3A_215 = arith.constant 25 : i32
      %parallel_loop3A_216 = arith.constant 1 : i32
      scf.for %parallel_loop3A_225 = %parallel_loop3A_214 to %parallel_loop3A_215 step %parallel_loop3A_216  : i32 {
        %parallel_loop3A_226 = arith.constant 80 : i32
        %parallel_loop3A_227 = arith.muli %parallel_loop3A_225, %parallel_loop3A_226 : i32
        %parallel_loop3A_228 = arith.constant 0 : i32
        %parallel_loop3A_229 = arith.addi %parallel_loop3A_227, %parallel_loop3A_228 : i32
        %parallel_loop3A_230 = arith.constant 2000 : i32
        %parallel_loop3A_231 = arith.addi %parallel_loop3A_230, %parallel_loop3A_229 : i32
        %parallel_loop3A_232 = arith.constant 4000 : i32
        %parallel_loop3A_233 = arith.addi %parallel_loop3A_232, %parallel_loop3A_229 : i32
        %parallel_loop3A_234 = vector.broadcast %parallel_loop3A_229 : i32 to vector<16xi32>
        %parallel_loop3A_235 = arith.addi %parallel_loop3A_234, %iota3A_213 : vector<16xi32>
        %parallel_loop3A_236 = arith.constant 1960 : i32
        %parallel_loop3A_237 = vector.broadcast %parallel_loop3A_236 : i32 to vector<16xi32>
        %parallel_loop3A_238 = arith.addi %parallel_loop3A_235, %parallel_loop3A_237 : vector<16xi32>
        %parallel_loop3A_239 = arith.constant 40 : i32
        %parallel_loop3A_240 = vector.broadcast %parallel_loop3A_239 : i32 to vector<16xi32>
        %parallel_loop3A_241 = arith.cmpi slt, %parallel_loop3A_235, %parallel_loop3A_240 : vector<16xi32>
        %parallel_loop3A_242 = arith.constant 2000 : i32
        %parallel_loop3A_243 = arith.constant 0 : i32
        %parallel_loop3A_244 = vector.broadcast %parallel_loop3A_242 : i32 to vector<16xi32>
        %parallel_loop3A_245 = vector.broadcast %parallel_loop3A_243 : i32 to vector<16xi32>
        %parallel_loop3A_246 = arith.select %parallel_loop3A_241, %parallel_loop3A_244, %parallel_loop3A_245 : vector<16xi1>, vector<16xi32>
        %parallel_loop3A_247 = arith.addi %parallel_loop3A_238, %parallel_loop3A_246 : vector<16xi32>
        %parallel_loop3A_248 = arith.constant 2040 : i32
        %parallel_loop3A_249 = vector.broadcast %parallel_loop3A_248 : i32 to vector<16xi32>
        %parallel_loop3A_250 = arith.addi %parallel_loop3A_235, %parallel_loop3A_249 : vector<16xi32>
        %parallel_loop3A_251 = arith.constant 1960 : i32
        %parallel_loop3A_252 = vector.broadcast %parallel_loop3A_251 : i32 to vector<16xi32>
        %parallel_loop3A_253 = arith.cmpi sge, %parallel_loop3A_235, %parallel_loop3A_252 : vector<16xi32>
        %parallel_loop3A_254 = arith.constant 2000 : i32
        %parallel_loop3A_255 = arith.constant 0 : i32
        %parallel_loop3A_256 = vector.broadcast %parallel_loop3A_254 : i32 to vector<16xi32>
        %parallel_loop3A_257 = vector.broadcast %parallel_loop3A_255 : i32 to vector<16xi32>
        %parallel_loop3A_258 = arith.select %parallel_loop3A_253, %parallel_loop3A_256, %parallel_loop3A_257 : vector<16xi1>, vector<16xi32>
        %parallel_loop3A_259 = arith.subi %parallel_loop3A_250, %parallel_loop3A_258 : vector<16xi32>
        %parallel_loop3A_260 = arith.constant 1999 : i32
        %parallel_loop3A_261 = vector.broadcast %parallel_loop3A_260 : i32 to vector<16xi32>
        %parallel_loop3A_262 = arith.addi %parallel_loop3A_235, %parallel_loop3A_261 : vector<16xi32>
        %parallel_loop3A_263 = arith.constant 0 : i32
        %parallel_loop3A_264 = vector.broadcast %parallel_loop3A_263 : i32 to vector<16xi32>
        %parallel_loop3A_265 = arith.cmpi eq, %iota3A_213, %parallel_loop3A_264 : vector<16xi32>
        %parallel_loop3A_266 = arith.constant 40 : i32
        %parallel_loop3A_267 = arith.constant 0 : i32
        %parallel_loop3A_268 = vector.broadcast %parallel_loop3A_266 : i32 to vector<16xi32>
        %parallel_loop3A_269 = vector.broadcast %parallel_loop3A_267 : i32 to vector<16xi32>
        %parallel_loop3A_270 = arith.select %parallel_loop3A_265, %parallel_loop3A_268, %parallel_loop3A_269 : vector<16xi1>, vector<16xi32>
        %parallel_loop3A_271 = arith.addi %parallel_loop3A_262, %parallel_loop3A_270 : vector<16xi32>
        %parallel_loop3A_272 = arith.constant 2001 : i32
        %parallel_loop3A_273 = vector.broadcast %parallel_loop3A_272 : i32 to vector<16xi32>
        %parallel_loop3A_274 = arith.addi %parallel_loop3A_235, %parallel_loop3A_273 : vector<16xi32>
        %parallel_loop3A_275 = arith.index_cast %parallel_loop3A_229 : i32 to index
        %parallel_loop3A_276 = tpu.vector_load %arg25[%parallel_loop3A_275] {strides = array<i32>} : memref<2000xf32, #tpu.memory_space<vmem>>, vector<16xf32>,
        %parallel_loop3A_277 = arith.index_cast %parallel_loop3A_229 : i32 to index
        %parallel_loop3A_278 = tpu.vector_load %arg13[%parallel_loop3A_277] {strides = array<i32>} : memref<6000xf32, #tpu.memory_space<vmem>>, vector<16xf32>,
        %parallel_loop3A_279 = arith.index_cast %parallel_loop3A_233 : i32 to index
        %parallel_loop3A_280 = tpu.vector_load %arg13[%parallel_loop3A_279] {strides = array<i32>} : memref<6000xf32, #tpu.memory_space<vmem>>, vector<16xf32>,
        %parallel_loop3A_281 = arith.addf %parallel_loop3A_278, %parallel_loop3A_280 : vector<16xf32>
        %parallel_loop3A_282 = tpu.vector_load_idx %arg13[%parallel_loop3A_247] : memref<6000xf32, #tpu.memory_space<vmem>>[vector<16xi32>], vector<16xf32>,
        %parallel_loop3A_283 = arith.addf %parallel_loop3A_281, %parallel_loop3A_282 : vector<16xf32>
        %parallel_loop3A_284 = tpu.vector_load_idx %arg13[%parallel_loop3A_259] : memref<6000xf32, #tpu.memory_space<vmem>>[vector<16xi32>], vector<16xf32>,
        %parallel_loop3A_285 = arith.addf %parallel_loop3A_283, %parallel_loop3A_284 : vector<16xf32>
        %parallel_loop3A_286 = tpu.vector_load_idx %arg13[%parallel_loop3A_271] : memref<6000xf32, #tpu.memory_space<vmem>>[vector<16xi32>], vector<16xf32>,
        %parallel_loop3A_287 = tpu.vector_load_idx %arg13[%parallel_loop3A_274] : memref<6000xf32, #tpu.memory_space<vmem>>[vector<16xi32>], vector<16xf32>,
        %parallel_loop3A_288 = arith.addf %parallel_loop3A_286, %parallel_loop3A_287 : vector<16xf32>
        %parallel_loop3A_289 = arith.mulf %parallel_loop3A_276, %parallel_loop3A_288 : vector<16xf32>
        %parallel_loop3A_290 = arith.addf %parallel_loop3A_285, %parallel_loop3A_289 : vector<16xf32>
        %parallel_loop3A_291 = arith.index_cast %parallel_loop3A_229 : i32 to index
        %parallel_loop3A_292 = tpu.vector_load %arg12[%parallel_loop3A_291] {strides = array<i32>} : memref<6000xf32, #tpu.memory_space<vmem>>, vector<16xf32>,
        %parallel_loop3A_293 = arith.index_cast %parallel_loop3A_233 : i32 to index
        %parallel_loop3A_294 = tpu.vector_load %arg12[%parallel_loop3A_293] {strides = array<i32>} : memref<6000xf32, #tpu.memory_space<vmem>>, vector<16xf32>,
        %parallel_loop3A_295 = arith.addf %parallel_loop3A_292, %parallel_loop3A_294 : vector<16xf32>
        %parallel_loop3A_296 = tpu.vector_load_idx %arg12[%parallel_loop3A_247] : memref<6000xf32, #tpu.memory_space<vmem>>[vector<16xi32>], vector<16xf32>,
        %parallel_loop3A_297 = arith.addf %parallel_loop3A_295, %parallel_loop3A_296 : vector<16xf32>
        %parallel_loop3A_298 = tpu.vector_load_idx %arg12[%parallel_loop3A_259] : memref<6000xf32, #tpu.memory_space<vmem>>[vector<16xi32>], vector<16xf32>,
        %parallel_loop3A_299 = arith.addf %parallel_loop3A_297, %parallel_loop3A_298 : vector<16xf32>
        %parallel_loop3A_300 = tpu.vector_load_idx %arg12[%parallel_loop3A_271] : memref<6000xf32, #tpu.memory_space<vmem>>[vector<16xi32>], vector<16xf32>,
        %parallel_loop3A_301 = tpu.vector_load_idx %arg12[%parallel_loop3A_274] : memref<6000xf32, #tpu.memory_space<vmem>>[vector<16xi32>], vector<16xf32>,
        %parallel_loop3A_302 = arith.addf %parallel_loop3A_300, %parallel_loop3A_301 : vector<16xf32>
        %parallel_loop3A_303 = arith.mulf %parallel_loop3A_276, %parallel_loop3A_302 : vector<16xf32>
        %parallel_loop3A_304 = arith.addf %parallel_loop3A_299, %parallel_loop3A_303 : vector<16xf32>
        %parallel_loop3A_305 = arith.index_cast %parallel_loop3A_231 : i32 to index
        %parallel_loop3A_306 = tpu.vector_load %arg12[%parallel_loop3A_305] {strides = array<i32>} : memref<6000xf32, #tpu.memory_space<vmem>>, vector<16xf32>,
        %parallel_loop3A_307 = arith.index_cast %parallel_loop3A_231 : i32 to index
        %parallel_loop3A_308 = tpu.vector_load %arg13[%parallel_loop3A_307] {strides = array<i32>} : memref<6000xf32, #tpu.memory_space<vmem>>, vector<16xf32>,
        %parallel_loop3A_309 = arith.index_cast %parallel_loop3A_229 : i32 to index
        %parallel_loop3A_310 = tpu.vector_load %arg20[%parallel_loop3A_309] {strides = array<i32>} : memref<2000xf32, #tpu.memory_space<vmem>>, vector<16xf32>,
        %parallel_loop3A_311 = arith.index_cast %parallel_loop3A_229 : i32 to index
        %parallel_loop3A_312 = tpu.vector_load %arg24[%parallel_loop3A_311] {strides = array<i32>} : memref<2000xf32, #tpu.memory_space<vmem>>, vector<16xf32>,
        %parallel_loop3A_313 = arith.index_cast %parallel_loop3A_229 : i32 to index
        %parallel_loop3A_314 = tpu.vector_load %arg23[%parallel_loop3A_313] {strides = array<i32>} : memref<2000xf32, #tpu.memory_space<vmem>>, vector<16xf32>,
        %parallel_loop3A_315 = arith.mulf %parallel_loop3A_306, %parallel_loop3A_306 : vector<16xf32>
        %parallel_loop3A_316 = arith.mulf %parallel_loop3A_308, %parallel_loop3A_308 : vector<16xf32>
        %parallel_loop3A_317 = arith.addf %parallel_loop3A_315, %parallel_loop3A_316 : vector<16xf32>
        %parallel_loop3A_318 = arith.mulf %parallel_loop3A_314, %parallel_loop3A_317 : vector<16xf32>
        %parallel_loop3A_319 = arith.mulf %parallel_loop3A_310, %parallel_loop3A_308 : vector<16xf32>
        %parallel_loop3A_320 = arith.mulf %parallel_loop3A_312, %parallel_loop3A_290 : vector<16xf32>
        %parallel_loop3A_321 = arith.subf %parallel_loop3A_319, %parallel_loop3A_320 : vector<16xf32>
        %parallel_loop3A_322 = arith.index_cast %parallel_loop3A_229 : i32 to index
        %parallel_loop3A_323 = tpu.vector_load %arg22[%parallel_loop3A_322] {strides = array<i32>} : memref<2000xf32, #tpu.memory_space<vmem>>, vector<16xf32>,
        %parallel_loop3A_324 = arith.addf %parallel_loop3A_321, %parallel_loop3A_323 : vector<16xf32>
        %parallel_loop3A_325 = arith.mulf %parallel_loop3A_318, %parallel_loop3A_308 : vector<16xf32>
        %parallel_loop3A_326 = arith.addf %parallel_loop3A_324, %parallel_loop3A_325 : vector<16xf32>
        %parallel_loop3A_327 = arith.index_cast %parallel_loop3A_229 : i32 to index
        %parallel_loop3A_328 = tpu.vector_load %arg28[%parallel_loop3A_327] {strides = array<i32>} : memref<2000xf32, #tpu.memory_space<vmem>>, vector<16xf32>,
        tpu.vector_store %arg28[%parallel_loop3A_327], %parallel_loop3A_326 {strides = array<i32>} : memref<2000xf32, #tpu.memory_space<vmem>>, vector<16xf32>,
        %parallel_loop3A_329 = arith.mulf %parallel_loop3A_312, %parallel_loop3A_304 : vector<16xf32>
        %parallel_loop3A_330 = arith.mulf %parallel_loop3A_310, %parallel_loop3A_306 : vector<16xf32>
        %parallel_loop3A_331 = arith.subf %parallel_loop3A_329, %parallel_loop3A_330 : vector<16xf32>
        %parallel_loop3A_332 = arith.index_cast %parallel_loop3A_229 : i32 to index
        %parallel_loop3A_333 = tpu.vector_load %arg21[%parallel_loop3A_332] {strides = array<i32>} : memref<2000xf32, #tpu.memory_space<vmem>>, vector<16xf32>,
        %parallel_loop3A_334 = arith.subf %parallel_loop3A_331, %parallel_loop3A_333 : vector<16xf32>
        %parallel_loop3A_335 = arith.mulf %parallel_loop3A_318, %parallel_loop3A_306 : vector<16xf32>
        %parallel_loop3A_336 = arith.subf %parallel_loop3A_334, %parallel_loop3A_335 : vector<16xf32>
        %parallel_loop3A_337 = arith.index_cast %parallel_loop3A_229 : i32 to index
        %parallel_loop3A_338 = tpu.vector_load %arg29[%parallel_loop3A_337] {strides = array<i32>} : memref<2000xf32, #tpu.memory_space<vmem>>, vector<16xf32>,
        tpu.vector_store %arg29[%parallel_loop3A_337], %parallel_loop3A_336 {strides = array<i32>} : memref<2000xf32, #tpu.memory_space<vmem>>, vector<16xf32>,
        %parallel_loop3A_339 = arith.constant 16 : i32
        %parallel_loop3A_340 = arith.addi %parallel_loop3A_227, %parallel_loop3A_339 : i32
        %parallel_loop3A_341 = arith.constant 2000 : i32
        %parallel_loop3A_342 = arith.addi %parallel_loop3A_341, %parallel_loop3A_340 : i32
        %parallel_loop3A_343 = arith.constant 4000 : i32
        %parallel_loop3A_344 = arith.addi %parallel_loop3A_343, %parallel_loop3A_340 : i32
        %parallel_loop3A_345 = vector.broadcast %parallel_loop3A_340 : i32 to vector<16xi32>
        %parallel_loop3A_346 = arith.addi %parallel_loop3A_345, %iota3A_213 : vector<16xi32>
        %parallel_loop3A_347 = arith.constant 1960 : i32
        %parallel_loop3A_348 = vector.broadcast %parallel_loop3A_347 : i32 to vector<16xi32>
        %parallel_loop3A_349 = arith.addi %parallel_loop3A_346, %parallel_loop3A_348 : vector<16xi32>
        %parallel_loop3A_350 = arith.constant 40 : i32
        %parallel_loop3A_351 = vector.broadcast %parallel_loop3A_350 : i32 to vector<16xi32>
        %parallel_loop3A_352 = arith.cmpi slt, %parallel_loop3A_346, %parallel_loop3A_351 : vector<16xi32>
        %parallel_loop3A_353 = arith.constant 2000 : i32
        %parallel_loop3A_354 = arith.constant 0 : i32
        %parallel_loop3A_355 = vector.broadcast %parallel_loop3A_353 : i32 to vector<16xi32>
        %parallel_loop3A_356 = vector.broadcast %parallel_loop3A_354 : i32 to vector<16xi32>
        %parallel_loop3A_357 = arith.select %parallel_loop3A_352, %parallel_loop3A_355, %parallel_loop3A_356 : vector<16xi1>, vector<16xi32>
        %parallel_loop3A_358 = arith.addi %parallel_loop3A_349, %parallel_loop3A_357 : vector<16xi32>
        %parallel_loop3A_359 = arith.constant 2040 : i32
        %parallel_loop3A_360 = vector.broadcast %parallel_loop3A_359 : i32 to vector<16xi32>
        %parallel_loop3A_361 = arith.addi %parallel_loop3A_346, %parallel_loop3A_360 : vector<16xi32>
        %parallel_loop3A_362 = arith.constant 1960 : i32
        %parallel_loop3A_363 = vector.broadcast %parallel_loop3A_362 : i32 to vector<16xi32>
        %parallel_loop3A_364 = arith.cmpi sge, %parallel_loop3A_346, %parallel_loop3A_363 : vector<16xi32>
        %parallel_loop3A_365 = arith.constant 2000 : i32
        %parallel_loop3A_366 = arith.constant 0 : i32
        %parallel_loop3A_367 = vector.broadcast %parallel_loop3A_365 : i32 to vector<16xi32>
        %parallel_loop3A_368 = vector.broadcast %parallel_loop3A_366 : i32 to vector<16xi32>
        %parallel_loop3A_369 = arith.select %parallel_loop3A_364, %parallel_loop3A_367, %parallel_loop3A_368 : vector<16xi1>, vector<16xi32>
        %parallel_loop3A_370 = arith.subi %parallel_loop3A_361, %parallel_loop3A_369 : vector<16xi32>
        %parallel_loop3A_371 = arith.constant 1999 : i32
        %parallel_loop3A_372 = vector.broadcast %parallel_loop3A_371 : i32 to vector<16xi32>
        %parallel_loop3A_373 = arith.addi %parallel_loop3A_346, %parallel_loop3A_372 : vector<16xi32>
        %parallel_loop3A_374 = arith.constant 2001 : i32
        %parallel_loop3A_375 = vector.broadcast %parallel_loop3A_374 : i32 to vector<16xi32>
        %parallel_loop3A_376 = arith.addi %parallel_loop3A_346, %parallel_loop3A_375 : vector<16xi32>
        %parallel_loop3A_377 = arith.index_cast %parallel_loop3A_340 : i32 to index
        %parallel_loop3A_378 = tpu.vector_load %arg25[%parallel_loop3A_377] {strides = array<i32>} : memref<2000xf32, #tpu.memory_space<vmem>>, vector<16xf32>,
        %parallel_loop3A_379 = arith.index_cast %parallel_loop3A_340 : i32 to index
        %parallel_loop3A_380 = tpu.vector_load %arg13[%parallel_loop3A_379] {strides = array<i32>} : memref<6000xf32, #tpu.memory_space<vmem>>, vector<16xf32>,
        %parallel_loop3A_381 = arith.index_cast %parallel_loop3A_344 : i32 to index
        %parallel_loop3A_382 = tpu.vector_load %arg13[%parallel_loop3A_381] {strides = array<i32>} : memref<6000xf32, #tpu.memory_space<vmem>>, vector<16xf32>,
        %parallel_loop3A_383 = arith.addf %parallel_loop3A_380, %parallel_loop3A_382 : vector<16xf32>
        %parallel_loop3A_384 = tpu.vector_load_idx %arg13[%parallel_loop3A_358] : memref<6000xf32, #tpu.memory_space<vmem>>[vector<16xi32>], vector<16xf32>,
        %parallel_loop3A_385 = arith.addf %parallel_loop3A_383, %parallel_loop3A_384 : vector<16xf32>
        %parallel_loop3A_386 = tpu.vector_load_idx %arg13[%parallel_loop3A_370] : memref<6000xf32, #tpu.memory_space<vmem>>[vector<16xi32>], vector<16xf32>,
        %parallel_loop3A_387 = arith.addf %parallel_loop3A_385, %parallel_loop3A_386 : vector<16xf32>
        %parallel_loop3A_388 = tpu.vector_load_idx %arg13[%parallel_loop3A_373] : memref<6000xf32, #tpu.memory_space<vmem>>[vector<16xi32>], vector<16xf32>,
        %parallel_loop3A_389 = tpu.vector_load_idx %arg13[%parallel_loop3A_376] : memref<6000xf32, #tpu.memory_space<vmem>>[vector<16xi32>], vector<16xf32>,
        %parallel_loop3A_390 = arith.addf %parallel_loop3A_388, %parallel_loop3A_389 : vector<16xf32>
        %parallel_loop3A_391 = arith.mulf %parallel_loop3A_378, %parallel_loop3A_390 : vector<16xf32>
        %parallel_loop3A_392 = arith.addf %parallel_loop3A_387, %parallel_loop3A_391 : vector<16xf32>
        %parallel_loop3A_393 = arith.index_cast %parallel_loop3A_340 : i32 to index
        %parallel_loop3A_394 = tpu.vector_load %arg12[%parallel_loop3A_393] {strides = array<i32>} : memref<6000xf32, #tpu.memory_space<vmem>>, vector<16xf32>,
        %parallel_loop3A_395 = arith.index_cast %parallel_loop3A_344 : i32 to index
        %parallel_loop3A_396 = tpu.vector_load %arg12[%parallel_loop3A_395] {strides = array<i32>} : memref<6000xf32, #tpu.memory_space<vmem>>, vector<16xf32>,
        %parallel_loop3A_397 = arith.addf %parallel_loop3A_394, %parallel_loop3A_396 : vector<16xf32>
        %parallel_loop3A_398 = tpu.vector_load_idx %arg12[%parallel_loop3A_358] : memref<6000xf32, #tpu.memory_space<vmem>>[vector<16xi32>], vector<16xf32>,
        %parallel_loop3A_399 = arith.addf %parallel_loop3A_397, %parallel_loop3A_398 : vector<16xf32>
        %parallel_loop3A_400 = tpu.vector_load_idx %arg12[%parallel_loop3A_370] : memref<6000xf32, #tpu.memory_space<vmem>>[vector<16xi32>], vector<16xf32>,
        %parallel_loop3A_401 = arith.addf %parallel_loop3A_399, %parallel_loop3A_400 : vector<16xf32>
        %parallel_loop3A_402 = tpu.vector_load_idx %arg12[%parallel_loop3A_373] : memref<6000xf32, #tpu.memory_space<vmem>>[vector<16xi32>], vector<16xf32>,
        %parallel_loop3A_403 = tpu.vector_load_idx %arg12[%parallel_loop3A_376] : memref<6000xf32, #tpu.memory_space<vmem>>[vector<16xi32>], vector<16xf32>,
        %parallel_loop3A_404 = arith.addf %parallel_loop3A_402, %parallel_loop3A_403 : vector<16xf32>
        %parallel_loop3A_405 = arith.mulf %parallel_loop3A_378, %parallel_loop3A_404 : vector<16xf32>
        %parallel_loop3A_406 = arith.addf %parallel_loop3A_401, %parallel_loop3A_405 : vector<16xf32>
        %parallel_loop3A_407 = arith.index_cast %parallel_loop3A_342 : i32 to index
        %parallel_loop3A_408 = tpu.vector_load %arg12[%parallel_loop3A_407] {strides = array<i32>} : memref<6000xf32, #tpu.memory_space<vmem>>, vector<16xf32>,
        %parallel_loop3A_409 = arith.index_cast %parallel_loop3A_342 : i32 to index
        %parallel_loop3A_410 = tpu.vector_load %arg13[%parallel_loop3A_409] {strides = array<i32>} : memref<6000xf32, #tpu.memory_space<vmem>>, vector<16xf32>,
        %parallel_loop3A_411 = arith.index_cast %parallel_loop3A_340 : i32 to index
        %parallel_loop3A_412 = tpu.vector_load %arg20[%parallel_loop3A_411] {strides = array<i32>} : memref<2000xf32, #tpu.memory_space<vmem>>, vector<16xf32>,
        %parallel_loop3A_413 = arith.index_cast %parallel_loop3A_340 : i32 to index
        %parallel_loop3A_414 = tpu.vector_load %arg24[%parallel_loop3A_413] {strides = array<i32>} : memref<2000xf32, #tpu.memory_space<vmem>>, vector<16xf32>,
        %parallel_loop3A_415 = arith.index_cast %parallel_loop3A_340 : i32 to index
        %parallel_loop3A_416 = tpu.vector_load %arg23[%parallel_loop3A_415] {strides = array<i32>} : memref<2000xf32, #tpu.memory_space<vmem>>, vector<16xf32>,
        %parallel_loop3A_417 = arith.mulf %parallel_loop3A_408, %parallel_loop3A_408 : vector<16xf32>
        %parallel_loop3A_418 = arith.mulf %parallel_loop3A_410, %parallel_loop3A_410 : vector<16xf32>
        %parallel_loop3A_419 = arith.addf %parallel_loop3A_417, %parallel_loop3A_418 : vector<16xf32>
        %parallel_loop3A_420 = arith.mulf %parallel_loop3A_416, %parallel_loop3A_419 : vector<16xf32>
        %parallel_loop3A_421 = arith.mulf %parallel_loop3A_412, %parallel_loop3A_410 : vector<16xf32>
        %parallel_loop3A_422 = arith.mulf %parallel_loop3A_414, %parallel_loop3A_392 : vector<16xf32>
        %parallel_loop3A_423 = arith.subf %parallel_loop3A_421, %parallel_loop3A_422 : vector<16xf32>
        %parallel_loop3A_424 = arith.index_cast %parallel_loop3A_340 : i32 to index
        %parallel_loop3A_425 = tpu.vector_load %arg22[%parallel_loop3A_424] {strides = array<i32>} : memref<2000xf32, #tpu.memory_space<vmem>>, vector<16xf32>,
        %parallel_loop3A_426 = arith.addf %parallel_loop3A_423, %parallel_loop3A_425 : vector<16xf32>
        %parallel_loop3A_427 = arith.mulf %parallel_loop3A_420, %parallel_loop3A_410 : vector<16xf32>
        %parallel_loop3A_428 = arith.addf %parallel_loop3A_426, %parallel_loop3A_427 : vector<16xf32>
        %parallel_loop3A_429 = arith.index_cast %parallel_loop3A_340 : i32 to index
        %parallel_loop3A_430 = tpu.vector_load %arg28[%parallel_loop3A_429] {strides = array<i32>} : memref<2000xf32, #tpu.memory_space<vmem>>, vector<16xf32>,
        tpu.vector_store %arg28[%parallel_loop3A_429], %parallel_loop3A_428 {strides = array<i32>} : memref<2000xf32, #tpu.memory_space<vmem>>, vector<16xf32>,
        %parallel_loop3A_431 = arith.mulf %parallel_loop3A_414, %parallel_loop3A_406 : vector<16xf32>
        %parallel_loop3A_432 = arith.mulf %parallel_loop3A_412, %parallel_loop3A_408 : vector<16xf32>
        %parallel_loop3A_433 = arith.subf %parallel_loop3A_431, %parallel_loop3A_432 : vector<16xf32>
        %parallel_loop3A_434 = arith.index_cast %parallel_loop3A_340 : i32 to index
        %parallel_loop3A_435 = tpu.vector_load %arg21[%parallel_loop3A_434] {strides = array<i32>} : memref<2000xf32, #tpu.memory_space<vmem>>, vector<16xf32>,
        %parallel_loop3A_436 = arith.subf %parallel_loop3A_433, %parallel_loop3A_435 : vector<16xf32>
        %parallel_loop3A_437 = arith.mulf %parallel_loop3A_420, %parallel_loop3A_408 : vector<16xf32>
        %parallel_loop3A_438 = arith.subf %parallel_loop3A_436, %parallel_loop3A_437 : vector<16xf32>
        %parallel_loop3A_439 = arith.index_cast %parallel_loop3A_340 : i32 to index
        %parallel_loop3A_440 = tpu.vector_load %arg29[%parallel_loop3A_439] {strides = array<i32>} : memref<2000xf32, #tpu.memory_space<vmem>>, vector<16xf32>,
        tpu.vector_store %arg29[%parallel_loop3A_439], %parallel_loop3A_438 {strides = array<i32>} : memref<2000xf32, #tpu.memory_space<vmem>>, vector<16xf32>,
        %parallel_loop3A_441 = arith.constant 32 : i32
        %parallel_loop3A_442 = arith.addi %parallel_loop3A_227, %parallel_loop3A_441 : i32
        %parallel_loop3A_443 = arith.constant 2000 : i32
        %parallel_loop3A_444 = arith.addi %parallel_loop3A_443, %parallel_loop3A_442 : i32
        %parallel_loop3A_445 = arith.constant 4000 : i32
        %parallel_loop3A_446 = arith.addi %parallel_loop3A_445, %parallel_loop3A_442 : i32
        %parallel_loop3A_447 = vector.broadcast %parallel_loop3A_442 : i32 to vector<16xi32>
        %parallel_loop3A_448 = arith.addi %parallel_loop3A_447, %iota3A_213 : vector<16xi32>
        %parallel_loop3A_449 = arith.constant 1960 : i32
        %parallel_loop3A_450 = vector.broadcast %parallel_loop3A_449 : i32 to vector<16xi32>
        %parallel_loop3A_451 = arith.addi %parallel_loop3A_448, %parallel_loop3A_450 : vector<16xi32>
        %parallel_loop3A_452 = arith.constant 40 : i32
        %parallel_loop3A_453 = vector.broadcast %parallel_loop3A_452 : i32 to vector<16xi32>
        %parallel_loop3A_454 = arith.cmpi slt, %parallel_loop3A_448, %parallel_loop3A_453 : vector<16xi32>
        %parallel_loop3A_455 = arith.constant 2000 : i32
        %parallel_loop3A_456 = arith.constant 0 : i32
        %parallel_loop3A_457 = vector.broadcast %parallel_loop3A_455 : i32 to vector<16xi32>
        %parallel_loop3A_458 = vector.broadcast %parallel_loop3A_456 : i32 to vector<16xi32>
        %parallel_loop3A_459 = arith.select %parallel_loop3A_454, %parallel_loop3A_457, %parallel_loop3A_458 : vector<16xi1>, vector<16xi32>
        %parallel_loop3A_460 = arith.addi %parallel_loop3A_451, %parallel_loop3A_459 : vector<16xi32>
        %parallel_loop3A_461 = arith.constant 2040 : i32
        %parallel_loop3A_462 = vector.broadcast %parallel_loop3A_461 : i32 to vector<16xi32>
        %parallel_loop3A_463 = arith.addi %parallel_loop3A_448, %parallel_loop3A_462 : vector<16xi32>
        %parallel_loop3A_464 = arith.constant 1960 : i32
        %parallel_loop3A_465 = vector.broadcast %parallel_loop3A_464 : i32 to vector<16xi32>
        %parallel_loop3A_466 = arith.cmpi sge, %parallel_loop3A_448, %parallel_loop3A_465 : vector<16xi32>
        %parallel_loop3A_467 = arith.constant 2000 : i32
        %parallel_loop3A_468 = arith.constant 0 : i32
        %parallel_loop3A_469 = vector.broadcast %parallel_loop3A_467 : i32 to vector<16xi32>
        %parallel_loop3A_470 = vector.broadcast %parallel_loop3A_468 : i32 to vector<16xi32>
        %parallel_loop3A_471 = arith.select %parallel_loop3A_466, %parallel_loop3A_469, %parallel_loop3A_470 : vector<16xi1>, vector<16xi32>
        %parallel_loop3A_472 = arith.subi %parallel_loop3A_463, %parallel_loop3A_471 : vector<16xi32>
        %parallel_loop3A_473 = arith.constant 1999 : i32
        %parallel_loop3A_474 = vector.broadcast %parallel_loop3A_473 : i32 to vector<16xi32>
        %parallel_loop3A_475 = arith.addi %parallel_loop3A_448, %parallel_loop3A_474 : vector<16xi32>
        %parallel_loop3A_476 = arith.constant 8 : i32
        %parallel_loop3A_477 = vector.broadcast %parallel_loop3A_476 : i32 to vector<16xi32>
        %parallel_loop3A_478 = arith.cmpi eq, %iota3A_213, %parallel_loop3A_477 : vector<16xi32>
        %parallel_loop3A_479 = arith.constant 40 : i32
        %parallel_loop3A_480 = arith.constant 0 : i32
        %parallel_loop3A_481 = vector.broadcast %parallel_loop3A_479 : i32 to vector<16xi32>
        %parallel_loop3A_482 = vector.broadcast %parallel_loop3A_480 : i32 to vector<16xi32>
        %parallel_loop3A_483 = arith.select %parallel_loop3A_478, %parallel_loop3A_481, %parallel_loop3A_482 : vector<16xi1>, vector<16xi32>
        %parallel_loop3A_484 = arith.addi %parallel_loop3A_475, %parallel_loop3A_483 : vector<16xi32>
        %parallel_loop3A_485 = arith.constant 2001 : i32
        %parallel_loop3A_486 = vector.broadcast %parallel_loop3A_485 : i32 to vector<16xi32>
        %parallel_loop3A_487 = arith.addi %parallel_loop3A_448, %parallel_loop3A_486 : vector<16xi32>
        %parallel_loop3A_488 = arith.constant 7 : i32
        %parallel_loop3A_489 = vector.broadcast %parallel_loop3A_488 : i32 to vector<16xi32>
        %parallel_loop3A_490 = arith.cmpi eq, %iota3A_213, %parallel_loop3A_489 : vector<16xi32>
        %parallel_loop3A_491 = arith.constant 40 : i32
        %parallel_loop3A_492 = arith.constant 0 : i32
        %parallel_loop3A_493 = vector.broadcast %parallel_loop3A_491 : i32 to vector<16xi32>
        %parallel_loop3A_494 = vector.broadcast %parallel_loop3A_492 : i32 to vector<16xi32>
        %parallel_loop3A_495 = arith.select %parallel_loop3A_490, %parallel_loop3A_493, %parallel_loop3A_494 : vector<16xi1>, vector<16xi32>
        %parallel_loop3A_496 = arith.subi %parallel_loop3A_487, %parallel_loop3A_495 : vector<16xi32>
        %parallel_loop3A_497 = arith.index_cast %parallel_loop3A_442 : i32 to index
        %parallel_loop3A_498 = tpu.vector_load %arg25[%parallel_loop3A_497] {strides = array<i32>} : memref<2000xf32, #tpu.memory_space<vmem>>, vector<16xf32>,
        %parallel_loop3A_499 = arith.index_cast %parallel_loop3A_442 : i32 to index
        %parallel_loop3A_500 = tpu.vector_load %arg13[%parallel_loop3A_499] {strides = array<i32>} : memref<6000xf32, #tpu.memory_space<vmem>>, vector<16xf32>,
        %parallel_loop3A_501 = arith.index_cast %parallel_loop3A_446 : i32 to index
        %parallel_loop3A_502 = tpu.vector_load %arg13[%parallel_loop3A_501] {strides = array<i32>} : memref<6000xf32, #tpu.memory_space<vmem>>, vector<16xf32>,
        %parallel_loop3A_503 = arith.addf %parallel_loop3A_500, %parallel_loop3A_502 : vector<16xf32>
        %parallel_loop3A_504 = tpu.vector_load_idx %arg13[%parallel_loop3A_460] : memref<6000xf32, #tpu.memory_space<vmem>>[vector<16xi32>], vector<16xf32>,
        %parallel_loop3A_505 = arith.addf %parallel_loop3A_503, %parallel_loop3A_504 : vector<16xf32>
        %parallel_loop3A_506 = tpu.vector_load_idx %arg13[%parallel_loop3A_472] : memref<6000xf32, #tpu.memory_space<vmem>>[vector<16xi32>], vector<16xf32>,
        %parallel_loop3A_507 = arith.addf %parallel_loop3A_505, %parallel_loop3A_506 : vector<16xf32>
        %parallel_loop3A_508 = tpu.vector_load_idx %arg13[%parallel_loop3A_484] : memref<6000xf32, #tpu.memory_space<vmem>>[vector<16xi32>], vector<16xf32>,
        %parallel_loop3A_509 = tpu.vector_load_idx %arg13[%parallel_loop3A_496] : memref<6000xf32, #tpu.memory_space<vmem>>[vector<16xi32>], vector<16xf32>,
        %parallel_loop3A_510 = arith.addf %parallel_loop3A_508, %parallel_loop3A_509 : vector<16xf32>
        %parallel_loop3A_511 = arith.mulf %parallel_loop3A_498, %parallel_loop3A_510 : vector<16xf32>
        %parallel_loop3A_512 = arith.addf %parallel_loop3A_507, %parallel_loop3A_511 : vector<16xf32>
        %parallel_loop3A_513 = arith.index_cast %parallel_loop3A_442 : i32 to index
        %parallel_loop3A_514 = tpu.vector_load %arg12[%parallel_loop3A_513] {strides = array<i32>} : memref<6000xf32, #tpu.memory_space<vmem>>, vector<16xf32>,
        %parallel_loop3A_515 = arith.index_cast %parallel_loop3A_446 : i32 to index
        %parallel_loop3A_516 = tpu.vector_load %arg12[%parallel_loop3A_515] {strides = array<i32>} : memref<6000xf32, #tpu.memory_space<vmem>>, vector<16xf32>,
        %parallel_loop3A_517 = arith.addf %parallel_loop3A_514, %parallel_loop3A_516 : vector<16xf32>
        %parallel_loop3A_518 = tpu.vector_load_idx %arg12[%parallel_loop3A_460] : memref<6000xf32, #tpu.memory_space<vmem>>[vector<16xi32>], vector<16xf32>,
        %parallel_loop3A_519 = arith.addf %parallel_loop3A_517, %parallel_loop3A_518 : vector<16xf32>
        %parallel_loop3A_520 = tpu.vector_load_idx %arg12[%parallel_loop3A_472] : memref<6000xf32, #tpu.memory_space<vmem>>[vector<16xi32>], vector<16xf32>,
        %parallel_loop3A_521 = arith.addf %parallel_loop3A_519, %parallel_loop3A_520 : vector<16xf32>
        %parallel_loop3A_522 = tpu.vector_load_idx %arg12[%parallel_loop3A_484] : memref<6000xf32, #tpu.memory_space<vmem>>[vector<16xi32>], vector<16xf32>,
        %parallel_loop3A_523 = tpu.vector_load_idx %arg12[%parallel_loop3A_496] : memref<6000xf32, #tpu.memory_space<vmem>>[vector<16xi32>], vector<16xf32>,
        %parallel_loop3A_524 = arith.addf %parallel_loop3A_522, %parallel_loop3A_523 : vector<16xf32>
        %parallel_loop3A_525 = arith.mulf %parallel_loop3A_498, %parallel_loop3A_524 : vector<16xf32>
        %parallel_loop3A_526 = arith.addf %parallel_loop3A_521, %parallel_loop3A_525 : vector<16xf32>
        %parallel_loop3A_527 = arith.index_cast %parallel_loop3A_444 : i32 to index
        %parallel_loop3A_528 = tpu.vector_load %arg12[%parallel_loop3A_527] {strides = array<i32>} : memref<6000xf32, #tpu.memory_space<vmem>>, vector<16xf32>,
        %parallel_loop3A_529 = arith.index_cast %parallel_loop3A_444 : i32 to index
        %parallel_loop3A_530 = tpu.vector_load %arg13[%parallel_loop3A_529] {strides = array<i32>} : memref<6000xf32, #tpu.memory_space<vmem>>, vector<16xf32>,
        %parallel_loop3A_531 = arith.index_cast %parallel_loop3A_442 : i32 to index
        %parallel_loop3A_532 = tpu.vector_load %arg20[%parallel_loop3A_531] {strides = array<i32>} : memref<2000xf32, #tpu.memory_space<vmem>>, vector<16xf32>,
        %parallel_loop3A_533 = arith.index_cast %parallel_loop3A_442 : i32 to index
        %parallel_loop3A_534 = tpu.vector_load %arg24[%parallel_loop3A_533] {strides = array<i32>} : memref<2000xf32, #tpu.memory_space<vmem>>, vector<16xf32>,
        %parallel_loop3A_535 = arith.index_cast %parallel_loop3A_442 : i32 to index
        %parallel_loop3A_536 = tpu.vector_load %arg23[%parallel_loop3A_535] {strides = array<i32>} : memref<2000xf32, #tpu.memory_space<vmem>>, vector<16xf32>,
        %parallel_loop3A_537 = arith.mulf %parallel_loop3A_528, %parallel_loop3A_528 : vector<16xf32>
        %parallel_loop3A_538 = arith.mulf %parallel_loop3A_530, %parallel_loop3A_530 : vector<16xf32>
        %parallel_loop3A_539 = arith.addf %parallel_loop3A_537, %parallel_loop3A_538 : vector<16xf32>
        %parallel_loop3A_540 = arith.mulf %parallel_loop3A_536, %parallel_loop3A_539 : vector<16xf32>
        %parallel_loop3A_541 = arith.mulf %parallel_loop3A_532, %parallel_loop3A_530 : vector<16xf32>
        %parallel_loop3A_542 = arith.mulf %parallel_loop3A_534, %parallel_loop3A_512 : vector<16xf32>
        %parallel_loop3A_543 = arith.subf %parallel_loop3A_541, %parallel_loop3A_542 : vector<16xf32>
        %parallel_loop3A_544 = arith.index_cast %parallel_loop3A_442 : i32 to index
        %parallel_loop3A_545 = tpu.vector_load %arg22[%parallel_loop3A_544] {strides = array<i32>} : memref<2000xf32, #tpu.memory_space<vmem>>, vector<16xf32>,
        %parallel_loop3A_546 = arith.addf %parallel_loop3A_543, %parallel_loop3A_545 : vector<16xf32>
        %parallel_loop3A_547 = arith.mulf %parallel_loop3A_540, %parallel_loop3A_530 : vector<16xf32>
        %parallel_loop3A_548 = arith.addf %parallel_loop3A_546, %parallel_loop3A_547 : vector<16xf32>
        %parallel_loop3A_549 = arith.index_cast %parallel_loop3A_442 : i32 to index
        %parallel_loop3A_550 = tpu.vector_load %arg28[%parallel_loop3A_549] {strides = array<i32>} : memref<2000xf32, #tpu.memory_space<vmem>>, vector<16xf32>,
        tpu.vector_store %arg28[%parallel_loop3A_549], %parallel_loop3A_548 {strides = array<i32>} : memref<2000xf32, #tpu.memory_space<vmem>>, vector<16xf32>,
        %parallel_loop3A_551 = arith.mulf %parallel_loop3A_534, %parallel_loop3A_526 : vector<16xf32>
        %parallel_loop3A_552 = arith.mulf %parallel_loop3A_532, %parallel_loop3A_528 : vector<16xf32>
        %parallel_loop3A_553 = arith.subf %parallel_loop3A_551, %parallel_loop3A_552 : vector<16xf32>
        %parallel_loop3A_554 = arith.index_cast %parallel_loop3A_442 : i32 to index
        %parallel_loop3A_555 = tpu.vector_load %arg21[%parallel_loop3A_554] {strides = array<i32>} : memref<2000xf32, #tpu.memory_space<vmem>>, vector<16xf32>,
        %parallel_loop3A_556 = arith.subf %parallel_loop3A_553, %parallel_loop3A_555 : vector<16xf32>
        %parallel_loop3A_557 = arith.mulf %parallel_loop3A_540, %parallel_loop3A_528 : vector<16xf32>
        %parallel_loop3A_558 = arith.subf %parallel_loop3A_556, %parallel_loop3A_557 : vector<16xf32>
        %parallel_loop3A_559 = arith.index_cast %parallel_loop3A_442 : i32 to index
        %parallel_loop3A_560 = tpu.vector_load %arg29[%parallel_loop3A_559] {strides = array<i32>} : memref<2000xf32, #tpu.memory_space<vmem>>, vector<16xf32>,
        tpu.vector_store %arg29[%parallel_loop3A_559], %parallel_loop3A_558 {strides = array<i32>} : memref<2000xf32, #tpu.memory_space<vmem>>, vector<16xf32>,
        %parallel_loop3A_561 = arith.constant 48 : i32
        %parallel_loop3A_562 = arith.addi %parallel_loop3A_227, %parallel_loop3A_561 : i32
        %parallel_loop3A_563 = arith.constant 2000 : i32
        %parallel_loop3A_564 = arith.addi %parallel_loop3A_563, %parallel_loop3A_562 : i32
        %parallel_loop3A_565 = arith.constant 4000 : i32
        %parallel_loop3A_566 = arith.addi %parallel_loop3A_565, %parallel_loop3A_562 : i32
        %parallel_loop3A_567 = vector.broadcast %parallel_loop3A_562 : i32 to vector<16xi32>
        %parallel_loop3A_568 = arith.addi %parallel_loop3A_567, %iota3A_213 : vector<16xi32>
        %parallel_loop3A_569 = arith.constant 1960 : i32
        %parallel_loop3A_570 = vector.broadcast %parallel_loop3A_569 : i32 to vector<16xi32>
        %parallel_loop3A_571 = arith.addi %parallel_loop3A_568, %parallel_loop3A_570 : vector<16xi32>
        %parallel_loop3A_572 = arith.constant 40 : i32
        %parallel_loop3A_573 = vector.broadcast %parallel_loop3A_572 : i32 to vector<16xi32>
        %parallel_loop3A_574 = arith.cmpi slt, %parallel_loop3A_568, %parallel_loop3A_573 : vector<16xi32>
        %parallel_loop3A_575 = arith.constant 2000 : i32
        %parallel_loop3A_576 = arith.constant 0 : i32
        %parallel_loop3A_577 = vector.broadcast %parallel_loop3A_575 : i32 to vector<16xi32>
        %parallel_loop3A_578 = vector.broadcast %parallel_loop3A_576 : i32 to vector<16xi32>
        %parallel_loop3A_579 = arith.select %parallel_loop3A_574, %parallel_loop3A_577, %parallel_loop3A_578 : vector<16xi1>, vector<16xi32>
        %parallel_loop3A_580 = arith.addi %parallel_loop3A_571, %parallel_loop3A_579 : vector<16xi32>
        %parallel_loop3A_581 = arith.constant 2040 : i32
        %parallel_loop3A_582 = vector.broadcast %parallel_loop3A_581 : i32 to vector<16xi32>
        %parallel_loop3A_583 = arith.addi %parallel_loop3A_568, %parallel_loop3A_582 : vector<16xi32>
        %parallel_loop3A_584 = arith.constant 1960 : i32
        %parallel_loop3A_585 = vector.broadcast %parallel_loop3A_584 : i32 to vector<16xi32>
        %parallel_loop3A_586 = arith.cmpi sge, %parallel_loop3A_568, %parallel_loop3A_585 : vector<16xi32>
        %parallel_loop3A_587 = arith.constant 2000 : i32
        %parallel_loop3A_588 = arith.constant 0 : i32
        %parallel_loop3A_589 = vector.broadcast %parallel_loop3A_587 : i32 to vector<16xi32>
        %parallel_loop3A_590 = vector.broadcast %parallel_loop3A_588 : i32 to vector<16xi32>
        %parallel_loop3A_591 = arith.select %parallel_loop3A_586, %parallel_loop3A_589, %parallel_loop3A_590 : vector<16xi1>, vector<16xi32>
        %parallel_loop3A_592 = arith.subi %parallel_loop3A_583, %parallel_loop3A_591 : vector<16xi32>
        %parallel_loop3A_593 = arith.constant 1999 : i32
        %parallel_loop3A_594 = vector.broadcast %parallel_loop3A_593 : i32 to vector<16xi32>
        %parallel_loop3A_595 = arith.addi %parallel_loop3A_568, %parallel_loop3A_594 : vector<16xi32>
        %parallel_loop3A_596 = arith.constant 2001 : i32
        %parallel_loop3A_597 = vector.broadcast %parallel_loop3A_596 : i32 to vector<16xi32>
        %parallel_loop3A_598 = arith.addi %parallel_loop3A_568, %parallel_loop3A_597 : vector<16xi32>
        %parallel_loop3A_599 = arith.index_cast %parallel_loop3A_562 : i32 to index
        %parallel_loop3A_600 = tpu.vector_load %arg25[%parallel_loop3A_599] {strides = array<i32>} : memref<2000xf32, #tpu.memory_space<vmem>>, vector<16xf32>,
        %parallel_loop3A_601 = arith.index_cast %parallel_loop3A_562 : i32 to index
        %parallel_loop3A_602 = tpu.vector_load %arg13[%parallel_loop3A_601] {strides = array<i32>} : memref<6000xf32, #tpu.memory_space<vmem>>, vector<16xf32>,
        %parallel_loop3A_603 = arith.index_cast %parallel_loop3A_566 : i32 to index
        %parallel_loop3A_604 = tpu.vector_load %arg13[%parallel_loop3A_603] {strides = array<i32>} : memref<6000xf32, #tpu.memory_space<vmem>>, vector<16xf32>,
        %parallel_loop3A_605 = arith.addf %parallel_loop3A_602, %parallel_loop3A_604 : vector<16xf32>
        %parallel_loop3A_606 = tpu.vector_load_idx %arg13[%parallel_loop3A_580] : memref<6000xf32, #tpu.memory_space<vmem>>[vector<16xi32>], vector<16xf32>,
        %parallel_loop3A_607 = arith.addf %parallel_loop3A_605, %parallel_loop3A_606 : vector<16xf32>
        %parallel_loop3A_608 = tpu.vector_load_idx %arg13[%parallel_loop3A_592] : memref<6000xf32, #tpu.memory_space<vmem>>[vector<16xi32>], vector<16xf32>,
        %parallel_loop3A_609 = arith.addf %parallel_loop3A_607, %parallel_loop3A_608 : vector<16xf32>
        %parallel_loop3A_610 = tpu.vector_load_idx %arg13[%parallel_loop3A_595] : memref<6000xf32, #tpu.memory_space<vmem>>[vector<16xi32>], vector<16xf32>,
        %parallel_loop3A_611 = tpu.vector_load_idx %arg13[%parallel_loop3A_598] : memref<6000xf32, #tpu.memory_space<vmem>>[vector<16xi32>], vector<16xf32>,
        %parallel_loop3A_612 = arith.addf %parallel_loop3A_610, %parallel_loop3A_611 : vector<16xf32>
        %parallel_loop3A_613 = arith.mulf %parallel_loop3A_600, %parallel_loop3A_612 : vector<16xf32>
        %parallel_loop3A_614 = arith.addf %parallel_loop3A_609, %parallel_loop3A_613 : vector<16xf32>
        %parallel_loop3A_615 = arith.index_cast %parallel_loop3A_562 : i32 to index
        %parallel_loop3A_616 = tpu.vector_load %arg12[%parallel_loop3A_615] {strides = array<i32>} : memref<6000xf32, #tpu.memory_space<vmem>>, vector<16xf32>,
        %parallel_loop3A_617 = arith.index_cast %parallel_loop3A_566 : i32 to index
        %parallel_loop3A_618 = tpu.vector_load %arg12[%parallel_loop3A_617] {strides = array<i32>} : memref<6000xf32, #tpu.memory_space<vmem>>, vector<16xf32>,
        %parallel_loop3A_619 = arith.addf %parallel_loop3A_616, %parallel_loop3A_618 : vector<16xf32>
        %parallel_loop3A_620 = tpu.vector_load_idx %arg12[%parallel_loop3A_580] : memref<6000xf32, #tpu.memory_space<vmem>>[vector<16xi32>], vector<16xf32>,
        %parallel_loop3A_621 = arith.addf %parallel_loop3A_619, %parallel_loop3A_620 : vector<16xf32>
        %parallel_loop3A_622 = tpu.vector_load_idx %arg12[%parallel_loop3A_592] : memref<6000xf32, #tpu.memory_space<vmem>>[vector<16xi32>], vector<16xf32>,
        %parallel_loop3A_623 = arith.addf %parallel_loop3A_621, %parallel_loop3A_622 : vector<16xf32>
        %parallel_loop3A_624 = tpu.vector_load_idx %arg12[%parallel_loop3A_595] : memref<6000xf32, #tpu.memory_space<vmem>>[vector<16xi32>], vector<16xf32>,
        %parallel_loop3A_625 = tpu.vector_load_idx %arg12[%parallel_loop3A_598] : memref<6000xf32, #tpu.memory_space<vmem>>[vector<16xi32>], vector<16xf32>,
        %parallel_loop3A_626 = arith.addf %parallel_loop3A_624, %parallel_loop3A_625 : vector<16xf32>
        %parallel_loop3A_627 = arith.mulf %parallel_loop3A_600, %parallel_loop3A_626 : vector<16xf32>
        %parallel_loop3A_628 = arith.addf %parallel_loop3A_623, %parallel_loop3A_627 : vector<16xf32>
        %parallel_loop3A_629 = arith.index_cast %parallel_loop3A_564 : i32 to index
        %parallel_loop3A_630 = tpu.vector_load %arg12[%parallel_loop3A_629] {strides = array<i32>} : memref<6000xf32, #tpu.memory_space<vmem>>, vector<16xf32>,
        %parallel_loop3A_631 = arith.index_cast %parallel_loop3A_564 : i32 to index
        %parallel_loop3A_632 = tpu.vector_load %arg13[%parallel_loop3A_631] {strides = array<i32>} : memref<6000xf32, #tpu.memory_space<vmem>>, vector<16xf32>,
        %parallel_loop3A_633 = arith.index_cast %parallel_loop3A_562 : i32 to index
        %parallel_loop3A_634 = tpu.vector_load %arg20[%parallel_loop3A_633] {strides = array<i32>} : memref<2000xf32, #tpu.memory_space<vmem>>, vector<16xf32>,
        %parallel_loop3A_635 = arith.index_cast %parallel_loop3A_562 : i32 to index
        %parallel_loop3A_636 = tpu.vector_load %arg24[%parallel_loop3A_635] {strides = array<i32>} : memref<2000xf32, #tpu.memory_space<vmem>>, vector<16xf32>,
        %parallel_loop3A_637 = arith.index_cast %parallel_loop3A_562 : i32 to index
        %parallel_loop3A_638 = tpu.vector_load %arg23[%parallel_loop3A_637] {strides = array<i32>} : memref<2000xf32, #tpu.memory_space<vmem>>, vector<16xf32>,
        %parallel_loop3A_639 = arith.mulf %parallel_loop3A_630, %parallel_loop3A_630 : vector<16xf32>
        %parallel_loop3A_640 = arith.mulf %parallel_loop3A_632, %parallel_loop3A_632 : vector<16xf32>
        %parallel_loop3A_641 = arith.addf %parallel_loop3A_639, %parallel_loop3A_640 : vector<16xf32>
        %parallel_loop3A_642 = arith.mulf %parallel_loop3A_638, %parallel_loop3A_641 : vector<16xf32>
        %parallel_loop3A_643 = arith.mulf %parallel_loop3A_634, %parallel_loop3A_632 : vector<16xf32>
        %parallel_loop3A_644 = arith.mulf %parallel_loop3A_636, %parallel_loop3A_614 : vector<16xf32>
        %parallel_loop3A_645 = arith.subf %parallel_loop3A_643, %parallel_loop3A_644 : vector<16xf32>
        %parallel_loop3A_646 = arith.index_cast %parallel_loop3A_562 : i32 to index
        %parallel_loop3A_647 = tpu.vector_load %arg22[%parallel_loop3A_646] {strides = array<i32>} : memref<2000xf32, #tpu.memory_space<vmem>>, vector<16xf32>,
        %parallel_loop3A_648 = arith.addf %parallel_loop3A_645, %parallel_loop3A_647 : vector<16xf32>
        %parallel_loop3A_649 = arith.mulf %parallel_loop3A_642, %parallel_loop3A_632 : vector<16xf32>
        %parallel_loop3A_650 = arith.addf %parallel_loop3A_648, %parallel_loop3A_649 : vector<16xf32>
        %parallel_loop3A_651 = arith.index_cast %parallel_loop3A_562 : i32 to index
        %parallel_loop3A_652 = tpu.vector_load %arg28[%parallel_loop3A_651] {strides = array<i32>} : memref<2000xf32, #tpu.memory_space<vmem>>, vector<16xf32>,
        tpu.vector_store %arg28[%parallel_loop3A_651], %parallel_loop3A_650 {strides = array<i32>} : memref<2000xf32, #tpu.memory_space<vmem>>, vector<16xf32>,
        %parallel_loop3A_653 = arith.mulf %parallel_loop3A_636, %parallel_loop3A_628 : vector<16xf32>
        %parallel_loop3A_654 = arith.mulf %parallel_loop3A_634, %parallel_loop3A_630 : vector<16xf32>
        %parallel_loop3A_655 = arith.subf %parallel_loop3A_653, %parallel_loop3A_654 : vector<16xf32>
        %parallel_loop3A_656 = arith.index_cast %parallel_loop3A_562 : i32 to index
        %parallel_loop3A_657 = tpu.vector_load %arg21[%parallel_loop3A_656] {strides = array<i32>} : memref<2000xf32, #tpu.memory_space<vmem>>, vector<16xf32>,
        %parallel_loop3A_658 = arith.subf %parallel_loop3A_655, %parallel_loop3A_657 : vector<16xf32>
        %parallel_loop3A_659 = arith.mulf %parallel_loop3A_642, %parallel_loop3A_630 : vector<16xf32>
        %parallel_loop3A_660 = arith.subf %parallel_loop3A_658, %parallel_loop3A_659 : vector<16xf32>
        %parallel_loop3A_661 = arith.index_cast %parallel_loop3A_562 : i32 to index
        %parallel_loop3A_662 = tpu.vector_load %arg29[%parallel_loop3A_661] {strides = array<i32>} : memref<2000xf32, #tpu.memory_space<vmem>>, vector<16xf32>,
        tpu.vector_store %arg29[%parallel_loop3A_661], %parallel_loop3A_660 {strides = array<i32>} : memref<2000xf32, #tpu.memory_space<vmem>>, vector<16xf32>,
        %parallel_loop3A_663 = arith.constant 64 : i32
        %parallel_loop3A_664 = arith.addi %parallel_loop3A_227, %parallel_loop3A_663 : i32
        %parallel_loop3A_665 = arith.constant 2000 : i32
        %parallel_loop3A_666 = arith.addi %parallel_loop3A_665, %parallel_loop3A_664 : i32
        %parallel_loop3A_667 = arith.constant 4000 : i32
        %parallel_loop3A_668 = arith.addi %parallel_loop3A_667, %parallel_loop3A_664 : i32
        %parallel_loop3A_669 = vector.broadcast %parallel_loop3A_664 : i32 to vector<16xi32>
        %parallel_loop3A_670 = arith.addi %parallel_loop3A_669, %iota3A_213 : vector<16xi32>
        %parallel_loop3A_671 = arith.constant 1960 : i32
        %parallel_loop3A_672 = vector.broadcast %parallel_loop3A_671 : i32 to vector<16xi32>
        %parallel_loop3A_673 = arith.addi %parallel_loop3A_670, %parallel_loop3A_672 : vector<16xi32>
        %parallel_loop3A_674 = arith.constant 40 : i32
        %parallel_loop3A_675 = vector.broadcast %parallel_loop3A_674 : i32 to vector<16xi32>
        %parallel_loop3A_676 = arith.cmpi slt, %parallel_loop3A_670, %parallel_loop3A_675 : vector<16xi32>
        %parallel_loop3A_677 = arith.constant 2000 : i32
        %parallel_loop3A_678 = arith.constant 0 : i32
        %parallel_loop3A_679 = vector.broadcast %parallel_loop3A_677 : i32 to vector<16xi32>
        %parallel_loop3A_680 = vector.broadcast %parallel_loop3A_678 : i32 to vector<16xi32>
        %parallel_loop3A_681 = arith.select %parallel_loop3A_676, %parallel_loop3A_679, %parallel_loop3A_680 : vector<16xi1>, vector<16xi32>
        %parallel_loop3A_682 = arith.addi %parallel_loop3A_673, %parallel_loop3A_681 : vector<16xi32>
        %parallel_loop3A_683 = arith.constant 2040 : i32
        %parallel_loop3A_684 = vector.broadcast %parallel_loop3A_683 : i32 to vector<16xi32>
        %parallel_loop3A_685 = arith.addi %parallel_loop3A_670, %parallel_loop3A_684 : vector<16xi32>
        %parallel_loop3A_686 = arith.constant 1960 : i32
        %parallel_loop3A_687 = vector.broadcast %parallel_loop3A_686 : i32 to vector<16xi32>
        %parallel_loop3A_688 = arith.cmpi sge, %parallel_loop3A_670, %parallel_loop3A_687 : vector<16xi32>
        %parallel_loop3A_689 = arith.constant 2000 : i32
        %parallel_loop3A_690 = arith.constant 0 : i32
        %parallel_loop3A_691 = vector.broadcast %parallel_loop3A_689 : i32 to vector<16xi32>
        %parallel_loop3A_692 = vector.broadcast %parallel_loop3A_690 : i32 to vector<16xi32>
        %parallel_loop3A_693 = arith.select %parallel_loop3A_688, %parallel_loop3A_691, %parallel_loop3A_692 : vector<16xi1>, vector<16xi32>
        %parallel_loop3A_694 = arith.subi %parallel_loop3A_685, %parallel_loop3A_693 : vector<16xi32>
        %parallel_loop3A_695 = arith.constant 1999 : i32
        %parallel_loop3A_696 = vector.broadcast %parallel_loop3A_695 : i32 to vector<16xi32>
        %parallel_loop3A_697 = arith.addi %parallel_loop3A_670, %parallel_loop3A_696 : vector<16xi32>
        %parallel_loop3A_698 = arith.constant 2001 : i32
        %parallel_loop3A_699 = vector.broadcast %parallel_loop3A_698 : i32 to vector<16xi32>
        %parallel_loop3A_700 = arith.addi %parallel_loop3A_670, %parallel_loop3A_699 : vector<16xi32>
        %parallel_loop3A_701 = arith.constant 15 : i32
        %parallel_loop3A_702 = vector.broadcast %parallel_loop3A_701 : i32 to vector<16xi32>
        %parallel_loop3A_703 = arith.cmpi eq, %iota3A_213, %parallel_loop3A_702 : vector<16xi32>
        %parallel_loop3A_704 = arith.constant 40 : i32
        %parallel_loop3A_705 = arith.constant 0 : i32
        %parallel_loop3A_706 = vector.broadcast %parallel_loop3A_704 : i32 to vector<16xi32>
        %parallel_loop3A_707 = vector.broadcast %parallel_loop3A_705 : i32 to vector<16xi32>
        %parallel_loop3A_708 = arith.select %parallel_loop3A_703, %parallel_loop3A_706, %parallel_loop3A_707 : vector<16xi1>, vector<16xi32>
        %parallel_loop3A_709 = arith.subi %parallel_loop3A_700, %parallel_loop3A_708 : vector<16xi32>
        %parallel_loop3A_710 = arith.index_cast %parallel_loop3A_664 : i32 to index
        %parallel_loop3A_711 = tpu.vector_load %arg25[%parallel_loop3A_710] {strides = array<i32>} : memref<2000xf32, #tpu.memory_space<vmem>>, vector<16xf32>,
        %parallel_loop3A_712 = arith.index_cast %parallel_loop3A_664 : i32 to index
        %parallel_loop3A_713 = tpu.vector_load %arg13[%parallel_loop3A_712] {strides = array<i32>} : memref<6000xf32, #tpu.memory_space<vmem>>, vector<16xf32>,
        %parallel_loop3A_714 = arith.index_cast %parallel_loop3A_668 : i32 to index
        %parallel_loop3A_715 = tpu.vector_load %arg13[%parallel_loop3A_714] {strides = array<i32>} : memref<6000xf32, #tpu.memory_space<vmem>>, vector<16xf32>,
        %parallel_loop3A_716 = arith.addf %parallel_loop3A_713, %parallel_loop3A_715 : vector<16xf32>
        %parallel_loop3A_717 = tpu.vector_load_idx %arg13[%parallel_loop3A_682] : memref<6000xf32, #tpu.memory_space<vmem>>[vector<16xi32>], vector<16xf32>,
        %parallel_loop3A_718 = arith.addf %parallel_loop3A_716, %parallel_loop3A_717 : vector<16xf32>
        %parallel_loop3A_719 = tpu.vector_load_idx %arg13[%parallel_loop3A_694] : memref<6000xf32, #tpu.memory_space<vmem>>[vector<16xi32>], vector<16xf32>,
        %parallel_loop3A_720 = arith.addf %parallel_loop3A_718, %parallel_loop3A_719 : vector<16xf32>
        %parallel_loop3A_721 = tpu.vector_load_idx %arg13[%parallel_loop3A_697] : memref<6000xf32, #tpu.memory_space<vmem>>[vector<16xi32>], vector<16xf32>,
        %parallel_loop3A_722 = tpu.vector_load_idx %arg13[%parallel_loop3A_709] : memref<6000xf32, #tpu.memory_space<vmem>>[vector<16xi32>], vector<16xf32>,
        %parallel_loop3A_723 = arith.addf %parallel_loop3A_721, %parallel_loop3A_722 : vector<16xf32>
        %parallel_loop3A_724 = arith.mulf %parallel_loop3A_711, %parallel_loop3A_723 : vector<16xf32>
        %parallel_loop3A_725 = arith.addf %parallel_loop3A_720, %parallel_loop3A_724 : vector<16xf32>
        %parallel_loop3A_726 = arith.index_cast %parallel_loop3A_664 : i32 to index
        %parallel_loop3A_727 = tpu.vector_load %arg12[%parallel_loop3A_726] {strides = array<i32>} : memref<6000xf32, #tpu.memory_space<vmem>>, vector<16xf32>,
        %parallel_loop3A_728 = arith.index_cast %parallel_loop3A_668 : i32 to index
        %parallel_loop3A_729 = tpu.vector_load %arg12[%parallel_loop3A_728] {strides = array<i32>} : memref<6000xf32, #tpu.memory_space<vmem>>, vector<16xf32>,
        %parallel_loop3A_730 = arith.addf %parallel_loop3A_727, %parallel_loop3A_729 : vector<16xf32>
        %parallel_loop3A_731 = tpu.vector_load_idx %arg12[%parallel_loop3A_682] : memref<6000xf32, #tpu.memory_space<vmem>>[vector<16xi32>], vector<16xf32>,
        %parallel_loop3A_732 = arith.addf %parallel_loop3A_730, %parallel_loop3A_731 : vector<16xf32>
        %parallel_loop3A_733 = tpu.vector_load_idx %arg12[%parallel_loop3A_694] : memref<6000xf32, #tpu.memory_space<vmem>>[vector<16xi32>], vector<16xf32>,
        %parallel_loop3A_734 = arith.addf %parallel_loop3A_732, %parallel_loop3A_733 : vector<16xf32>
        %parallel_loop3A_735 = tpu.vector_load_idx %arg12[%parallel_loop3A_697] : memref<6000xf32, #tpu.memory_space<vmem>>[vector<16xi32>], vector<16xf32>,
        %parallel_loop3A_736 = tpu.vector_load_idx %arg12[%parallel_loop3A_709] : memref<6000xf32, #tpu.memory_space<vmem>>[vector<16xi32>], vector<16xf32>,
        %parallel_loop3A_737 = arith.addf %parallel_loop3A_735, %parallel_loop3A_736 : vector<16xf32>
        %parallel_loop3A_738 = arith.mulf %parallel_loop3A_711, %parallel_loop3A_737 : vector<16xf32>
        %parallel_loop3A_739 = arith.addf %parallel_loop3A_734, %parallel_loop3A_738 : vector<16xf32>
        %parallel_loop3A_740 = arith.index_cast %parallel_loop3A_666 : i32 to index
        %parallel_loop3A_741 = tpu.vector_load %arg12[%parallel_loop3A_740] {strides = array<i32>} : memref<6000xf32, #tpu.memory_space<vmem>>, vector<16xf32>,
        %parallel_loop3A_742 = arith.index_cast %parallel_loop3A_666 : i32 to index
        %parallel_loop3A_743 = tpu.vector_load %arg13[%parallel_loop3A_742] {strides = array<i32>} : memref<6000xf32, #tpu.memory_space<vmem>>, vector<16xf32>,
        %parallel_loop3A_744 = arith.index_cast %parallel_loop3A_664 : i32 to index
        %parallel_loop3A_745 = tpu.vector_load %arg20[%parallel_loop3A_744] {strides = array<i32>} : memref<2000xf32, #tpu.memory_space<vmem>>, vector<16xf32>,
        %parallel_loop3A_746 = arith.index_cast %parallel_loop3A_664 : i32 to index
        %parallel_loop3A_747 = tpu.vector_load %arg24[%parallel_loop3A_746] {strides = array<i32>} : memref<2000xf32, #tpu.memory_space<vmem>>, vector<16xf32>,
        %parallel_loop3A_748 = arith.index_cast %parallel_loop3A_664 : i32 to index
        %parallel_loop3A_749 = tpu.vector_load %arg23[%parallel_loop3A_748] {strides = array<i32>} : memref<2000xf32, #tpu.memory_space<vmem>>, vector<16xf32>,
        %parallel_loop3A_750 = arith.mulf %parallel_loop3A_741, %parallel_loop3A_741 : vector<16xf32>
        %parallel_loop3A_751 = arith.mulf %parallel_loop3A_743, %parallel_loop3A_743 : vector<16xf32>
        %parallel_loop3A_752 = arith.addf %parallel_loop3A_750, %parallel_loop3A_751 : vector<16xf32>
        %parallel_loop3A_753 = arith.mulf %parallel_loop3A_749, %parallel_loop3A_752 : vector<16xf32>
        %parallel_loop3A_754 = arith.mulf %parallel_loop3A_745, %parallel_loop3A_743 : vector<16xf32>
        %parallel_loop3A_755 = arith.mulf %parallel_loop3A_747, %parallel_loop3A_725 : vector<16xf32>
        %parallel_loop3A_756 = arith.subf %parallel_loop3A_754, %parallel_loop3A_755 : vector<16xf32>
        %parallel_loop3A_757 = arith.index_cast %parallel_loop3A_664 : i32 to index
        %parallel_loop3A_758 = tpu.vector_load %arg22[%parallel_loop3A_757] {strides = array<i32>} : memref<2000xf32, #tpu.memory_space<vmem>>, vector<16xf32>,
        %parallel_loop3A_759 = arith.addf %parallel_loop3A_756, %parallel_loop3A_758 : vector<16xf32>
        %parallel_loop3A_760 = arith.mulf %parallel_loop3A_753, %parallel_loop3A_743 : vector<16xf32>
        %parallel_loop3A_761 = arith.addf %parallel_loop3A_759, %parallel_loop3A_760 : vector<16xf32>
        %parallel_loop3A_762 = arith.index_cast %parallel_loop3A_664 : i32 to index
        %parallel_loop3A_763 = tpu.vector_load %arg28[%parallel_loop3A_762] {strides = array<i32>} : memref<2000xf32, #tpu.memory_space<vmem>>, vector<16xf32>,
        tpu.vector_store %arg28[%parallel_loop3A_762], %parallel_loop3A_761 {strides = array<i32>} : memref<2000xf32, #tpu.memory_space<vmem>>, vector<16xf32>,
        %parallel_loop3A_764 = arith.mulf %parallel_loop3A_747, %parallel_loop3A_739 : vector<16xf32>
        %parallel_loop3A_765 = arith.mulf %parallel_loop3A_745, %parallel_loop3A_741 : vector<16xf32>
        %parallel_loop3A_766 = arith.subf %parallel_loop3A_764, %parallel_loop3A_765 : vector<16xf32>
        %parallel_loop3A_767 = arith.index_cast %parallel_loop3A_664 : i32 to index
        %parallel_loop3A_768 = tpu.vector_load %arg21[%parallel_loop3A_767] {strides = array<i32>} : memref<2000xf32, #tpu.memory_space<vmem>>, vector<16xf32>,
        %parallel_loop3A_769 = arith.subf %parallel_loop3A_766, %parallel_loop3A_768 : vector<16xf32>
        %parallel_loop3A_770 = arith.mulf %parallel_loop3A_753, %parallel_loop3A_741 : vector<16xf32>
        %parallel_loop3A_771 = arith.subf %parallel_loop3A_769, %parallel_loop3A_770 : vector<16xf32>
        %parallel_loop3A_772 = arith.index_cast %parallel_loop3A_664 : i32 to index
        %parallel_loop3A_773 = tpu.vector_load %arg29[%parallel_loop3A_772] {strides = array<i32>} : memref<2000xf32, #tpu.memory_space<vmem>>, vector<16xf32>,
        tpu.vector_store %arg29[%parallel_loop3A_772], %parallel_loop3A_771 {strides = array<i32>} : memref<2000xf32, #tpu.memory_space<vmem>>, vector<16xf32>,
      } {sc.loop_unroll_factor = 1 : i64, sc.parallel_access}
      %mul3A_217 = arith.constant 2000 : i32
      %mul3A_218 = arith.muli %add3A_2, %mul3A_217 : i32
      %add3A_219 = arith.constant 100000 : i32
      %add3A_220 = arith.addi %add3A_219, %mul3A_218 : i32
      %dma_start3A_221 = tpu.memref_slice %arg9[%mul3A_218] : memref<200000xf32, #tpu.memory_space<hbm>> -> memref<2000xf32, #tpu.memory_space<hbm>>
      %dma_start3A_222 = tpu.memref_slice %arg9[%mul3A_218] : memref<200000xf32, #tpu.memory_space<hbm>> -> memref<2000xf32, #tpu.memory_space<hbm>>
      tpu.enqueue_dma source(%arg28 : memref<2000xf32, #tpu.memory_space<vmem>>) target(%dma_start3A_222 : memref<2000xf32, #tpu.memory_space<hbm>>) target_semaphore(%arg32 : memref<!tpu.dma_semaphore, #tpu.memory_space<semaphore_mem>>)
      %dma_start3A_223 = tpu.memref_slice %arg9[%add3A_220] : memref<200000xf32, #tpu.memory_space<hbm>> -> memref<2000xf32, #tpu.memory_space<hbm>>
      %dma_start3A_224 = tpu.memref_slice %arg9[%add3A_220] : memref<200000xf32, #tpu.memory_space<hbm>> -> memref<2000xf32, #tpu.memory_space<hbm>>
      tpu.enqueue_dma source(%arg29 : memref<2000xf32, #tpu.memory_space<vmem>>) target(%dma_start3A_224 : memref<2000xf32, #tpu.memory_space<hbm>>) target_semaphore(%arg32 : memref<!tpu.dma_semaphore, #tpu.memory_space<semaphore_mem>>)
    } else {
    }
    %dma_wait3A_134 = tpu.memref_slice %arg9[%mul3A_122] : memref<200000xf32, #tpu.memory_space<hbm>> -> memref<2000xf32, #tpu.memory_space<hbm>>
    %dma_wait3A_135 = tpu.memref_slice %arg9[%mul3A_122] : memref<200000xf32, #tpu.memory_space<hbm>> -> memref<2000xf32, #tpu.memory_space<hbm>>
    tpu.wait_dma2 semaphore(%arg32 : memref<!tpu.dma_semaphore, #tpu.memory_space<semaphore_mem>>) src(%arg26 : memref<2000xf32, #tpu.memory_space<vmem>>) dst(%dma_wait3A_135 : memref<2000xf32, #tpu.memory_space<hbm>>)
    %dma_wait3A_136 = tpu.memref_slice %arg9[%add3A_124] : memref<200000xf32, #tpu.memory_space<hbm>> -> memref<2000xf32, #tpu.memory_space<hbm>>
    %dma_wait3A_137 = tpu.memref_slice %arg9[%add3A_124] : memref<200000xf32, #tpu.memory_space<hbm>> -> memref<2000xf32, #tpu.memory_space<hbm>>
    tpu.wait_dma2 semaphore(%arg32 : memref<!tpu.dma_semaphore, #tpu.memory_space<semaphore_mem>>) src(%arg27 : memref<2000xf32, #tpu.memory_space<vmem>>) dst(%dma_wait3A_137 : memref<2000xf32, #tpu.memory_space<hbm>>)
    %lt3A_138 = arith.constant 50 : i32
    %lt3A_139 = arith.cmpi slt, %add3A_2, %lt3A_138 : i32
    %convert_element_type3A_140 = arith.extui %lt3A_139 : i1 to i32
    %cond3A_141 = arith.constant 0 : i32
    %cond3A_142 = arith.cmpi ne, %convert_element_type3A_140, %cond3A_141 : i32
    scf.if %cond3A_142 {
      %mul3A_143 = arith.constant 2000 : i32
      %mul3A_144 = arith.muli %add3A_2, %mul3A_143 : i32
      %add3A_145 = arith.constant 100000 : i32
      %add3A_146 = arith.addi %add3A_145, %mul3A_144 : i32
      %dma_wait3A_147 = tpu.memref_slice %arg9[%mul3A_144] : memref<200000xf32, #tpu.memory_space<hbm>> -> memref<2000xf32, #tpu.memory_space<hbm>>
      %dma_wait3A_148 = tpu.memref_slice %arg9[%mul3A_144] : memref<200000xf32, #tpu.memory_space<hbm>> -> memref<2000xf32, #tpu.memory_space<hbm>>
      tpu.wait_dma2 semaphore(%arg32 : memref<!tpu.dma_semaphore, #tpu.memory_space<semaphore_mem>>) src(%arg28 : memref<2000xf32, #tpu.memory_space<vmem>>) dst(%dma_wait3A_148 : memref<2000xf32, #tpu.memory_space<hbm>>)
      %dma_wait3A_149 = tpu.memref_slice %arg9[%add3A_146] : memref<200000xf32, #tpu.memory_space<hbm>> -> memref<2000xf32, #tpu.memory_space<hbm>>
      %dma_wait3A_150 = tpu.memref_slice %arg9[%add3A_146] : memref<200000xf32, #tpu.memory_space<hbm>> -> memref<2000xf32, #tpu.memory_space<hbm>>
      tpu.wait_dma2 semaphore(%arg32 : memref<!tpu.dma_semaphore, #tpu.memory_space<semaphore_mem>>) src(%arg29 : memref<2000xf32, #tpu.memory_space<vmem>>) dst(%dma_wait3A_150 : memref<2000xf32, #tpu.memory_space<hbm>>)
    } else {
    }
    return
  }
}

</mosaic_0001>

<sc_bundles>
// kernel: kernel.3.cloned.1.call-start
scs
__scs_entry_jumppad:
0x0: {  	(pc) =	sbr.rel $0x88, $3  }
0x1: {  	(tag) =	ssettag $0x0;
	lr =	simm.s32 $0x1  }
0x2: {  	[smem:$0x3F9A] =	sst lr;
	_ =	strace $0xD0000000  }
0x3: {  	_ = 	snop  }
0x4: {  	_ = 	snop  }
0x5: {  	_ = 	snop  }
0x6: {  	_ = 	snop  }
0x7: {  	_ = 	snop  }
__scs_overlays_trampoline_lowered:
0x8: {  	[smem:$0x3FA9] =	sst s0  }
0x9: {  	[smem:$0x3FAA] =	sst s1  }
0xa: {  	[smem:$0x3FAB] =	sst s2  }
0xb: {  	[smem:$0x3FAC] =	sst s3  }
0xc: {  	[smem:$0x3FAD] =	sst s4  }
0xd: {  	[smem:$0x3FAE] =	sst s5  }
0xe: {  	[smem:$0x3FAF] =	sst s6  }
0xf: {  	[smem:$0x3FB0] =	sst s7  }
0x10: {  	[smem:$0x3FB1] =	sst s8  }
0x11: {  	[smem:$0x3FB2] =	sst s9;
	s0 =	simm.s32 @!p0 $0x0  }
0x12: {  	s1 =	sld [smem:$0x3F98];
	s0 =	simm.s32 @p0 $0x1  }
0x13: {  	[smem:$0x3FB3] =	sst s0;
	s0 =	simm.s32 @!p1 $0x0  }
0x14: {  	s2 =	sld [smem:$0x3F97];
	s0 =	simm.s32 @p1 $0x1  }
0x15: {  	[smem:$0x3FB4] =	sst s0;
	s0 =	simm.s32 @!p2 $0x0  }
0x16: {  	s3 =	sld [smem:$0x3FDB];
	s0 =	simm.s32 @p2 $0x1  }
0x17: {  	s4 =	simm.s32 $0x1BF5;
	[smem:$0x3FB6] =	sst s0  }
0x18: {  	s0 =	sld [smem:$0x3F99];
	_ =	swait.ge [sflag:s4], $0x0  }
0x19: {  	s7 =	sld [smem:$0x3F9A]  }
0x1a: {  	s8 =	sadd.s32 $0xFFFFE003, lr  }
0x1b: {  	s9 =	sadd.s32 $0xFFFFFEF7, lr;
	s5 =	simm.s32 $0xFFFFFFFF;
	p2 =	slt.u32 s8, $0xFFFFF086  }
0x1c: {  	p1 =	slt.u32 s9, $0xF7A;
	s5 =	simm.s32 @!p2 $0x0  }
0x1d: {  	s5 =	simm.s32 @p1 $0x1;
	p0 =	seq.s32 s7, s2  }
0x1e: {  	s7 =	smul.u32 @!p0 $0xF7A, s2;
	p2 =	seq.s32 @!p0 s5, $0x0  }
0x1f: {  	s9 =	smul.u32 $0xF7A, s1;
	s8 =	simm.s32 @!p0 $0x1BF5;
	p2 =	por !p2, p0  }
0x20: {  	[sflag:s8] =	ssyncset.s32 @!p0 $0xFFFFF086;
	s6 =	sadd.s32 @!p0 s3, s7;
	s7 =	simm.s32 @!p0 $0x108  }
0x21: {  	s3 =	sadd.s32 s3, s9;
	s6 =	sadd.s32 @!p0 $0x88, s6;
	s7 =	simm.s32 @p2 $0x1082  }
0x22: {  	[simem:s7], [sflag:s8] =	dma.local @!p0 [hbm:s6], $0xF7A  }
0x23: {  	s9 =	sor.u32 $0xD0000000, s2;
	s6 =	simm.s32 $0x108;
	_ =	swait.ge @!p0 [sflag:s8], $0x0  }
0x24: {  	s3 =	sadd.s32 $0x88, s3;
	s6 =	simm.s32 @!p1 $0x1082;
	[sflag:s4] =	ssyncset.s32 $0xFFFFF086  }
0x25: {  	[simem:s6], [sflag:s4] =	dma.local [hbm:s3], $0xF7A  }
0x26: {  	[smem:$0x3F9A] =	sst s1;
	(tag) =	ssettag s2;
	_ =	strace s9  }
0x27: {  	s1 =	sld [smem:$0x3FAA]  }
0x28: {  	s2 =	sld [smem:$0x3FAB]  }
0x29: {  	s4 =	sld [smem:$0x3FAD]  }
0x2a: {  	p0 =	seq.s32 s5, $0x0;
	s5 =	sld [smem:$0x3FAE]  }
0x2b: {  	s6 =	sld [smem:$0x3FAF]  }
0x2c: {  	s7 =	sld [smem:$0x3FB0]  }
0x2d: {  	s3 =	simm.s32 $0x108;
	s8 =	sld [smem:$0x3FB1]  }
0x2e: {  	s3 =	simm.s32 @!p0 $0x1082;
	s9 =	sld [smem:$0x3FB2]  }
0x2f: {  	lr =	sadd.s32 s0, s3;
	s0 =	sld [smem:$0x3FA9]  }
0x30: {  	s3 =	sld [smem:$0x3FAC]  }
0x31: {  	[smem:$0x3FB5] =	sst s10  }
0x32: {  	s10 =	sld [smem:$0x3FB3];
	_ =	sdelay $0x3  }
0x33: {  	p0 =	seq.s32 s10, $0x1;
	s10 =	sld [smem:$0x3FB5];
	_ =	sdelay $0x3  }
0x34: {  	[smem:$0x3FB5] =	sst s10  }
0x35: {  	s10 =	sld [smem:$0x3FB4];
	_ =	sdelay $0x3  }
0x36: {  	p1 =	seq.s32 s10, $0x1;
	s10 =	sld [smem:$0x3FB5];
	_ =	sdelay $0x3  }
0x37: {  	[smem:$0x3FB5] =	sst s10  }
0x38: {  	s10 =	sld [smem:$0x3FB6]  }
0x39: {  	_ = 	snop;
	(pc) =	sbr.ind lr, $3  }
0x3a: {  	_ = 	snop  }
0x3b: {  	_ = 	snop  }
0x3c: {  	p2 =	seq.s32 s10, $0x1;
	s10 =	sld [smem:$0x3FB5]  }
0x3d: {  	_ =	shalt  }
0x3e: {  	_ =	shalt  }
0x3f: {  	_ =	shalt  }
0x40: {  	_ =	shalt  }
0x41: {  	_ =	shalt  }
0x42: {  	_ =	shalt  }
0x43: {  	_ =	shalt  }
0x44: {  	_ =	shalt  }
0x45: {  	_ =	shalt  }
0x46: {  	_ =	shalt  }
0x47: {  	_ =	shalt  }
0x48: {  	_ =	shalt  }
0x49: {  	_ =	shalt  }
0x4a: {  	_ =	shalt  }
0x4b: {  	_ =	shalt  }
0x4c: {  	_ =	shalt  }
0x4d: {  	_ =	shalt  }
0x4e: {  	_ =	shalt  }
0x4f: {  	_ =	shalt  }
0x50: {  	_ =	shalt  }
0x51: {  	_ =	shalt  }
0x52: {  	_ =	shalt  }
0x53: {  	_ =	shalt  }
0x54: {  	_ =	shalt  }
0x55: {  	_ =	shalt  }
0x56: {  	_ =	shalt  }
0x57: {  	_ =	shalt  }
0x58: {  	_ =	shalt  }
0x59: {  	_ =	shalt  }
0x5a: {  	_ =	shalt  }
0x5b: {  	_ =	shalt  }
0x5c: {  	_ =	shalt  }
0x5d: {  	_ =	shalt  }
0x5e: {  	_ =	shalt  }
0x5f: {  	_ =	shalt  }
0x60: {  	_ =	shalt  }
0x61: {  	_ =	shalt  }
0x62: {  	_ =	shalt  }
0x63: {  	_ =	shalt  }
0x64: {  	_ =	shalt  }
0x65: {  	_ =	shalt  }
0x66: {  	_ =	shalt  }
0x67: {  	_ =	shalt  }
0x68: {  	_ =	shalt  }
0x69: {  	_ =	shalt  }
0x6a: {  	_ =	shalt  }
0x6b: {  	_ =	shalt  }
0x6c: {  	_ =	shalt  }
0x6d: {  	_ =	shalt  }
0x6e: {  	_ =	shalt  }
0x6f: {  	_ =	shalt  }
0x70: {  	_ =	shalt  }
0x71: {  	_ =	shalt  }
0x72: {  	_ =	shalt  }
0x73: {  	_ =	shalt  }
0x74: {  	_ =	shalt  }
0x75: {  	_ =	shalt  }
0x76: {  	_ =	shalt  }
0x77: {  	_ =	shalt  }
0x78: {  	_ =	shalt  }
0x79: {  	_ =	shalt  }
0x7a: {  	_ =	shalt  }
0x7b: {  	_ =	shalt  }
0x7c: {  	_ =	shalt  }
0x7d: {  	_ =	shalt  }
0x7e: {  	_ =	shalt  }
0x7f: {  	_ =	shalt  }
0x80: {  	_ =	shalt  }
0x81: {  	_ =	shalt  }
0x82: {  	_ =	shalt  }
0x83: {  	_ =	shalt  }
0x84: {  	_ =	shalt  }
0x85: {  	_ =	shalt  }
0x86: {  	_ =	shalt  }
0x87: {  	_ =	shalt  }
.Lfunc_end0:
.L_simem_size_0:
called_computation_lowered:
.L_overlay_start_0:
0x88: {  	s2 =	sld [smem:$0x3FD9]  }
0x89: {  	s3 =	sld [smem:$0x3FFE];
	_ =	sdelay $0x1  }
0x8a: {  	s1 =	srdreg.scid  }
0x8b: {  	s0 =	sand.u32 $0x1, s1  }
0x8c: {  	s18 =	sshll.u32 s0, $0xA;
	s2 =	sadd.s32 s3, s2  }
0x8d: {  	s2 =	sadd.s32 s2, s18  }
0x8e: {  	[smem:$0x3FC1] =	sst s2  }
0x8f: {  	_ = 	snop  }
0x90: {  	s2 =	sld [smem:$0x3FC9]  }
0x91: {  	s19 =	sld [smem:$0x3FC8]  }
0x92: {  	s4 =	sld [smem:$0x3FC7]  }
0x93: {  	s5 =	sld [smem:$0x3FC6]  }
0x94: {  	s6 =	sld [smem:$0x3FC5]  }
0x95: {  	s7 =	sld [smem:$0x3FC4]  }
0x96: {  	s8 =	sld [smem:$0x3FC3]  }
0x97: {  	s9 =	sld [smem:$0x3FD0];
	(tm) =	ssettm $0x1  }
0x98: {  	s10 =	sld [smem:$0x3FFB];
	_ =	sdelay $0x3  }
0x99: {  	_ =	strace s10  }
0x9a: {  	s10 =	sld [smem:$0x3FFC];
	_ =	sdelay $0x3  }
0x9b: {  	_ =	strace s10  }
0x9c: {  	s10 =	sld [smem:$0x3FFD];
	_ =	sdelay $0x3  }
0x9d: {  	_ =	strace s10  }
0x9e: {  	_ =	strace $0x8FFFFFFF  }
0x9f: {  	s20 =	sld [smem:$0x3FDB];
	_ =	sdelay $0x1  }
0xa0: {  	s11 =	simm.s32 $_scs_section_size  }
0xa1: {  	s12 =	simm.s32 $_size__tile_overlayer_lowered;
	s13 =	simm.s32 $_tile_overlayer_lowered  }
0xa2: {  	s23 =	simm.s32 $0x1BFF;
	s22 =	sshll.u32 s13, $0x1;
	s10 =	sadd.s32 s11, s20  }
0xa3: {  	s14 =	simm.s32 $0x0;
	s21 =	sshll.u32 s12, $0x1;
	s12 =	sadd.s32 s22, s10  }
0xa4: {  	[timem:s14], [sflag:s23] =	dma.local [hbm:s12], s21  }
0xa5: {  	_ =	swait.ge [sflag:s23], s21  }
0xa6: {  	s11 =	ssub.s32 $0x0, s21;
	[sflag:s23] =	ssyncset.done $0x0  }
0xa7: {  	[sflag:s23] =	ssyncadd.s32 s11;
	_ =	sdelay $0x1  }
0xa8: {  	s24 =	simm.s32 $0x1B8B  }
0xa9: {  	_ =	swait.ge [sflag:s24], $0x1  }
0xaa: {  	[sflag:s24] =	ssyncset.done $0x0  }
0xab: {  	s25 =	simm.s32 $0x1B8E;
	[sflag:s24] =	ssyncadd.s32 $0xFFFFFFFF  }
0xac: {  	s26 =	simm.s32 $execute0_lowered;
	[smem:$0x3FD2] =	sst s25  }
0xad: {  	s11 =	sshll.u32 s26, $0x1;
	_ =	strace $0x80000046;
	[dreg:$0x1] =	wrdreg $0xFFFFFFFF  }
0xae: {  	s28 =	simm.s32 $_size_execute0_lowered;
	s10 =	sadd.s32 s10, s11;
	[dreg:$0x0] =	wrdreg $0x0  }
0xaf: {  	s11 =	sshll.u32 s28, $0x1;
	[dreg:$0x2] =	wrdreg s10  }
0xb0: {  	[dreg:$0x3] =	wrdreg s11  }
0xb1: {  	[dreg:$0x4] =	wrdreg $0xC0  }
0xb2: {  	_ =	task [dreg:s14], $0x5FFFF  }
0xb3: {  	[dreg:$0x1] =	wrdreg $0xFFFFFFFF  }
0xb4: {  	[dreg:$0x0] =	wrdreg $0x60  }
0xb5: {  	[dreg:$0x2] =	wrdreg s2  }
0xb6: {  	[dreg:$0x3] =	wrdreg s19  }
0xb7: {  	[dreg:$0x4] =	wrdreg s4  }
0xb8: {  	[dreg:$0x5] =	wrdreg s5  }
0xb9: {  	[dreg:$0x6] =	wrdreg s6  }
0xba: {  	[dreg:$0x7] =	wrdreg s7  }
0xbb: {  	[dreg:$0x8] =	wrdreg s8  }
0xbc: {  	[dreg:$0x9] =	wrdreg s9  }
0xbd: {  	[dreg:$0xa] =	wrdreg $0x9  }
0xbe: {  	_ =	task.clear_ibuf [dreg:s14], $0xBFFFF;
	_ =	strace $0x90000046  }
0xbf: {  	s29 =	simm.s32 $0x9;
	_ =	strace $0x80000048  }
0xc0: {  	_ =	swait.ge [sflag:s29], $0x1  }
0xc1: {  	[sflag:s29] =	ssyncadd.s32 $0xFFFFFFFF  }
0xc2: {  	_ =	strace $0x90000048  }
0xc3: {  	_ =	sfence  }
0xc4: {  	s30 =	sld [smem:$0x0];
	_ =	sdelay $0x2  }
0xc5: {  	s31 =	sshll.u32 s1, $0xD;
	s1 =	sshrl.u32 s1, $0x2  }
0xc6: {  	s3 =	sand.u32 $0x4000, s31;
	s1 =	sadd.s32 s1, s30  }
0xc7: {  	s0 =	sor.u32 s3, s0;
	s1 =	sshll.u32 s1, $0x11  }
0xc8: {  	s0 =	sor.u32 s1, s0  }
0xc9: {  	s0 =	sadd.s32 $0x8F2B, s0  }
0xca: {  	[sflag:s0] =	ssyncadd.remote.s32 $0x1  }
0xcb: {  	_ =	sfence.sel $0xFFFF  }
0xcc: {  	[dreg:$0x0] =	wrdreg $0xFFFFFFFF;
	(pc) =	sbr.abs _section_cstart, $3  }
0xcd: {  	[dreg:$0x1] =	wrdreg $0xFFFFFFFF  }
0xce: {  	_ =	task.clear_ibuf [dreg:s14], $0x2FFFF;
	_ =	strace $0x9FFFFFFF  }
0xcf: {  	(tm) =	ssettm $0x7FFFFFFF  }
tec
execute0_lowered:
.L_overlay_start_1:
0x0: {  	(tag) =	ssettag $0x1  }
0x1: {  	s7 =	rddreg [dreg:$0x0]  }
0x2: {  	s4 =	rddreg [dreg:$0x1]  }
0x3: {  	s0 =	rddreg [dreg:$0x2]  }
0x4: {  	s8 =	rddreg [dreg:$0x3]  }
0x5: {  	s9 =	rddreg [dreg:$0x4]  }
0x6: {  	s6 =	rddreg [dreg:$0x5];
	s1 =	srdreg.scid  }
0x7: {  	s25 =	stileid.u32;
	s11 =	rddreg [dreg:$0x6]  }
0x8: {  	s5 =	rddreg [dreg:$0x7];
	s1 =	sand.u32 $0x1, s1;
	s2 =	sshll.u32 s25, $0x1  }
0x9: {  	vm14 =	vcmask $0x300;
	v7 =	vimm.s32 $0x7DE;
	vm13 =	vcmask $0x704;
	s10 =	sor.u32 s1, s2;
	s15 =	ssub.s32 $0x2, s1;
	s1 =	simm.s32 $0x0  }
0xa: {  	vm12 =	vcmask $0xB08;
	vm10 =	vcmask $0xF0C;
	vm11 =	vcmask $0x1310;
	s2 =	smul.u32 $0x7D0, s10;
	s3 =	sadd.s32 $0x31, s10;
	s12 =	sadd.s32 $0x51, s10  }
0xb: {  	vm6 =	vcmask $0x1714;
	vm8 =	vcmask $0x1B18;
	vm9 =	vcmask $0x1F1C;
	s13 =	sadd.s32 $0xFFFFFFFF, s10;
	s17 =	sshrl.u32 s15, $0x1;
	s14 =	sand.u32 $0xFF, s12  }
0xc: {  	vm7 =	vcmask $0x2320;
	vm5 =	vcmask $0x2724;
	vm4 =	vcmask $0x2B28;
	p0 =	slt.u32 s3, $0x32;
	s26 =	smul.u32 $0x29, s14;
	s14 =	sshrl.u32 s2, $0x3  }
0xd: {  	vm0 =	vcmask $0x2F2C;
	vm1 =	vcmask $0x3330;
	vm2 =	vcmask $0x3734;
	[smem:$0x7FF] =	sst s1;
	s13 =	smov.u32 @p0 s3;
	s20 =	sadd.s32 s8, s14  }
0xe: {  	vm3 =	vcmask $0x3B38;
	v8 =	vimm.s32 $0x7E0;
	v9 =	vimm.s32 $0x7B8;
	s16 =	smul.u32 $0x7D0, s13;
	s21 =	sadd.s32 s9, s14;
	[dreg:$0xa] =	wrdreg s20  }
0xf: {  	v0 =	vsel vm14, $0x7F7, v7;
	v7 =	vsel vm14, $0x7CF, v7;
	v8 =	vsel vm14, $0x7D1, v8;
	s13 =	ssub.s32 s15, s17;
	s22 =	sadd.s32 s6, s14;
	[dreg:$0xb] =	wrdreg s21  }
0x10: {  	v9 =	vsel vm14, $0x7D1, v9;
	v0 =	vsel vm13, $0x7D0, v0;
	v7 =	vsel vm13, $0x7D0, v7;
	s15 =	sadd.s32 $0x30D4, s14;
	s24 =	sadd.s32 s11, s14;
	[dreg:$0xc] =	wrdreg s22  }
0x11: {  	v8 =	vsel vm13, $0x7D2, v8;
	v9 =	vsel vm13, $0x7D2, v9;
	v0 =	vsel vm12, $0x7D1, v0;
	s3 =	sshrl.u32 s26, $0xB;
	s17 =	sadd.s32 s7, s15;
	[dreg:$0xd] =	wrdreg s24  }
0x12: {  	v7 =	vsel vm12, $0x7D1, v7;
	v8 =	vsel vm12, $0x7D3, v8;
	v9 =	vsel vm12, $0x7D3, v9;
	s26 =	sadd.s32 s4, s14;
	s22 =	sadd.s32 $0x1F40, s14;
	s24 =	sadd.s32 $0x5014, s14  }
0x13: {  	v0 =	vsel vm10, $0x7D2, v0;
	v7 =	vsel vm10, $0x7D2, v7;
	v8 =	vsel vm10, $0x7D4, v8;
	s18 =	sshrl.u32 s16, $0x3;
	s19 =	smul.u32 $0x32, s3;
	s3 =	sadd.s32 s7, s14  }
0x14: {  	v9 =	vsel vm10, $0x7D4, v9;
	v0 =	vsel vm11, $0x7D3, v0;
	v7 =	vsel vm11, $0x7D3, v7;
	[dreg:$0x9] =	wrdreg s17;
	s16 =	sadd.s32 $0x21, s10;
	s10 =	sadd.s32 $0xFFFFFFEF, s10  }
0x15: {  	v8 =	vsel vm11, $0x7D5, v8;
	v9 =	vsel vm11, $0x7D5, v9;
	v0 =	vsel vm6, $0x7D4, v0;
	[dreg:$0xe] =	wrdreg s26;
	s20 =	sadd.s32 s8, s22;
	s21 =	sadd.s32 s9, s22  }
0x16: {  	v7 =	vsel vm6, $0x7D4, v7;
	v8 =	vsel vm6, $0x7D6, v8;
	v9 =	vsel vm6, $0x7D6, v9;
	s6 =	sadd.s32 s6, s22;
	s26 =	sadd.s32 s5, s24;
	[dreg:$0x11] =	wrdreg s20  }
0x17: {  	v0 =	vsel vm8, $0x7D5, v0;
	v7 =	vsel vm8, $0x7D5, v7;
	v8 =	vsel vm8, $0x7D7, v8;
	s2 =	sadd.s32 s7, s18;
	p0 =	slt.u32 s16, $0x32;
	[dreg:$0x12] =	wrdreg s21  }
0x18: {  	v9 =	vsel vm8, $0x7D7, v9;
	v0 =	vsel vm9, $0x7D6, v0;
	v7 =	vsel vm9, $0x7D6, v7;
	[dreg:$0x13] =	wrdreg s6;
	s20 =	sadd.s32 s0, s22;
	s21 =	sadd.s32 s5, s14  }
0x19: {  	v8 =	vsel vm9, $0x7B0, v8;
	v9 =	vsel vm9, $0x7D8, v9;
	v0 =	vsel vm7, $0x7D7, v0;
	[dreg:$0x15] =	wrdreg s26;
	s26 =	smax.u32 s13, $0x1;
	s28 =	sadd.s32 $0xFA, s3  }
0x1a: {  	s30 =	sadd.s32 $0x31CE, s3;
	v7 =	vsel vm7, $0x7FF, v7;
	v8 =	vsel vm7, $0x7D9, v8;
	v9 =	vsel vm7, $0x7D9, v9;
	s6 =	simm.s32 $0x3;
	s12 =	ssub.s32 s12, s19  }
0x1b: {  	v0 =	vsel vm5, $0x7D8, v0;
	s10 =	smov.u32 @p0 s16;
	s19 =	sadd.s32 s7, s22;
	p0 =	sgt.u32 s25, $0x8;
	v7 =	vsel vm5, $0x7D8, v7;
	v8 =	vsel vm5, $0x7DA, v8  }
0x1c: {  	s29 =	sadd.s32 $0x30D4, s2;
	v9 =	vsel vm5, $0x7DA, v9;
	v1 =	vsel vm4, $0x7D9, v0;
	s12 =	sand.u32 $0xFF, s12;
	v0 =	vlaneseq.u32;
	s23 =	smul.u32 $0x7D0, s10  }
0x1d: {  	s25 =	simm.s32 $0x2;
	[dreg:$0xf] =	wrdreg s19;
	v7 =	vsel vm4, $0x7D9, v7;
	v8 =	vsel vm4, $0x7DB, v8;
	v9 =	vsel vm4, $0x7DB, v9;
	s12 =	smul.u32 $0x7D0, s12  }
0x1e: {  	s19 =	sadd.s32 s0, s14;
	s0 =	simm.s32 $0x1780;
	v2 =	vsel vm0, $0x7DA, v1;
	v1 =	vimm.s32 $0x0;
	v5 =	vadd.s32 $0x7D1, v0;
	s18 =	sshrl.u32 s23, $0x3  }
0x1f: {  	v6 =	vadd.s32 $0x7CF, v0;
	v7 =	vsel vm0, $0x7DA, v7;
	v8 =	vsel vm0, $0x7DC, v8;
	s23 =	sadd.s32 s5, s15;
	s17 =	sshrl.u32 s12, $0x3;
	s12 =	sadd.s32 s7, s18  }
.Ltmp0:
0x20: {  	v9 =	vsel vm0, $0x7DC, v9;
	v3 =	vsel vm1, $0x7DB, v2;
	v2 =	vadd.s32 $0x7A8, v0;
	s18 =	sadd.s32 s4, s22;
	s4 =	simm.s32 $0x4680;
	(pc) =	sbr.rel .LBB2_1-.Ltmp0, $4  }
0x21: {  	v7 =	vsel vm1, $0x7DB, v7;
	v8 =	vsel vm1, $0x7DD, v8;
	v9 =	vsel vm1, $0x7DD, v9;
	s10 =	sadd.s32 s7, s17;
	s7 =	sadd.s32 s7, s24;
	s17 =	sadd.s32 s11, s22  }
0x22: {  	v4 =	vsel vm2, $0x7DC, v3;
	v3 =	vadd.s32 $0x7F8, v0;
	v7 =	vsel vm2, $0x7DC, v7;
	s22 =	sadd.s32 s5, s22;
	s24 =	simm.s32 $0x1;
	[dreg:$0x10] =	wrdreg s7  }
0x23: {  	v8 =	vsel vm2, $0x7DE, v8;
	v9 =	vsel vm2, $0x7DE, v9;
	v4 =	vsel vm3, $0x7DD, v4;
	s5 =	simm.s32 $0x2F00;
	[dreg:$0x14] =	wrdreg s22;
	s31 =	sadd.s32 $0x30D4, s10  }
0x24: {  	v7 =	vsel vm3, $0x7DD, v7;
	v8 =	vsel vm3, $0x7DF, v8;
	v9 =	vsel vm3, $0x7DF, v9;
	s22 =	sadd.s32 $0x30D4, s12;
	s7 =	simm.s32 $0x0;
	_ =	strace $0x80000047  }
.LBB2_6:
0x25: {  	v31 =	vsub.f32 v31, v35  }
0x26: {  	v34 =	vsub.f32 v36, v34  }
0x27: {  	v27 =	vmul.f32 v32, v27;
	v53 =	vld [tilespmem:s9+$0xB610];
	v30 =	vadd.f32 v30, v31  }
0x28: {  	v23 =	vmul.f32 v32, v23;
	v54 =	vld [tilespmem:s9+$0x4690];
	v55 =	vadd.s32 v2, v33;
	v29 =	vsub.f32 v34, v29  }
0x29: {  	v56 =	vld [tilespmem:s9+$0x5630];
	v57 =	vadd.s32 s15, v6;
	v27 =	vadd.f32 v27, v30  }
0x2a: {  	v58 =	vld [tilespmem:s9+$0x2F10];
	v59 =	vadd.s32 s15, v5;
	v23 =	vsub.f32 v29, v23  }
0x2b: {  	vm0 =	vgt.u32 v28, $0x7A7;
	v60 =	vld [tilespmem:s9+$0x3EB0];
	[tilespmem:s9+$0xCE00] =	vst v27  }
0x2c: {  	v63 =	vld [tilespmem:s9+$0x36E0];
	v28 =	vsel vm0, $0xFFFFF830, v1;
	[tilespmem:s9+$0xD600] =	vst v23  }
0x2d: {  	v28 =	vadd.s32 s15, v28;
	v61 =	vld.idx.msk [tilespmem:v55+s4+$0x0], $0xffff  }
0x2e: {  	v28 =	vadd.s32 v3, v28;
	v62 =	vld.idx.msk [tilespmem:v57+s4+$0x0], $0xffff  }
0x2f: {  	v37 =	vld.idx.msk [tilespmem:v59+s4+$0x0], $0xffff  }
0x30: {  	v32 =	vld.idx.msk [tilespmem:v55+s5+$0x0], $0xffff  }
0x31: {  	v27 =	vld.idx.msk [tilespmem:v57+s5+$0x0], $0xffff  }
0x32: {  	v34 =	vld.idx.msk [tilespmem:v59+s5+$0x0], $0xffff  }
0x33: {  	v38 =	vld.idx.msk [tilespmem:v28+s4+$0x0], $0xffff  }
0x34: {  	v30 =	vadd.f32 v56, v54;
	v28 =	vld.idx.msk [tilespmem:v28+s5+$0x0], $0xffff  }
0x35: {  	v39 =	vld [tilespmem:s9+$0x4E60];
	v23 =	vadd.f32 v60, v58  }
0x36: {  	v43 =	vld [tilespmem:s9+$0x8E10];
	v41 =	vadd.f32 v61, v30;
	v42 =	vadd.f32 v37, v62  }
0x37: {  	v44 =	vld [tilespmem:s9+$0xAE10];
	v23 =	vadd.f32 v32, v23;
	v27 =	vadd.f32 v34, v27  }
0x38: {  	v45 =	vadd.f32 v38, v41;
	v30 =	vmul.f32 v42, v53  }
0x39: {  	v46 =	vld [tilespmem:s9+$0xA610];
	v28 =	vadd.f32 v28, v23;
	v27 =	vmul.f32 v27, v53  }
0x3a: {  	v47 =	vmul.f32 v63, v63;
	v48 =	vmul.f32 v39, v39;
	v30 =	vadd.f32 v30, v45  }
0x3b: {  	v49 =	vld [tilespmem:s9+$0x9E10];
	v27 =	vadd.f32 v27, v28  }
0x3c: {  	v51 =	vld [tilespmem:s9+$0x9610];
	s14 =	sadd.s32 $0x20, s11;
	v50 =	vmul.f32 v43, v39;
	v34 =	vadd.f32 v48, v47;
	v30 =	vmul.f32 v44, v30  }
0x3d: {  	v40 =	vor.u32 s14, v0;
	v35 =	vmul.f32 v43, v63;
	v32 =	vmul.f32 v44, v27  }
0x3e: {  	vm10 =	vlt.u32 v40, $0x28;
	v34 =	vmul.f32 v46, v34;
	v52 =	vsub.f32 v50, v30  }
0x3f: {  	v53 =	vsel vm10, $0x7D0, v1;
	v32 =	vsub.f32 v32, v35  }
0x40: {  	v58 =	vld [tilespmem:s9+$0x5640];
	v54 =	vmul.f32 v34, v39;
	v35 =	vadd.s32 s14, v53;
	v36 =	vadd.f32 v49, v52  }
0x41: {  	v55 =	vld [tilespmem:s9+$0xB620];
	v33 =	vmul.f32 v34, v63;
	v35 =	vadd.s32 v2, v35;
	v32 =	vsub.f32 v32, v51  }
0x42: {  	v57 =	vld [tilespmem:s9+$0x46A0];
	v59 =	vadd.s32 s14, v7;
	v56 =	vadd.f32 v54, v36  }
0x43: {  	v60 =	vadd.s32 s14, v8;
	v61 =	vld [tilespmem:s9+$0x2F20];
	v32 =	vsub.f32 v32, v33  }
0x44: {  	vm11 =	vgt.u32 v40, $0x7A7;
	v48 =	vld [tilespmem:s9+$0x36F0];
	[tilespmem:s9+$0xCE10] =	vst v56  }
0x45: {  	v62 =	vsel vm11, $0xFFFFF830, v1;
	v63 =	vld [tilespmem:s9+$0x3EC0];
	[tilespmem:s9+$0xD610] =	vst v32  }
0x46: {  	v32 =	vadd.s32 s14, v62;
	v41 =	vld.idx.msk [tilespmem:v35+s4+$0x0], $0xffff  }
0x47: {  	v32 =	vadd.s32 v3, v32;
	v42 =	vld.idx.msk [tilespmem:v59+s4+$0x0], $0xffff  }
0x48: {  	v43 =	vld.idx.msk [tilespmem:v60+s4+$0x0], $0xffff  }
0x49: {  	v35 =	vld.idx.msk [tilespmem:v35+s5+$0x0], $0xffff  }
0x4a: {  	v38 =	vld.idx.msk [tilespmem:v59+s5+$0x0], $0xffff  }
0x4b: {  	v33 =	vld.idx.msk [tilespmem:v60+s5+$0x0], $0xffff  }
0x4c: {  	v44 =	vld.idx.msk [tilespmem:v32+s4+$0x0], $0xffff  }
0x4d: {  	v36 =	vadd.f32 v58, v57;
	v32 =	vld.idx.msk [tilespmem:v32+s5+$0x0], $0xffff  }
0x4e: {  	v34 =	vadd.f32 v63, v61;
	v49 =	vld [tilespmem:s9+$0x4E70]  }
0x4f: {  	v51 =	vld [tilespmem:s9+$0x8E20];
	v36 =	vadd.f32 v41, v36;
	v50 =	vadd.f32 v43, v42  }
0x50: {  	v52 =	vld [tilespmem:s9+$0xAE20];
	v34 =	vadd.f32 v35, v34;
	v33 =	vadd.f32 v33, v38  }
0x51: {  	v53 =	vmul.f32 v50, v55;
	v36 =	vadd.f32 v44, v36  }
0x52: {  	v54 =	vld [tilespmem:s9+$0xA620];
	v33 =	vmul.f32 v33, v55;
	v32 =	vadd.f32 v32, v34  }
0x53: {  	v56 =	vmul.f32 v49, v49;
	v55 =	vmul.f32 v48, v48;
	v36 =	vadd.f32 v53, v36  }
0x54: {  	v57 =	vld [tilespmem:s9+$0x9E20];
	v32 =	vadd.f32 v33, v32  }
0x55: {  	s15 =	sadd.s32 $0x30, s11;
	v58 =	vmul.f32 v51, v49;
	v59 =	vld [tilespmem:s9+$0x9620];
	v38 =	vadd.f32 v56, v55;
	v36 =	vmul.f32 v52, v36  }
0x56: {  	v45 =	vor.u32 s15, v0;
	v60 =	vmul.f32 v51, v48;
	v32 =	vmul.f32 v52, v32  }
0x57: {  	vm12 =	vlt.u32 v45, $0x28;
	v34 =	vmul.f32 v54, v38;
	v36 =	vsub.f32 v58, v36  }
0x58: {  	v61 =	vsel vm12, $0x7D0, v1;
	v32 =	vsub.f32 v32, v60  }
0x59: {  	v39 =	vadd.s32 s15, v61;
	v62 =	vmul.f32 v34, v49;
	v33 =	vadd.f32 v57, v36  }
0x5a: {  	v40 =	vld [tilespmem:s9+$0xB630];
	v34 =	vmul.f32 v34, v48;
	v52 =	vadd.s32 v2, v39;
	v32 =	vsub.f32 v32, v59  }
0x5b: {  	v46 =	vld [tilespmem:s9+$0x2F30];
	v54 =	vadd.s32 s15, v6;
	v33 =	vadd.f32 v62, v33  }
0x5c: {  	v63 =	vld [tilespmem:s9+$0x46B0];
	v55 =	vadd.s32 s15, v5;
	v32 =	vsub.f32 v32, v34  }
0x5d: {  	v56 =	vld [tilespmem:s9+$0x3ED0];
	[tilespmem:s9+$0xCE20] =	vst v33  }
0x5e: {  	vm13 =	vgt.u32 v45, $0x7A7;
	v53 =	vld [tilespmem:s9+$0x5650];
	[tilespmem:s9+$0xD620] =	vst v32  }
0x5f: {  	v57 =	vsel vm13, $0xFFFFF830, v1;
	v58 =	vld.idx.msk [tilespmem:v52+s4+$0x0], $0xffff  }
0x60: {  	v32 =	vadd.s32 s15, v57;
	v47 =	vld.idx.msk [tilespmem:v54+s4+$0x0], $0xffff  }
0x61: {  	v32 =	vadd.s32 v3, v32;
	v48 =	vld.idx.msk [tilespmem:v55+s4+$0x0], $0xffff  }
0x62: {  	v37 =	vld.idx.msk [tilespmem:v52+s5+$0x0], $0xffff  }
0x63: {  	v39 =	vld.idx.msk [tilespmem:v54+s5+$0x0], $0xffff  }
0x64: {  	s16 =	sand.u32 $0xFF0, s13;
	v34 =	vld.idx.msk [tilespmem:v55+s5+$0x0], $0xffff  }
0x65: {  	v59 =	vld [tilespmem:s16+$0x3700]  }
0x66: {  	v49 =	vld.idx.msk [tilespmem:v32+s4+$0x0], $0xffff  }
0x67: {  	v36 =	vadd.f32 v53, v63;
	v32 =	vld.idx.msk [tilespmem:v32+s5+$0x0], $0xffff  }
0x68: {  	v33 =	vadd.f32 v56, v46;
	v61 =	vld [tilespmem:s16+$0x4E80]  }
0x69: {  	v35 =	vld [tilespmem:s9+$0xAE30];
	v36 =	vadd.f32 v58, v36;
	v60 =	vadd.f32 v48, v47  }
0x6a: {  	v38 =	vld [tilespmem:s9+$0x8E30];
	v33 =	vadd.f32 v37, v33;
	v34 =	vadd.f32 v34, v39  }
0x6b: {  	v26 =	vld [tilespmem:s9+$0x46C0];
	v62 =	vmul.f32 v60, v40;
	v36 =	vadd.f32 v49, v36  }
0x6c: {  	v42 =	vld [tilespmem:s9+$0xA630];
	v63 =	vmul.f32 v34, v40;
	v32 =	vadd.f32 v32, v33  }
0x6d: {  	v21 =	vld.idx.msk [tilespmem:v21+s4+$0x0], $0xffff;
	v45 =	vmul.f32 v59, v59;
	v47 =	vmul.f32 v61, v61;
	v40 =	vadd.f32 v62, v36  }
0x6e: {  	v41 =	vld [tilespmem:s9+$0x9E30];
	v32 =	vadd.f32 v63, v32  }
0x6f: {  	s13 =	sadd.s32 $0x40, s13;
	v43 =	vld [tilespmem:s9+$0x9630];
	v48 =	vmul.f32 v38, v61;
	v36 =	vadd.f32 v47, v45;
	v34 =	vmul.f32 v35, v40  }
0x70: {  	v14 =	vld.idx.msk [tilespmem:v14+s4+$0x0], $0xffff;
	v50 =	vor.u32 s13, v0;
	v49 =	vmul.f32 v38, v59;
	v32 =	vmul.f32 v35, v32  }
0x71: {  	v15 =	vld.idx.msk [tilespmem:v15+s4+$0x0], $0xffff;
	vm14 =	vlt.u32 v50, $0x28;
	v51 =	vmul.f32 v42, v36;
	v33 =	vsub.f32 v48, v34  }
0x72: {  	v16 =	vld.idx.msk [tilespmem:v16+s4+$0x0], $0xffff;
	v52 =	vsel vm14, $0x7D0, v1;
	v32 =	vsub.f32 v32, v49  }
0x73: {  	v31 =	vld [tilespmem:s9+$0x3EE0];
	v35 =	vadd.s32 s13, v52;
	v36 =	vmul.f32 v51, v61;
	v33 =	vadd.f32 v41, v33  }
0x74: {  	v29 =	vld [tilespmem:s9+$0x5660];
	v35 =	vadd.s32 v2, v35;
	v34 =	vmul.f32 v51, v59;
	v32 =	vsub.f32 v32, v43  }
0x75: {  	v27 =	vld [tilespmem:s9+$0x3710];
	v54 =	vadd.s32 s13, v6;
	v33 =	vadd.f32 v36, v33  }
0x76: {  	v30 =	vld [tilespmem:s9+$0x2F40];
	v55 =	vadd.s32 s13, v9;
	v32 =	vsub.f32 v32, v34  }
0x77: {  	v13 =	vadd.f32 v14, v13;
	v15 =	vadd.f32 v16, v15;
	vm15 =	vgt.u32 v50, $0x7A7;
	v53 =	vld [tilespmem:s8+$0xA640];
	[tilespmem:s9+$0xCE30] =	vst v33  }
0x78: {  	v37 =	vsel vm15, $0xFFFFF830, v1;
	v43 =	vld [tilespmem:s9+$0xB640];
	[tilespmem:s9+$0xD630] =	vst v32  }
0x79: {  	v13 =	vadd.f32 v21, v13;
	v15 =	vmul.f32 v15, v18;
	v37 =	vadd.s32 s13, v37;
	v32 =	vld.idx.msk [tilespmem:v35+s5+$0x0], $0xffff  }
0x7a: {  	v56 =	vadd.s32 v3, v37;
	v57 =	vld.idx.msk [tilespmem:v54+s5+$0x0], $0xffff  }
0x7b: {  	v13 =	vadd.f32 v15, v13;
	v58 =	vld.idx.msk [tilespmem:v55+s5+$0x0], $0xffff  }
0x7c: {  	v35 =	vld.idx.msk [tilespmem:v35+s4+$0x0], $0xffff  }
0x7d: {  	v12 =	vmul.f32 v12, v19;
	v13 =	vmul.f32 v17, v13;
	v63 =	vld.idx.msk [tilespmem:v54+s4+$0x0], $0xffff  }
0x7e: {  	v22 =	vadd.f32 v22, v24;
	v60 =	vmul.f32 v11, v11;
	v42 =	vld.idx.msk [tilespmem:v55+s4+$0x0], $0xffff  }
0x7f: {  	v12 =	vsub.f32 v12, v13;
	v62 =	vmul.f32 v25, v18;
	v61 =	vmul.f32 v19, v19;
	v59 =	vld.idx.msk [tilespmem:v56+s5+$0x0], $0xffff  }
0x80: {  	v45 =	vadd.f32 v31, v30;
	v47 =	vadd.f32 v29, v26;
	v46 =	vld.idx.msk [tilespmem:v56+s4+$0x0], $0xffff  }
0x81: {  	v22 =	vadd.f32 v62, v22;
	v48 =	vld [tilespmem:s9+$0x4E90];
	v41 =	vadd.f32 v61, v60  }
0x82: {  	v28 =	vld [tilespmem:s9+$0x8E40];
	v21 =	vadd.f32 v32, v45;
	v50 =	vadd.f32 v58, v57  }
0x83: {  	v51 =	vld [tilespmem:s9+$0xAE40];
	v16 =	vadd.f32 v35, v47;
	v14 =	vadd.f32 v42, v63  }
0x84: {  	v22 =	vmul.f32 v17, v22;
	v49 =	vld [tilespmem:s8+$0x9640];
	v21 =	vadd.f32 v59, v21;
	v52 =	vmul.f32 v50, v43  }
0x85: {  	v44 =	vmul.f32 v53, v41;
	v53 =	vld [tilespmem:s9+$0xA640];
	v16 =	vadd.f32 v46, v16;
	v14 =	vmul.f32 v14, v43  }
0x86: {  	v54 =	vmul.f32 v27, v27;
	v55 =	vmul.f32 v48, v48;
	v21 =	vadd.f32 v52, v21  }
0x87: {  	v20 =	vsub.f32 v22, v20;
	v56 =	vld [tilespmem:s9+$0x9640];
	v14 =	vadd.f32 v14, v16  }
0x88: {  	v23 =	vld [tilespmem:s9+$0x9E40];
	v57 =	vmul.f32 v28, v27;
	v58 =	vadd.f32 v55, v54;
	v21 =	vmul.f32 v51, v21  }
0x89: {  	v20 =	vsub.f32 v20, v49;
	v59 =	vmul.f32 v28, v48;
	v14 =	vmul.f32 v51, v14  }
0x8a: {  	v11 =	vmul.f32 v44, v11;
	v15 =	vmul.f32 v53, v58;
	v16 =	vsub.f32 v21, v57  }
0x8b: {  	v10 =	vadd.f32 v10, v12;
	v60 =	vmul.f32 v44, v19;
	v61 =	vsub.f32 v59, v14  }
0x8c: {  	v11 =	vsub.f32 v20, v11;
	v63 =	vmul.f32 v15, v27;
	v62 =	vsub.f32 v16, v56  }
0x8d: {  	v10 =	vadd.f32 v60, v10;
	v15 =	vmul.f32 v15, v48;
	v12 =	vadd.f32 v23, v61  }
0x8e: {  	[tilespmem:s8+$0xD640] =	vst v11;
	v11 =	vsub.f32 v62, v63  }
0x8f: {  	[tilespmem:s8+$0xCE40] =	vst v10;
	v10 =	vadd.f32 v15, v12  }
0x90: {  	[tilespmem:s9+$0xD640] =	vst v11  }
0x91: {  	[tilespmem:s9+$0xCE40] =	vst v10  }
0x92: {  	s14 =	simm.s32 $0xCE00;
	s8 =	rddreg [dreg:$0x14]  }
0x93: {  	[hbm4b:s8+s1] =	stream.linear.scatter [tilespmem:s14], [sflag:$0x3], $0x7D0, $0x38;
	[tilespmem:$0xDE00] =	vst v63  }
0x94: {  	s16 =	simm.s32 $0xD600;
	s15 =	rddreg [dreg:$0x15]  }
0x95: {  	[hbm4b:s15+s1] =	stream.linear.scatter [tilespmem:s16], [sflag:$0x3], $0x7D0, $0x38;
	[tilespmem:$0xDE00] =	vst v63  }
0x96: {  	_ =	swait.ge [sflag:s6], $0x7D0  }
0x97: {  	[sflag:s6] =	ssyncset.done $0x0  }
0x98: {  	[sflag:s6] =	ssyncadd.s32 $0xFFFFF830  }
0x99: {  	_ =	swait.ge [sflag:s6], $0x7D0  }
0x9a: {  	[sflag:s6] =	ssyncset.done $0x0  }
0x9b: {  	[sflag:s6] =	ssyncadd.s32 $0xFFFFF830  }
.LBB2_7:
0x9c: {  	s7 =	sadd.s32 $0x1, s7  }
0x9d: {  	_ =	swait.ge [sflag:s6], $0x7D0;
	p1 =	sne.s32 s7, s26  }
.Ltmp1:
0x9e: {  	[sflag:s6] =	ssyncset.done $0x0;
	(pc) =	sbr.rel @!p1 .LBB2_8-.Ltmp1, $4  }
0x9f: {  	[sflag:s6] =	ssyncadd.s32 $0xFFFFF830  }
0xa0: {  	_ =	swait.ge [sflag:s6], $0x7D0  }
0xa1: {  	[sflag:s6] =	ssyncset.done $0x0  }
0xa2: {  	[sflag:s6] =	ssyncadd.s32 $0xFFFFF830  }
.LBB2_1:
0xa3: {  	[tilespmem:s1], [sflag:$0x1] =	stream.linear.gather [hbm4b:s2+s1], $0x7D0, $0x38;
	[tilespmem:$0xDE00] =	vst v63  }
0xa4: {  	s8 =	simm.s32 $0x7D0  }
0xa5: {  	[tilespmem:s8], [sflag:$0x1] =	stream.linear.gather [hbm4b:s3+s1], $0x7D0, $0x38;
	[tilespmem:$0xDE00] =	vst v63  }
0xa6: {  	s11 =	simm.s32 $0xFA0  }
0xa7: {  	[tilespmem:s11], [sflag:$0x1] =	stream.linear.gather [hbm4b:s28+s1], $0x7D0, $0x38;
	[tilespmem:$0xDE00] =	vst v63  }
0xa8: {  	_ = 	snop  }
0xa9: {  	[tilespmem:s0], [sflag:$0x1] =	stream.linear.gather [hbm4b:s29+s1], $0x7D0, $0x38;
	[tilespmem:$0xDE00] =	vst v63  }
0xaa: {  	s13 =	rddreg [dreg:$0x9];
	s9 =	simm.s32 $0x1F50  }
0xab: {  	[tilespmem:s9], [sflag:$0x1] =	stream.linear.gather [hbm4b:s13+s1], $0x7D0, $0x38;
	[tilespmem:$0xDE00] =	vst v63  }
0xac: {  	s14 =	simm.s32 $0x2720  }
0xad: {  	[tilespmem:s14], [sflag:$0x1] =	stream.linear.gather [hbm4b:s30+s1], $0x7D0, $0x38;
	[tilespmem:$0xDE00] =	vst v63  }
0xae: {  	s15 =	rddreg [dreg:$0xa];
	s16 =	simm.s32 $0x5E00  }
0xaf: {  	[tilespmem:s16], [sflag:$0x1] =	stream.linear.gather [hbm4b:s15+s1], $0x7D0, $0x38;
	[tilespmem:$0xDE00] =	vst v63  }
0xb0: {  	s11 =	simm.s32 $0x6600;
	s9 =	rddreg [dreg:$0xb]  }
0xb1: {  	[tilespmem:s11], [sflag:$0x1] =	stream.linear.gather [hbm4b:s9+s1], $0x7D0, $0x38;
	[tilespmem:$0xDE00] =	vst v63  }
0xb2: {  	s13 =	rddreg [dreg:$0xc];
	s14 =	simm.s32 $0x6E00  }
0xb3: {  	[tilespmem:s14], [sflag:$0x1] =	stream.linear.gather [hbm4b:s13+s1], $0x7D0, $0x38;
	[tilespmem:$0xDE00] =	vst v63  }
0xb4: {  	s15 =	rddreg [dreg:$0xd];
	s16 =	simm.s32 $0x7600  }
0xb5: {  	[tilespmem:s16], [sflag:$0x1] =	stream.linear.gather [hbm4b:s15+s1], $0x7D0, $0x38;
	[tilespmem:$0xDE00] =	vst v63  }
0xb6: {  	s9 =	rddreg [dreg:$0xe];
	s11 =	simm.s32 $0x7E00  }
0xb7: {  	[tilespmem:s11], [sflag:$0x1] =	stream.linear.gather [hbm4b:s9+s1], $0x7D0, $0x38;
	[tilespmem:$0xDE00] =	vst v63  }
0xb8: {  	s13 =	simm.s32 $0x8600  }
0xb9: {  	[tilespmem:s13], [sflag:$0x1] =	stream.linear.gather [hbm4b:s19+s1], $0x7D0, $0x38;
	[tilespmem:$0xDE00] =	vst v63  }
0xba: {  	s8 =	simm.s32 @!p0 $0x0;
	s9 =	simm.s32 @!p0 $0x2F00  }
0xbb: {  	[tilespmem:s9], [sflag:$0x2] =	stream.linear.gather @!p0 [hbm4b:s10+s8], $0x7D0, $0x38;
	[tilespmem:$0xDE00] =	vst v63  }
0xbc: {  	s11 =	rddreg [dreg:$0xf];
	s9 =	simm.s32 @!p0 $0x36D0  }
0xbd: {  	[tilespmem:s9], [sflag:$0x2] =	stream.linear.gather @!p0 [hbm4b:s11+s8], $0x7D0, $0x38;
	[tilespmem:$0xDE00] =	vst v63  }
0xbe: {  	s9 =	simm.s32 @!p0 $0x3EA0  }
0xbf: {  	[tilespmem:s9], [sflag:$0x2] =	stream.linear.gather @!p0 [hbm4b:s12+s8], $0x7D0, $0x38;
	[tilespmem:$0xDE00] =	vst v63  }
0xc0: {  	s9 =	simm.s32 @!p0 $0x4680  }
0xc1: {  	[tilespmem:s9], [sflag:$0x2] =	stream.linear.gather @!p0 [hbm4b:s31+s8], $0x7D0, $0x38;
	[tilespmem:$0xDE00] =	vst v63  }
0xc2: {  	s11 =	rddreg [dreg:$0x10];
	s9 =	simm.s32 @!p0 $0x4E50  }
0xc3: {  	[tilespmem:s9], [sflag:$0x2] =	stream.linear.gather @!p0 [hbm4b:s11+s8], $0x7D0, $0x38;
	[tilespmem:$0xDE00] =	vst v63  }
0xc4: {  	s9 =	simm.s32 @!p0 $0x5620  }
0xc5: {  	[tilespmem:s9], [sflag:$0x2] =	stream.linear.gather @!p0 [hbm4b:s22+s8], $0x7D0, $0x38;
	[tilespmem:$0xDE00] =	vst v63  }
0xc6: {  	s11 =	rddreg [dreg:$0x11];
	s9 =	simm.s32 @!p0 $0x8E00  }
0xc7: {  	[tilespmem:s9], [sflag:$0x2] =	stream.linear.gather @!p0 [hbm4b:s11+s8], $0x7D0, $0x38;
	[tilespmem:$0xDE00] =	vst v63  }
0xc8: {  	s9 =	simm.s32 @!p0 $0x9600;
	s11 =	rddreg [dreg:$0x12]  }
0xc9: {  	[tilespmem:s9], [sflag:$0x2] =	stream.linear.gather @!p0 [hbm4b:s11+s8], $0x7D0, $0x38;
	[tilespmem:$0xDE00] =	vst v63  }
0xca: {  	s9 =	simm.s32 @!p0 $0x9E00;
	s11 =	rddreg [dreg:$0x13]  }
0xcb: {  	[tilespmem:s9], [sflag:$0x2] =	stream.linear.gather @!p0 [hbm4b:s11+s8], $0x7D0, $0x38;
	[tilespmem:$0xDE00] =	vst v63  }
0xcc: {  	s9 =	simm.s32 @!p0 $0xA600  }
0xcd: {  	[tilespmem:s9], [sflag:$0x2] =	stream.linear.gather @!p0 [hbm4b:s17+s8], $0x7D0, $0x38;
	[tilespmem:$0xDE00] =	vst v63  }
0xce: {  	s9 =	simm.s32 @!p0 $0xAE00  }
0xcf: {  	[tilespmem:s9], [sflag:$0x2] =	stream.linear.gather @!p0 [hbm4b:s18+s8], $0x7D0, $0x38;
	[tilespmem:$0xDE00] =	vst v63  }
0xd0: {  	s9 =	simm.s32 @!p0 $0xB600  }
0xd1: {  	[tilespmem:s9], [sflag:$0x2] =	stream.linear.gather @!p0 [hbm4b:s20+s8], $0x7D0, $0x38;
	[tilespmem:$0xDE00] =	vst v63  }
0xd2: {  	_ =	swait.ge [sflag:s24], $0x7D0  }
0xd3: {  	[sflag:s24] =	ssyncset.done $0x0  }
0xd4: {  	[sflag:s24] =	ssyncadd.s32 $0xFFFFF830  }
0xd5: {  	_ =	swait.ge [sflag:s24], $0x7D0  }
0xd6: {  	[sflag:s24] =	ssyncset.done $0x0  }
0xd7: {  	[sflag:s24] =	ssyncadd.s32 $0xFFFFF830  }
0xd8: {  	_ =	swait.ge [sflag:s24], $0x7D0  }
0xd9: {  	[sflag:s24] =	ssyncset.done $0x0  }
0xda: {  	[sflag:s24] =	ssyncadd.s32 $0xFFFFF830  }
0xdb: {  	_ =	swait.ge [sflag:s24], $0x7D0  }
0xdc: {  	[sflag:s24] =	ssyncset.done $0x0  }
0xdd: {  	[sflag:s24] =	ssyncadd.s32 $0xFFFFF830  }
0xde: {  	_ =	swait.ge [sflag:s24], $0x7D0  }
0xdf: {  	[sflag:s24] =	ssyncset.done $0x0  }
0xe0: {  	[sflag:s24] =	ssyncadd.s32 $0xFFFFF830  }
0xe1: {  	_ =	swait.ge [sflag:s24], $0x7D0  }
0xe2: {  	[sflag:s24] =	ssyncset.done $0x0  }
0xe3: {  	[sflag:s24] =	ssyncadd.s32 $0xFFFFF830  }
0xe4: {  	_ =	swait.ge [sflag:s24], $0x7D0  }
0xe5: {  	[sflag:s24] =	ssyncset.done $0x0  }
0xe6: {  	[sflag:s24] =	ssyncadd.s32 $0xFFFFF830  }
0xe7: {  	_ =	swait.ge [sflag:s24], $0x7D0  }
0xe8: {  	[sflag:s24] =	ssyncset.done $0x0  }
0xe9: {  	[sflag:s24] =	ssyncadd.s32 $0xFFFFF830  }
0xea: {  	_ =	swait.ge [sflag:s24], $0x7D0  }
0xeb: {  	[sflag:s24] =	ssyncset.done $0x0  }
0xec: {  	[sflag:s24] =	ssyncadd.s32 $0xFFFFF830  }
0xed: {  	_ =	swait.ge [sflag:s24], $0x7D0  }
0xee: {  	[sflag:s24] =	ssyncset.done $0x0  }
0xef: {  	[sflag:s24] =	ssyncadd.s32 $0xFFFFF830  }
0xf0: {  	_ =	swait.ge [sflag:s24], $0x7D0  }
0xf1: {  	[sflag:s24] =	ssyncset.done $0x0  }
0xf2: {  	[sflag:s24] =	ssyncadd.s32 $0xFFFFF830  }
0xf3: {  	_ =	swait.ge [sflag:s24], $0x7D0  }
0xf4: {  	[sflag:s24] =	ssyncset.done $0x0  }
0xf5: {  	s8 =	simm.s32 $0x0;
	[sflag:s24] =	ssyncadd.s32 $0xFFFFF830  }
0xf6: {  	v10 =	vld [tilespmem:s8+$0x7D0]  }
0xf7: {  	v11 =	vadd.s32 s1, v4;
	v12 =	vor.u32 s1, v0;
	v13 =	vld [tilespmem:s8+$0x8600]  }
0xf8: {  	v14 =	vadd.s32 s1, v5;
	vm0 =	vlt.u32 v12, $0x28;
	v15 =	vld [tilespmem:s8+$0x1780]  }
0xf9: {  	v16 =	vsel vm0, $0x7D0, v1;
	v17 =	vld [tilespmem:s8+$0x2720]  }
0xfa: {  	vm6 =	vgt.u32 v12, $0x7A7;
	v12 =	vadd.s32 s1, v16;
	v16 =	vld [tilespmem:s8+$0x0]  }
0xfb: {  	v18 =	vsel vm6, $0xFFFFF830, v1;
	v12 =	vadd.s32 v2, v12;
	v19 =	vld [tilespmem:s8+$0xFA0]  }
0xfc: {  	v18 =	vadd.s32 s1, v18;
	v20 =	vld.idx.msk [tilespmem:v11+s0+$0x0], $0xffff  }
0xfd: {  	v18 =	vadd.s32 v3, v18;
	v21 =	vld.idx.msk [tilespmem:v14+s0+$0x0], $0xffff  }
0xfe: {  	v11 =	vld.idx.msk [tilespmem:v11+s1+$0x0], $0xffff  }
0xff: {  	v14 =	vld.idx.msk [tilespmem:v14+s1+$0x0], $0xffff  }
0x100: {  	v22 =	vld.idx.msk [tilespmem:v12+s0+$0x0], $0xffff  }
0x101: {  	v12 =	vld.idx.msk [tilespmem:v12+s1+$0x0], $0xffff  }
0x102: {  	v23 =	vld.idx.msk [tilespmem:v18+s0+$0x0], $0xffff  }
0x103: {  	v18 =	vld.idx.msk [tilespmem:v18+s1+$0x0], $0xffff;
	v15 =	vadd.f32 v17, v15  }
0x104: {  	v17 =	vld [tilespmem:s8+$0x1F50];
	v16 =	vadd.f32 v19, v16  }
0x105: {  	v19 =	vld [tilespmem:s8+$0x5E00];
	v20 =	vadd.f32 v21, v20;
	v15 =	vadd.f32 v22, v15  }
0x106: {  	v11 =	vadd.f32 v14, v11;
	v12 =	vadd.f32 v12, v16;
	v16 =	vld [tilespmem:s8+$0x7E00]  }
0x107: {  	v14 =	vadd.f32 v23, v15;
	v15 =	vmul.f32 v20, v13  }
0x108: {  	v11 =	vmul.f32 v11, v13;
	v20 =	vld [tilespmem:s8+$0x7600];
	v12 =	vadd.f32 v18, v12  }
0x109: {  	v21 =	vmul.f32 v10, v10;
	v13 =	vmul.f32 v17, v17;
	v14 =	vadd.f32 v15, v14  }
0x10a: {  	v22 =	vld [tilespmem:s8+$0x6E00];
	v18 =	vmul.f32 v19, v17;
	v11 =	vadd.f32 v11, v12  }
0x10b: {  	s14 =	simm.s32 $0x10;
	v12 =	vadd.f32 v13, v21;
	v13 =	vmul.f32 v16, v14;
	v14 =	vmul.f32 v19, v10;
	v19 =	vld [tilespmem:s8+$0x6600]  }
0x10c: {  	v15 =	vor.u32 s14, v0;
	v11 =	vmul.f32 v16, v11  }
0x10d: {  	vm7 =	vlt.u32 v15, $0x28;
	v12 =	vmul.f32 v20, v12;
	v16 =	vsub.f32 v18, v13  }
0x10e: {  	v25 =	vld [tilespmem:s8+$0x7E0];
	v18 =	vsel vm7, $0x7D0, v1;
	v11 =	vsub.f32 v11, v14  }
0x10f: {  	v24 =	vld [tilespmem:s8+$0x1F60];
	v10 =	vmul.f32 v12, v10;
	v14 =	vadd.f32 v22, v16;
	v16 =	vmul.f32 v12, v17  }
0x110: {  	v17 =	vadd.s32 s14, v18;
	v18 =	vld [tilespmem:s8+$0x8610];
	v11 =	vsub.f32 v11, v19;
	v19 =	vadd.s32 s14, v5  }
0x111: {  	v12 =	vadd.f32 v16, v14;
	v14 =	vld [tilespmem:s8+$0x1790]  }
0x112: {  	v16 =	vadd.s32 v2, v17;
	v17 =	vld [tilespmem:s8+$0x2730];
	v10 =	vsub.f32 v11, v10  }
0x113: {  	vm8 =	vgt.u32 v15, $0x7A7;
	[tilespmem:s8+$0xBE00] =	vst v12;
	v12 =	vld [tilespmem:s8+$0x10]  }
0x114: {  	v15 =	vsel vm8, $0xFFFFF830, v1;
	v11 =	vadd.s32 s14, v6;
	[tilespmem:s8+$0xC600] =	vst v10;
	v10 =	vld [tilespmem:s8+$0xFB0]  }
0x115: {  	v15 =	vadd.s32 s14, v15;
	v22 =	vld.idx.msk [tilespmem:v19+s0+$0x0], $0xffff  }
0x116: {  	v15 =	vadd.s32 v3, v15;
	v19 =	vld.idx.msk [tilespmem:v19+s1+$0x0], $0xffff  }
0x117: {  	v20 =	vld.idx.msk [tilespmem:v16+s0+$0x0], $0xffff  }
0x118: {  	v16 =	vld.idx.msk [tilespmem:v16+s1+$0x0], $0xffff  }
0x119: {  	v21 =	vld.idx.msk [tilespmem:v11+s0+$0x0], $0xffff  }
0x11a: {  	v11 =	vld.idx.msk [tilespmem:v11+s1+$0x0], $0xffff  }
0x11b: {  	v23 =	vld.idx.msk [tilespmem:v15+s0+$0x0], $0xffff  }
0x11c: {  	v15 =	vld.idx.msk [tilespmem:v15+s1+$0x0], $0xffff;
	v14 =	vadd.f32 v17, v14  }
0x11d: {  	v30 =	vld [tilespmem:s8+$0x7630];
	v10 =	vadd.f32 v10, v12  }
0x11e: {  	v12 =	vadd.f32 v20, v14;
	v20 =	vld [tilespmem:s8+$0x5E10];
	v14 =	vadd.f32 v22, v21  }
0x11f: {  	v10 =	vadd.f32 v16, v10;
	v16 =	vld [tilespmem:s8+$0x7E10];
	v11 =	vadd.f32 v19, v11  }
0x120: {  	v31 =	vld [tilespmem:s8+$0x8630];
	v12 =	vadd.f32 v23, v12;
	v14 =	vmul.f32 v14, v18  }
0x121: {  	s9 =	simm.s32 $0x50;
	v15 =	vadd.f32 v15, v10;
	v11 =	vmul.f32 v11, v18;
	v18 =	vld [tilespmem:s8+$0x7610]  }
0x122: {  	v32 =	vld [tilespmem:s9+$0x7600];
	v19 =	vmul.f32 v24, v24;
	v12 =	vadd.f32 v14, v12;
	v14 =	vmul.f32 v25, v25  }
0x123: {  	v11 =	vadd.f32 v11, v15;
	v15 =	vld [tilespmem:s8+$0x6E10]  }
0x124: {  	s15 =	simm.s32 $0x20;
	v22 =	vld [tilespmem:s8+$0x6610];
	v14 =	vadd.f32 v19, v14;
	v19 =	vmul.f32 v20, v24;
	v21 =	vmul.f32 v16, v12  }
0x125: {  	v40 =	vld [tilespmem:s9+$0x5E00];
	v23 =	vor.u32 s15, v0;
	v16 =	vmul.f32 v16, v11;
	v20 =	vmul.f32 v20, v25  }
0x126: {  	v49 =	vld [tilespmem:s9+$0x8600];
	vm9 =	vlt.u32 v23, $0x28;
	v14 =	vmul.f32 v18, v14;
	v18 =	vsub.f32 v19, v21  }
0x127: {  	v51 =	vld [tilespmem:s9+$0x2720];
	vm10 =	vgt.u32 v23, $0x7A7;
	v16 =	vsub.f32 v16, v20;
	v20 =	vsel vm9, $0x7D0, v1  }
0x128: {  	v41 =	vld [tilespmem:s9+$0x0];
	v20 =	vadd.s32 s15, v20;
	v15 =	vadd.f32 v15, v18;
	v18 =	vmul.f32 v14, v24  }
0x129: {  	v23 =	vld [tilespmem:s8+$0xFC0];
	v16 =	vsub.f32 v16, v22;
	v14 =	vmul.f32 v14, v25;
	v20 =	vadd.s32 v2, v20  }
0x12a: {  	v21 =	vld [tilespmem:s8+$0x8620];
	v25 =	vadd.s32 s15, v7;
	v15 =	vadd.f32 v18, v15  }
0x12b: {  	v22 =	vld [tilespmem:s8+$0x2740];
	v14 =	vsub.f32 v16, v14  }
0x12c: {  	v18 =	vld [tilespmem:s8+$0x17A0];
	[tilespmem:s8+$0xBE10] =	vst v15  }
0x12d: {  	v16 =	vld [tilespmem:s8+$0x20];
	[tilespmem:s8+$0xC610] =	vst v14  }
0x12e: {  	v15 =	vadd.s32 s15, v8;
	v14 =	vsel vm10, $0xFFFFF830, v1;
	v26 =	vld.idx.msk [tilespmem:v20+s0+$0x0], $0xffff  }
0x12f: {  	v14 =	vadd.s32 s15, v14;
	v27 =	vld.idx.msk [tilespmem:v25+s0+$0x0], $0xffff  }
0x130: {  	v20 =	vld.idx.msk [tilespmem:v20+s1+$0x0], $0xffff;
	v14 =	vadd.s32 v3, v14  }
0x131: {  	v25 =	vld.idx.msk [tilespmem:v25+s1+$0x0], $0xffff  }
0x132: {  	v18 =	vadd.f32 v22, v18;
	v22 =	vld [tilespmem:s8+$0x7F0]  }
0x133: {  	v28 =	vld.idx.msk [tilespmem:v15+s0+$0x0], $0xffff  }
0x134: {  	s11 =	simm.s32 $0x50;
	v15 =	vld.idx.msk [tilespmem:v15+s1+$0x0], $0xffff  }
0x135: {  	v38 =	vadd.s32 s11, v5;
	v29 =	vld.idx.msk [tilespmem:v14+s0+$0x0], $0xffff  }
0x136: {  	v16 =	vadd.f32 v23, v16;
	v14 =	vld.idx.msk [tilespmem:v14+s1+$0x0], $0xffff  }
0x137: {  	v37 =	vadd.s32 s11, v4;
	v23 =	vld [tilespmem:s8+$0x1F70];
	v18 =	vadd.f32 v26, v18  }
0x138: {  	v16 =	vadd.f32 v20, v16;
	v20 =	vld [tilespmem:s8+$0x7E20];
	v26 =	vadd.f32 v28, v27  }
0x139: {  	v27 =	vld [tilespmem:s8+$0x5E20];
	v15 =	vadd.f32 v15, v25  }
0x13a: {  	v53 =	vld.idx.msk [tilespmem:v38+s0+$0x0], $0xffff;
	v18 =	vadd.f32 v29, v18;
	v25 =	vmul.f32 v26, v21  }
0x13b: {  	v14 =	vadd.f32 v14, v16;
	v15 =	vmul.f32 v15, v21;
	v16 =	vld [tilespmem:s8+$0x7620]  }
0x13c: {  	v54 =	vld.idx.msk [tilespmem:v37+s1+$0x0], $0xffff;
	v21 =	vmul.f32 v22, v22;
	v18 =	vadd.f32 v25, v18;
	v25 =	vmul.f32 v23, v23  }
0x13d: {  	v14 =	vadd.f32 v15, v14;
	v15 =	vld [tilespmem:s8+$0x6E20]  }
0x13e: {  	s16 =	simm.s32 $0x30;
	v29 =	vld [tilespmem:s8+$0x6620];
	v21 =	vadd.f32 v25, v21;
	v25 =	vmul.f32 v27, v23;
	v18 =	vmul.f32 v20, v18  }
0x13f: {  	v60 =	vld [tilespmem:s9+$0x7E00];
	v14 =	vmul.f32 v20, v14;
	v20 =	vmul.f32 v27, v22;
	v27 =	vor.u32 s16, v0  }
0x140: {  	v13 =	vld [tilespmem:s8+$0x17C0];
	vm11 =	vlt.u32 v27, $0x28;
	v16 =	vmul.f32 v16, v21;
	v18 =	vsub.f32 v25, v18  }
0x141: {  	v17 =	vld [tilespmem:s8+$0x2760];
	v14 =	vsub.f32 v14, v20;
	v25 =	vsel vm11, $0x7D0, v1  }
0x142: {  	v10 =	vld [tilespmem:s8+$0x6E40];
	v15 =	vadd.f32 v15, v18;
	v18 =	vmul.f32 v16, v23;
	v23 =	vadd.s32 s16, v25  }
0x143: {  	v12 =	vld [tilespmem:s8+$0x5E40];
	v14 =	vsub.f32 v14, v29;
	v16 =	vmul.f32 v16, v22;
	v22 =	vadd.s32 v2, v23  }
0x144: {  	v25 =	vld [tilespmem:s8+$0x17B0];
	v23 =	vadd.s32 s16, v6;
	v15 =	vadd.f32 v18, v15  }
0x145: {  	v29 =	vld [tilespmem:s8+$0x30];
	v14 =	vsub.f32 v14, v16  }
0x146: {  	v18 =	vld [tilespmem:s8+$0x2750];
	[tilespmem:s8+$0xBE20] =	vst v15  }
0x147: {  	vm12 =	vgt.u32 v27, $0x7A7;
	v16 =	vadd.s32 s16, v5;
	v15 =	vld [tilespmem:s8+$0xFD0];
	[tilespmem:s8+$0xC620] =	vst v14  }
0x148: {  	v14 =	vsel vm12, $0xFFFFF830, v1;
	v27 =	vld.idx.msk [tilespmem:v22+s0+$0x0], $0xffff  }
0x149: {  	v14 =	vadd.s32 s16, v14;
	v33 =	vld.idx.msk [tilespmem:v23+s0+$0x0], $0xffff  }
0x14a: {  	v14 =	vadd.s32 v3, v14;
	v22 =	vld.idx.msk [tilespmem:v22+s1+$0x0], $0xffff  }
0x14b: {  	v35 =	vld.idx.msk [tilespmem:v23+s1+$0x0], $0xffff  }
0x14c: {  	v34 =	vld.idx.msk [tilespmem:v16+s0+$0x0], $0xffff  }
0x14d: {  	s14 =	sand.u32 $0xFF0, s1;
	v16 =	vld.idx.msk [tilespmem:v16+s1+$0x0], $0xffff  }
0x14e: {  	v18 =	vadd.f32 v18, v25;
	v25 =	vld [tilespmem:s14+$0x800]  }
0x14f: {  	v36 =	vld.idx.msk [tilespmem:v14+s0+$0x0], $0xffff  }
0x150: {  	v14 =	vld.idx.msk [tilespmem:v14+s1+$0x0], $0xffff  }
0x151: {  	s13 =	simm.s32 $0x40;
	v15 =	vadd.f32 v15, v29;
	v29 =	vld [tilespmem:s14+$0x1F80]  }
0x152: {  	v39 =	vor.u32 s13, v0;
	v19 =	vld [tilespmem:s8+$0x40];
	v18 =	vadd.f32 v27, v18;
	v33 =	vadd.f32 v34, v33  }
0x153: {  	v21 =	vld [tilespmem:s8+$0x5E30];
	v23 =	vor.u32 s11, v0;
	v15 =	vadd.f32 v22, v15;
	v16 =	vadd.f32 v16, v35  }
0x154: {  	v20 =	vld [tilespmem:s8+$0x7E30];
	vm13 =	vgt.u32 v23, $0x7A7;
	v22 =	vmul.f32 v33, v31;
	v18 =	vadd.f32 v36, v18  }
0x155: {  	v24 =	vld [tilespmem:s8+$0xFE0];
	vm1 =	vlt.u32 v23, $0x28;
	v14 =	vadd.f32 v14, v15;
	v15 =	vmul.f32 v16, v31  }
0x156: {  	v28 =	vld [tilespmem:s8+$0x6630];
	v16 =	vadd.f32 v22, v18;
	v18 =	vmul.f32 v25, v25;
	v22 =	vmul.f32 v29, v29  }
0x157: {  	vm2 =	vlt.u32 v39, $0x28;
	v26 =	vld [tilespmem:s8+$0x6E30];
	v48 =	vsel vm1, $0x7D0, v1;
	v50 =	vsel vm13, $0xFFFFF830, v1  }
0x158: {  	v23 =	vld [tilespmem:s9+$0x7D0];
	v33 =	vadd.s32 s11, v48;
	v14 =	vadd.f32 v15, v14;
	v15 =	vadd.f32 v22, v18  }
0x159: {  	v27 =	vld [tilespmem:s9+$0x1F50];
	v18 =	vmul.f32 v21, v29;
	v16 =	vmul.f32 v20, v16;
	v22 =	vadd.s32 v2, v33  }
0x15a: {  	v52 =	vadd.s32 s11, v50;
	v31 =	vld [tilespmem:s9+$0x1780];
	v14 =	vmul.f32 v20, v14;
	v21 =	vmul.f32 v21, v25  }
0x15b: {  	v20 =	vld [tilespmem:s9+$0xFA0];
	v15 =	vmul.f32 v30, v15;
	v16 =	vsub.f32 v18, v16;
	v18 =	vadd.s32 v3, v52  }
0x15c: {  	v30 =	vld.idx.msk [tilespmem:v37+s0+$0x0], $0xffff;
	v14 =	vsub.f32 v14, v21;
	v21 =	vsel vm2, $0x7D0, v1  }
0x15d: {  	v21 =	vadd.s32 s13, v21;
	v16 =	vadd.f32 v26, v16;
	v26 =	vmul.f32 v15, v29;
	v29 =	vld.idx.msk [tilespmem:v38+s1+$0x0], $0xffff  }
0x15e: {  	v28 =	vsub.f32 v14, v28;
	v25 =	vmul.f32 v15, v25;
	v14 =	vadd.s32 v2, v21;
	v55 =	vld.idx.msk [tilespmem:v22+s0+$0x0], $0xffff  }
0x15f: {  	vm14 =	vgt.u32 v39, $0x7A7;
	v15 =	vadd.s32 s13, v6;
	v22 =	vld.idx.msk [tilespmem:v22+s1+$0x0], $0xffff;
	v21 =	vadd.f32 v26, v16  }
0x160: {  	v25 =	vsub.f32 v28, v25;
	v26 =	vsel vm14, $0xFFFFF830, v1;
	v16 =	vadd.s32 s13, v9;
	v56 =	vld.idx.msk [tilespmem:v18+s0+$0x0], $0xffff  }
0x161: {  	v13 =	vadd.f32 v17, v13;
	v24 =	vadd.f32 v24, v19;
	v18 =	vld.idx.msk [tilespmem:v18+s1+$0x0], $0xffff;
	[tilespmem:s8+$0xBE30] =	vst v21;
	v21 =	vadd.s32 s13, v26  }
0x162: {  	v11 =	vld [tilespmem:s8+$0x810];
	v17 =	vadd.f32 v20, v41;
	[tilespmem:s8+$0xC630] =	vst v25;
	v25 =	vadd.f32 v51, v31;
	v21 =	vadd.s32 v3, v21  }
0x163: {  	v61 =	vmul.f32 v23, v23;
	v62 =	vmul.f32 v27, v27;
	v30 =	vadd.f32 v53, v30;
	v26 =	vld.idx.msk [tilespmem:v14+s1+$0x0], $0xffff  }
0x164: {  	v57 =	vld.idx.msk [tilespmem:v15+s1+$0x0], $0xffff;
	v25 =	vadd.f32 v55, v25;
	v17 =	vadd.f32 v22, v17  }
0x165: {  	v63 =	vadd.f32 v62, v61;
	v29 =	vadd.f32 v29, v54;
	v59 =	vld.idx.msk [tilespmem:v16+s1+$0x0], $0xffff  }
0x166: {  	s15 =	simm.s32 $0x60;
	v30 =	vmul.f32 v30, v49;
	v25 =	vadd.f32 v56, v25;
	v17 =	vadd.f32 v18, v17;
	v18 =	vld [tilespmem:s8+$0x8640]  }
0x167: {  	v34 =	vmul.f32 v40, v23;
	v28 =	vor.u32 s15, v0;
	v29 =	vmul.f32 v29, v49;
	v22 =	vld.idx.msk [tilespmem:v21+s1+$0x0], $0xffff  }
0x168: {  	v19 =	vld [tilespmem:s8+$0x1F90];
	v32 =	vmul.f32 v32, v63;
	vm15 =	vlt.u32 v28, $0x28;
	v25 =	vadd.f32 v30, v25  }
0x169: {  	v58 =	vsel vm15, $0x7D0, v1;
	v31 =	vmul.f32 v40, v27;
	v17 =	vadd.f32 v29, v17;
	v30 =	vld [tilespmem:s9+$0x6E00]  }
0x16a: {  	v29 =	vld [tilespmem:s9+$0x6600];
	v24 =	vadd.f32 v26, v24;
	v35 =	vmul.f32 v60, v25;
	v25 =	vadd.f32 v59, v57  }
0x16b: {  	s14 =	simm.s32 $0x280;
	v20 =	vmul.f32 v12, v11;
	s13 =	simm.s32 $0x50;
	v33 =	vadd.s32 s15, v58;
	v36 =	vmul.f32 v60, v17;
	v17 =	vld [tilespmem:s8+$0x7E40]  }
.LBB2_2:
0x16c: {  	p1 =	sne.s32 s14, $0x1E00;
	v26 =	vsub.f32 v31, v35;
	v31 =	vld [tilespmem:s9+$0x17C0];
	v22 =	vadd.f32 v22, v24;
	v24 =	vmul.f32 v25, v18  }
0x16d: {  	v35 =	vmul.f32 v11, v11;
	v25 =	vsub.f32 v36, v34;
	v34 =	vld [tilespmem:s8+$0x7640];
	v36 =	vmul.f32 v19, v19  }
0x16e: {  	v27 =	vmul.f32 v32, v27;
	v26 =	vadd.f32 v30, v26;
	v22 =	vadd.f32 v24, v22;
	v24 =	vld [tilespmem:s8+$0x6640]  }
0x16f: {  	v23 =	vmul.f32 v32, v23;
	v25 =	vsub.f32 v25, v29;
	v29 =	vadd.s32 v2, v33;
	v30 =	vld [tilespmem:s9+$0x8610]  }
0x170: {  	v32 =	vadd.f32 v36, v35;
	v26 =	vadd.f32 v27, v26;
	v27 =	vld [tilespmem:s9+$0x1790];
	v22 =	vmul.f32 v17, v22  }
0x171: {  	v33 =	vmul.f32 v12, v19;
	v23 =	vsub.f32 v25, v23;
	v25 =	vld [tilespmem:s9+$0x2730]  }
0x172: {  	[tilespmem:s9+$0xBE00] =	vst v26;
	v12 =	vld [tilespmem:s9+$0x10];
	v26 =	vmul.f32 v34, v32;
	v20 =	vsub.f32 v22, v20  }
0x173: {  	[tilespmem:s9+$0xC600] =	vst v23;
	v22 =	vld [tilespmem:s9+$0xFB0]  }
0x174: {  	v23 =	vadd.s32 s15, v6;
	v32 =	vld.idx.msk [tilespmem:v29+s0+$0x0], $0xffff;
	v20 =	vsub.f32 v20, v24;
	v11 =	vmul.f32 v26, v11  }
0x175: {  	v24 =	vadd.s32 s15, v5;
	v26 =	vmul.f32 v26, v19;
	v21 =	vld.idx.msk [tilespmem:v21+s0+$0x0], $0xffff  }
0x176: {  	vm0 =	vgt.u32 v28, $0x7A7;
	v14 =	vld.idx.msk [tilespmem:v14+s0+$0x0], $0xffff;
	v11 =	vsub.f32 v20, v11  }
0x177: {  	v19 =	vsel vm0, $0xFFFFF830, v1;
	v15 =	vld.idx.msk [tilespmem:v15+s0+$0x0], $0xffff  }
0x178: {  	v19 =	vadd.s32 s15, v19;
	v16 =	vld.idx.msk [tilespmem:v16+s0+$0x0], $0xffff;
	[tilespmem:s8+$0xC640] =	vst v11  }
0x179: {  	v11 =	vadd.s32 v3, v19;
	v19 =	vld.idx.msk [tilespmem:v23+s0+$0x0], $0xffff  }
0x17a: {  	v20 =	vld.idx.msk [tilespmem:v24+s0+$0x0], $0xffff  }
0x17b: {  	v28 =	vld.idx.msk [tilespmem:v29+s1+$0x0], $0xffff  }
0x17c: {  	v13 =	vadd.f32 v14, v13;
	v23 =	vld.idx.msk [tilespmem:v23+s1+$0x0], $0xffff  }
0x17d: {  	v14 =	vld.idx.msk [tilespmem:v24+s1+$0x0], $0xffff  }
0x17e: {  	v13 =	vadd.f32 v21, v13;
	v15 =	vadd.f32 v16, v15;
	v24 =	vld.idx.msk [tilespmem:v11+s0+$0x0], $0xffff  }
0x17f: {  	v11 =	vld.idx.msk [tilespmem:v11+s1+$0x0], $0xffff  }
0x180: {  	v16 =	vadd.f32 v25, v27;
	v15 =	vmul.f32 v15, v18;
	v21 =	vld [tilespmem:s9+$0x7E0]  }
0x181: {  	v12 =	vadd.f32 v22, v12;
	v18 =	vld [tilespmem:s9+$0x1F60]  }
0x182: {  	v16 =	vadd.f32 v32, v16;
	v19 =	vadd.f32 v20, v19;
	v20 =	vld [tilespmem:s9+$0x5E10]  }
0x183: {  	v12 =	vadd.f32 v28, v12;
	v14 =	vadd.f32 v14, v23;
	v22 =	vld [tilespmem:s9+$0x7E10]  }
0x184: {  	v19 =	vmul.f32 v19, v30;
	v13 =	vadd.f32 v15, v13;
	v16 =	vadd.f32 v24, v16;
	v23 =	vld [tilespmem:s9+$0x2760]  }
0x185: {  	v11 =	vadd.f32 v11, v12;
	v12 =	vmul.f32 v14, v30;
	v14 =	vld [tilespmem:s9+$0x7610]  }
0x186: {  	v15 =	vadd.f32 v19, v16;
	v16 =	vmul.f32 v21, v21;
	v19 =	vmul.f32 v18, v18;
	v24 =	vld [tilespmem:s9+$0x6E40]  }
0x187: {  	v27 =	vmul.f32 v17, v13;
	v11 =	vadd.f32 v12, v11;
	v25 =	vld [tilespmem:s9+$0x6E10]  }
0x188: {  	s15 =	sadd.s32 $0x20, s11;
	v13 =	vadd.f32 v19, v16;
	v16 =	vmul.f32 v20, v18;
	v15 =	vmul.f32 v22, v15;
	v28 =	vld [tilespmem:s9+$0x6610]  }
0x189: {  	v17 =	vmul.f32 v22, v11;
	v19 =	vmul.f32 v20, v21;
	v20 =	vor.u32 s15, v0;
	v12 =	vld [tilespmem:s9+$0x5E40]  }
0x18a: {  	vm0 =	vlt.u32 v20, $0x28;
	v14 =	vmul.f32 v14, v13;
	v15 =	vsub.f32 v16, v15;
	v11 =	vld [tilespmem:s9+$0x810]  }
0x18b: {  	v16 =	vsub.f32 v17, v19;
	v19 =	vsel vm0, $0x7D0, v1;
	v13 =	vadd.f32 v23, v31;
	v17 =	vld [tilespmem:s9+$0x40]  }
0x18c: {  	v22 =	vadd.s32 s15, v19;
	v15 =	vadd.f32 v25, v15;
	v18 =	vmul.f32 v14, v18;
	v19 =	vld [tilespmem:s9+$0xFE0]  }
0x18d: {  	v14 =	vmul.f32 v14, v21;
	v21 =	vadd.s32 v2, v22;
	v16 =	vsub.f32 v16, v28;
	v22 =	vld [tilespmem:s9+$0x8620]  }
0x18e: {  	v25 =	vsub.f32 v33, v27;
	v15 =	vadd.f32 v18, v15;
	v18 =	vadd.s32 s15, v7;
	v23 =	vld [tilespmem:s9+$0x17A0]  }
0x18f: {  	v14 =	vsub.f32 v16, v14;
	v16 =	vadd.s32 s15, v8;
	v27 =	vld [tilespmem:s9+$0x2740]  }
0x190: {  	vm0 =	vgt.u32 v20, $0x7A7;
	v20 =	vadd.f32 v10, v25;
	v10 =	vmov v24;
	[tilespmem:s9+$0xBE10] =	vst v15;
	v15 =	vld [tilespmem:s9+$0x20]  }
0x191: {  	[tilespmem:s9+$0xC610] =	vst v14;
	v14 =	vsel vm0, $0xFFFFF830, v1;
	v24 =	vld [tilespmem:s9+$0xFC0]  }
0x192: {  	v20 =	vadd.f32 v26, v20;
	v14 =	vadd.s32 s15, v14;
	v25 =	vld.idx.msk [tilespmem:v21+s0+$0x0], $0xffff  }
0x193: {  	v14 =	vadd.s32 v3, v14;
	v26 =	vld.idx.msk [tilespmem:v18+s0+$0x0], $0xffff  }
0x194: {  	v28 =	vld.idx.msk [tilespmem:v16+s0+$0x0], $0xffff;
	[tilespmem:s8+$0xBE40] =	vst v20;
	s8 =	smov.u32 s9  }
0x195: {  	v20 =	vld.idx.msk [tilespmem:v21+s1+$0x0], $0xffff  }
0x196: {  	v18 =	vld.idx.msk [tilespmem:v18+s1+$0x0], $0xffff  }
0x197: {  	v16 =	vld.idx.msk [tilespmem:v16+s1+$0x0], $0xffff  }
0x198: {  	v21 =	vld.idx.msk [tilespmem:v14+s0+$0x0], $0xffff  }
0x199: {  	v29 =	vld.idx.msk [tilespmem:v14+s1+$0x0], $0xffff  }
0x19a: {  	v14 =	vadd.f32 v27, v23;
	v23 =	vld [tilespmem:s8+$0x7F0]  }
0x19b: {  	v15 =	vadd.f32 v24, v15;
	v24 =	vld [tilespmem:s8+$0x1F70]  }
0x19c: {  	v14 =	vadd.f32 v25, v14;
	v25 =	vadd.f32 v28, v26;
	v26 =	vld [tilespmem:s8+$0x5E20]  }
0x19d: {  	v15 =	vadd.f32 v20, v15;
	v16 =	vadd.f32 v16, v18;
	v18 =	vld [tilespmem:s8+$0x7E20]  }
0x19e: {  	v20 =	vadd.f32 v21, v14;
	v21 =	vmul.f32 v25, v22;
	v14 =	vld [tilespmem:s8+$0x6E30]  }
0x19f: {  	v25 =	vadd.f32 v29, v15;
	v16 =	vmul.f32 v16, v22;
	v22 =	vld [tilespmem:s8+$0x7620]  }
0x1a0: {  	v20 =	vadd.f32 v21, v20;
	v21 =	vmul.f32 v23, v23;
	v27 =	vmul.f32 v24, v24;
	v15 =	vld [tilespmem:s8+$0x6630]  }
0x1a1: {  	v16 =	vadd.f32 v16, v25;
	v25 =	vld [tilespmem:s8+$0x6E20]  }
0x1a2: {  	s15 =	sadd.s32 $0x30, s11;
	v21 =	vadd.f32 v27, v21;
	v27 =	vmul.f32 v26, v24;
	v20 =	vmul.f32 v18, v20;
	v28 =	vld [tilespmem:s8+$0x6620]  }
0x1a3: {  	v16 =	vmul.f32 v18, v16;
	v18 =	vmul.f32 v26, v23;
	v26 =	vor.u32 s15, v0;
	v29 =	vld [tilespmem:s8+$0x7630]  }
0x1a4: {  	vm0 =	vlt.u32 v26, $0x28;
	v21 =	vmul.f32 v22, v21;
	v20 =	vsub.f32 v27, v20;
	v22 =	vld [tilespmem:s8+$0x5E30]  }
0x1a5: {  	v16 =	vsub.f32 v16, v18;
	v18 =	vsel vm0, $0x7D0, v1;
	v30 =	vld [tilespmem:s8+$0x7E30]  }
0x1a6: {  	v18 =	vadd.s32 s15, v18;
	v20 =	vadd.f32 v25, v20;
	v24 =	vmul.f32 v21, v24;
	v25 =	vld [tilespmem:s8+$0x8630]  }
0x1a7: {  	v21 =	vmul.f32 v21, v23;
	v18 =	vadd.s32 v2, v18;
	v16 =	vsub.f32 v16, v28;
	v23 =	vld [tilespmem:s8+$0x17B0]  }
0x1a8: {  	v20 =	vadd.f32 v24, v20;
	v24 =	vadd.s32 s15, v6;
	v27 =	vld [tilespmem:s8+$0x2750]  }
0x1a9: {  	v16 =	vsub.f32 v16, v21;
	v21 =	vadd.s32 s15, v5;
	v28 =	vld [tilespmem:s8+$0x30]  }
0x1aa: {  	s9 =	sshra.s32 s14, $0x2;
	vm0 =	vgt.u32 v26, $0x7A7;
	[tilespmem:s8+$0xBE20] =	vst v20;
	v20 =	vld [tilespmem:s8+$0xFD0]  }
0x1ab: {  	v26 =	vld [tilespmem:s9+$0x7600];
	[tilespmem:s8+$0xC620] =	vst v16;
	v16 =	vsel vm0, $0xFFFFF830, v1  }
0x1ac: {  	v16 =	vadd.s32 s15, v16;
	v31 =	vld.idx.msk [tilespmem:v18+s0+$0x0], $0xffff  }
0x1ad: {  	v16 =	vadd.s32 v3, v16;
	v32 =	vld.idx.msk [tilespmem:v24+s0+$0x0], $0xffff  }
0x1ae: {  	v33 =	vld.idx.msk [tilespmem:v21+s0+$0x0], $0xffff  }
0x1af: {  	v18 =	vld.idx.msk [tilespmem:v18+s1+$0x0], $0xffff  }
0x1b0: {  	v24 =	vld.idx.msk [tilespmem:v24+s1+$0x0], $0xffff  }
0x1b1: {  	v21 =	vld.idx.msk [tilespmem:v21+s1+$0x0], $0xffff  }
0x1b2: {  	v34 =	vld.idx.msk [tilespmem:v16+s0+$0x0], $0xffff  }
0x1b3: {  	s16 =	sand.u32 $0xFF0, s13;
	s11 =	sadd.s32 $0x50, s11;
	v16 =	vld.idx.msk [tilespmem:v16+s1+$0x0], $0xffff  }
0x1b4: {  	v35 =	vadd.s32 s11, v4;
	v36 =	vadd.s32 s11, v5;
	s15 =	sadd.s32 $0x40, s13;
	s13 =	smov.u32 s11;
	v23 =	vadd.f32 v27, v23;
	v37 =	vld [tilespmem:s16+$0x800]  }
0x1b5: {  	v27 =	vor.u32 s11, v0;
	v38 =	vor.u32 s15, v0;
	v20 =	vadd.f32 v20, v28;
	v28 =	vld [tilespmem:s16+$0x1F80]  }
0x1b6: {  	vm1 =	vgt.u32 v27, $0x7A7;
	v31 =	vadd.f32 v31, v23;
	v32 =	vadd.f32 v33, v32;
	v39 =	vld [tilespmem:s9+$0x5E00]  }
0x1b7: {  	vm2 =	vlt.u32 v27, $0x28;
	v18 =	vadd.f32 v18, v20;
	v20 =	vadd.f32 v21, v24;
	v23 =	vld [tilespmem:s9+$0x7D0]  }
0x1b8: {  	vm0 =	vlt.u32 v38, $0x28;
	v24 =	vmul.f32 v32, v25;
	v21 =	vadd.f32 v34, v31;
	v27 =	vld [tilespmem:s9+$0x1F50]  }
0x1b9: {  	v31 =	vsel vm2, $0x7D0, v1;
	v16 =	vadd.f32 v16, v18;
	v18 =	vmul.f32 v20, v25;
	v32 =	vld [tilespmem:s9+$0x8600]  }
0x1ba: {  	v21 =	vadd.f32 v24, v21;
	v24 =	vmul.f32 v37, v37;
	v20 =	vld [tilespmem:s9+$0x1780];
	v25 =	vmul.f32 v28, v28  }
0x1bb: {  	v33 =	vsel vm1, $0xFFFFF830, v1;
	v31 =	vadd.s32 s11, v31;
	v16 =	vadd.f32 v18, v16;
	v34 =	vld [tilespmem:s9+$0x2720]  }
0x1bc: {  	v21 =	vmul.f32 v30, v21;
	v18 =	vld [tilespmem:s9+$0x0];
	v24 =	vadd.f32 v25, v24;
	v25 =	vmul.f32 v22, v28  }
0x1bd: {  	v31 =	vadd.s32 v2, v31;
	v16 =	vmul.f32 v30, v16;
	v22 =	vmul.f32 v22, v37;
	v40 =	vld [tilespmem:s9+$0xFA0]  }
0x1be: {  	v30 =	vadd.s32 s11, v33;
	v33 =	vld.idx.msk [tilespmem:v35+s0+$0x0], $0xffff;
	v24 =	vmul.f32 v29, v24;
	v21 =	vsub.f32 v25, v21  }
0x1bf: {  	v25 =	vadd.s32 v3, v30;
	v16 =	vsub.f32 v16, v22;
	v22 =	vsel vm0, $0x7D0, v1;
	v29 =	vld.idx.msk [tilespmem:v36+s0+$0x0], $0xffff  }
0x1c0: {  	v30 =	vld.idx.msk [tilespmem:v35+s1+$0x0], $0xffff;
	v21 =	vadd.f32 v14, v21;
	v28 =	vmul.f32 v24, v28;
	v14 =	vadd.s32 s15, v22  }
0x1c1: {  	v16 =	vsub.f32 v16, v15;
	v24 =	vmul.f32 v24, v37;
	v22 =	vld.idx.msk [tilespmem:v36+s1+$0x0], $0xffff;
	v14 =	vadd.s32 v2, v14  }
0x1c2: {  	vm0 =	vgt.u32 v38, $0x7A7;
	v15 =	vadd.s32 s15, v6;
	v35 =	vld.idx.msk [tilespmem:v31+s0+$0x0], $0xffff;
	v21 =	vadd.f32 v28, v21  }
0x1c3: {  	v24 =	vsub.f32 v16, v24;
	v28 =	vsel vm0, $0xFFFFF830, v1;
	v16 =	vadd.s32 s15, v9;
	v31 =	vld.idx.msk [tilespmem:v31+s1+$0x0], $0xffff  }
0x1c4: {  	v36 =	vld.idx.msk [tilespmem:v25+s0+$0x0], $0xffff;
	[tilespmem:s8+$0xBE30] =	vst v21;
	v21 =	vadd.s32 s15, v28  }
0x1c5: {  	s15 =	sadd.s32 $0x10, s11;
	v25 =	vld.idx.msk [tilespmem:v25+s1+$0x0], $0xffff;
	[tilespmem:s8+$0xC630] =	vst v24;
	v21 =	vadd.s32 v3, v21  }
0x1c6: {  	v20 =	vadd.f32 v34, v20;
	v28 =	vor.u32 s15, v0;
	v24 =	vld.idx.msk [tilespmem:v14+s1+$0x0], $0xffff  }
0x1c7: {  	v18 =	vadd.f32 v40, v18;
	vm0 =	vlt.u32 v28, $0x28;
	v37 =	vld.idx.msk [tilespmem:v15+s1+$0x0], $0xffff  }
0x1c8: {  	v29 =	vadd.f32 v29, v33;
	v34 =	vadd.f32 v35, v20;
	v33 =	vsel vm0, $0x7D0, v1;
	v38 =	vld.idx.msk [tilespmem:v16+s1+$0x0], $0xffff  }
0x1c9: {  	v30 =	vadd.f32 v22, v30;
	v20 =	vmul.f32 v12, v11;
	v18 =	vadd.f32 v31, v18;
	v40 =	vld [tilespmem:s9+$0x7E00]  }
0x1ca: {  	v29 =	vmul.f32 v29, v32;
	v31 =	vadd.f32 v36, v34;
	v34 =	vmul.f32 v23, v23;
	v22 =	vld.idx.msk [tilespmem:v21+s1+$0x0], $0xffff  }
.Ltmp2:
0x1cb: {  	v30 =	vmul.f32 v30, v32;
	v32 =	vmul.f32 v27, v27;
	v25 =	vadd.f32 v25, v18;
	v18 =	vld [tilespmem:s8+$0x8640];
	(pc) =	sbr.rel @p1 .LBB2_2-.Ltmp2, $4  }
0x1cc: {  	v17 =	vadd.f32 v19, v17;
	v29 =	vadd.f32 v29, v31;
	v31 =	vmul.f32 v39, v27;
	v19 =	vld [tilespmem:s8+$0x1F90]  }
0x1cd: {  	v32 =	vadd.f32 v32, v34;
	v34 =	vmul.f32 v39, v23;
	v36 =	vadd.f32 v30, v25;
	v30 =	vld [tilespmem:s9+$0x6E00]  }
0x1ce: {  	v24 =	vadd.f32 v24, v17;
	v25 =	vadd.f32 v38, v37;
	v35 =	vmul.f32 v40, v29;
	v29 =	vld [tilespmem:s9+$0x6600]  }
0x1cf: {  	s14 =	sadd.s32 $0x140, s14;
	v33 =	vadd.s32 s15, v33;
	v32 =	vmul.f32 v26, v32;
	v36 =	vmul.f32 v40, v36;
	v17 =	vld [tilespmem:s8+$0x7E40]  }
0x1d0: {  	v31 =	vsub.f32 v31, v35  }
0x1d1: {  	v34 =	vsub.f32 v36, v34  }
0x1d2: {  	v53 =	vld [tilespmem:s9+$0x8610];
	v27 =	vmul.f32 v32, v27;
	v30 =	vadd.f32 v30, v31  }
0x1d3: {  	v54 =	vld [tilespmem:s9+$0x1790];
	v55 =	vadd.s32 v2, v33;
	v23 =	vmul.f32 v32, v23;
	v29 =	vsub.f32 v34, v29  }
0x1d4: {  	v56 =	vld [tilespmem:s9+$0x2730];
	v57 =	vadd.s32 s15, v6;
	v27 =	vadd.f32 v27, v30  }
0x1d5: {  	v58 =	vld [tilespmem:s9+$0x10];
	v59 =	vadd.s32 s15, v5;
	v23 =	vsub.f32 v29, v23  }
0x1d6: {  	vm0 =	vgt.u32 v28, $0x7A7;
	v60 =	vld [tilespmem:s9+$0xFB0];
	[tilespmem:s9+$0xBE00] =	vst v27  }
0x1d7: {  	v63 =	vld [tilespmem:s9+$0x7E0];
	v28 =	vsel vm0, $0xFFFFF830, v1;
	[tilespmem:s9+$0xC600] =	vst v23  }
0x1d8: {  	v28 =	vadd.s32 s15, v28;
	v61 =	vld.idx.msk [tilespmem:v55+s0+$0x0], $0xffff  }
0x1d9: {  	v28 =	vadd.s32 v3, v28;
	v62 =	vld.idx.msk [tilespmem:v57+s0+$0x0], $0xffff  }
0x1da: {  	v37 =	vld.idx.msk [tilespmem:v59+s0+$0x0], $0xffff  }
0x1db: {  	v32 =	vld.idx.msk [tilespmem:v55+s1+$0x0], $0xffff  }
0x1dc: {  	v27 =	vld.idx.msk [tilespmem:v57+s1+$0x0], $0xffff  }
0x1dd: {  	v34 =	vld.idx.msk [tilespmem:v59+s1+$0x0], $0xffff  }
0x1de: {  	v38 =	vld.idx.msk [tilespmem:v28+s0+$0x0], $0xffff  }
0x1df: {  	v30 =	vadd.f32 v56, v54;
	v28 =	vld.idx.msk [tilespmem:v28+s1+$0x0], $0xffff  }
0x1e0: {  	v39 =	vld [tilespmem:s9+$0x1F60];
	v23 =	vadd.f32 v60, v58  }
0x1e1: {  	v43 =	vld [tilespmem:s9+$0x5E10];
	v41 =	vadd.f32 v61, v30;
	v42 =	vadd.f32 v37, v62  }
0x1e2: {  	v44 =	vld [tilespmem:s9+$0x7E10];
	v23 =	vadd.f32 v32, v23;
	v27 =	vadd.f32 v34, v27  }
0x1e3: {  	v45 =	vadd.f32 v38, v41;
	v30 =	vmul.f32 v42, v53  }
0x1e4: {  	v46 =	vld [tilespmem:s9+$0x7610];
	v28 =	vadd.f32 v28, v23;
	v27 =	vmul.f32 v27, v53  }
0x1e5: {  	v47 =	vmul.f32 v63, v63;
	v48 =	vmul.f32 v39, v39;
	v30 =	vadd.f32 v30, v45  }
0x1e6: {  	v49 =	vld [tilespmem:s9+$0x6E10];
	v27 =	vadd.f32 v27, v28  }
0x1e7: {  	v51 =	vld [tilespmem:s9+$0x6610];
	s14 =	sadd.s32 $0x20, s11;
	v50 =	vmul.f32 v43, v39;
	v34 =	vadd.f32 v48, v47;
	v30 =	vmul.f32 v44, v30  }
0x1e8: {  	v40 =	vor.u32 s14, v0;
	v35 =	vmul.f32 v43, v63;
	v32 =	vmul.f32 v44, v27  }
0x1e9: {  	vm10 =	vlt.u32 v40, $0x28;
	v34 =	vmul.f32 v46, v34;
	v52 =	vsub.f32 v50, v30  }
0x1ea: {  	v53 =	vsel vm10, $0x7D0, v1;
	v32 =	vsub.f32 v32, v35  }
0x1eb: {  	v58 =	vld [tilespmem:s9+$0x2740];
	v54 =	vmul.f32 v34, v39;
	v35 =	vadd.s32 s14, v53;
	v36 =	vadd.f32 v49, v52  }
0x1ec: {  	v55 =	vld [tilespmem:s9+$0x8620];
	v33 =	vmul.f32 v34, v63;
	v35 =	vadd.s32 v2, v35;
	v32 =	vsub.f32 v32, v51  }
0x1ed: {  	v57 =	vld [tilespmem:s9+$0x17A0];
	v59 =	vadd.s32 s14, v7;
	v56 =	vadd.f32 v54, v36  }
0x1ee: {  	v60 =	vadd.s32 s14, v8;
	v61 =	vld [tilespmem:s9+$0x20];
	v32 =	vsub.f32 v32, v33  }
0x1ef: {  	vm11 =	vgt.u32 v40, $0x7A7;
	v48 =	vld [tilespmem:s9+$0x7F0];
	[tilespmem:s9+$0xBE10] =	vst v56  }
0x1f0: {  	v62 =	vsel vm11, $0xFFFFF830, v1;
	v63 =	vld [tilespmem:s9+$0xFC0];
	[tilespmem:s9+$0xC610] =	vst v32  }
0x1f1: {  	v32 =	vadd.s32 s14, v62;
	v41 =	vld.idx.msk [tilespmem:v35+s0+$0x0], $0xffff  }
0x1f2: {  	v32 =	vadd.s32 v3, v32;
	v42 =	vld.idx.msk [tilespmem:v59+s0+$0x0], $0xffff  }
0x1f3: {  	v43 =	vld.idx.msk [tilespmem:v60+s0+$0x0], $0xffff  }
0x1f4: {  	v35 =	vld.idx.msk [tilespmem:v35+s1+$0x0], $0xffff  }
0x1f5: {  	v38 =	vld.idx.msk [tilespmem:v59+s1+$0x0], $0xffff  }
0x1f6: {  	v33 =	vld.idx.msk [tilespmem:v60+s1+$0x0], $0xffff  }
0x1f7: {  	v44 =	vld.idx.msk [tilespmem:v32+s0+$0x0], $0xffff  }
0x1f8: {  	v36 =	vadd.f32 v58, v57;
	v32 =	vld.idx.msk [tilespmem:v32+s1+$0x0], $0xffff  }
0x1f9: {  	v34 =	vadd.f32 v63, v61;
	v49 =	vld [tilespmem:s9+$0x1F70]  }
0x1fa: {  	v51 =	vld [tilespmem:s9+$0x5E20];
	v36 =	vadd.f32 v41, v36;
	v50 =	vadd.f32 v43, v42  }
0x1fb: {  	v52 =	vld [tilespmem:s9+$0x7E20];
	v34 =	vadd.f32 v35, v34;
	v33 =	vadd.f32 v33, v38  }
0x1fc: {  	v53 =	vmul.f32 v50, v55;
	v36 =	vadd.f32 v44, v36  }
0x1fd: {  	v54 =	vld [tilespmem:s9+$0x7620];
	v33 =	vmul.f32 v33, v55;
	v32 =	vadd.f32 v32, v34  }
0x1fe: {  	v56 =	vmul.f32 v49, v49;
	v55 =	vmul.f32 v48, v48;
	v36 =	vadd.f32 v53, v36  }
0x1ff: {  	v57 =	vld [tilespmem:s9+$0x6E20];
	v32 =	vadd.f32 v33, v32  }
0x200: {  	s15 =	sadd.s32 $0x30, s11;
	v58 =	vmul.f32 v51, v49;
	v59 =	vld [tilespmem:s9+$0x6620];
	v38 =	vadd.f32 v56, v55;
	v36 =	vmul.f32 v52, v36  }
0x201: {  	v45 =	vor.u32 s15, v0;
	v60 =	vmul.f32 v51, v48;
	v32 =	vmul.f32 v52, v32  }
0x202: {  	vm12 =	vlt.u32 v45, $0x28;
	v34 =	vmul.f32 v54, v38;
	v36 =	vsub.f32 v58, v36  }
0x203: {  	v61 =	vsel vm12, $0x7D0, v1;
	v32 =	vsub.f32 v32, v60  }
0x204: {  	v39 =	vadd.s32 s15, v61;
	v62 =	vmul.f32 v34, v49;
	v33 =	vadd.f32 v57, v36  }
0x205: {  	v40 =	vld [tilespmem:s9+$0x8630];
	v34 =	vmul.f32 v34, v48;
	v52 =	vadd.s32 v2, v39;
	v32 =	vsub.f32 v32, v59  }
0x206: {  	v46 =	vld [tilespmem:s9+$0x30];
	v54 =	vadd.s32 s15, v6;
	v33 =	vadd.f32 v62, v33  }
0x207: {  	v63 =	vld [tilespmem:s9+$0x17B0];
	v55 =	vadd.s32 s15, v5;
	v32 =	vsub.f32 v32, v34  }
0x208: {  	v56 =	vld [tilespmem:s9+$0xFD0];
	[tilespmem:s9+$0xBE20] =	vst v33  }
0x209: {  	vm13 =	vgt.u32 v45, $0x7A7;
	v53 =	vld [tilespmem:s9+$0x2750];
	[tilespmem:s9+$0xC620] =	vst v32  }
0x20a: {  	v57 =	vsel vm13, $0xFFFFF830, v1;
	v58 =	vld.idx.msk [tilespmem:v52+s0+$0x0], $0xffff  }
0x20b: {  	v32 =	vadd.s32 s15, v57;
	v47 =	vld.idx.msk [tilespmem:v54+s0+$0x0], $0xffff  }
0x20c: {  	v32 =	vadd.s32 v3, v32;
	v48 =	vld.idx.msk [tilespmem:v55+s0+$0x0], $0xffff  }
0x20d: {  	v37 =	vld.idx.msk [tilespmem:v52+s1+$0x0], $0xffff  }
0x20e: {  	v39 =	vld.idx.msk [tilespmem:v54+s1+$0x0], $0xffff  }
0x20f: {  	s16 =	sand.u32 $0xFF0, s13;
	v34 =	vld.idx.msk [tilespmem:v55+s1+$0x0], $0xffff  }
0x210: {  	v59 =	vld [tilespmem:s16+$0x800]  }
0x211: {  	v49 =	vld.idx.msk [tilespmem:v32+s0+$0x0], $0xffff  }
0x212: {  	v36 =	vadd.f32 v53, v63;
	v32 =	vld.idx.msk [tilespmem:v32+s1+$0x0], $0xffff  }
0x213: {  	v33 =	vadd.f32 v56, v46;
	v61 =	vld [tilespmem:s16+$0x1F80]  }
0x214: {  	v35 =	vld [tilespmem:s9+$0x7E30];
	v36 =	vadd.f32 v58, v36;
	v60 =	vadd.f32 v48, v47  }
0x215: {  	v38 =	vld [tilespmem:s9+$0x5E30];
	v33 =	vadd.f32 v37, v33;
	v34 =	vadd.f32 v34, v39  }
0x216: {  	v26 =	vld [tilespmem:s9+$0x17C0];
	v62 =	vmul.f32 v60, v40;
	v36 =	vadd.f32 v49, v36  }
0x217: {  	v42 =	vld [tilespmem:s9+$0x7630];
	v63 =	vmul.f32 v34, v40;
	v32 =	vadd.f32 v32, v33  }
0x218: {  	v21 =	vld.idx.msk [tilespmem:v21+s0+$0x0], $0xffff;
	v45 =	vmul.f32 v59, v59;
	v47 =	vmul.f32 v61, v61;
	v40 =	vadd.f32 v62, v36  }
0x219: {  	v41 =	vld [tilespmem:s9+$0x6E30];
	v32 =	vadd.f32 v63, v32  }
0x21a: {  	s14 =	sadd.s32 $0x40, s13;
	v43 =	vld [tilespmem:s9+$0x6630];
	v48 =	vmul.f32 v38, v61;
	v36 =	vadd.f32 v47, v45;
	v34 =	vmul.f32 v35, v40  }
0x21b: {  	v14 =	vld.idx.msk [tilespmem:v14+s0+$0x0], $0xffff;
	v50 =	vor.u32 s14, v0;
	v49 =	vmul.f32 v38, v59;
	v32 =	vmul.f32 v35, v32  }
0x21c: {  	v15 =	vld.idx.msk [tilespmem:v15+s0+$0x0], $0xffff;
	vm14 =	vlt.u32 v50, $0x28;
	v51 =	vmul.f32 v42, v36;
	v33 =	vsub.f32 v48, v34  }
0x21d: {  	v16 =	vld.idx.msk [tilespmem:v16+s0+$0x0], $0xffff;
	v52 =	vsel vm14, $0x7D0, v1;
	v32 =	vsub.f32 v32, v49  }
0x21e: {  	v31 =	vld [tilespmem:s9+$0xFE0];
	v35 =	vadd.s32 s14, v52;
	v36 =	vmul.f32 v51, v61;
	v33 =	vadd.f32 v41, v33  }
0x21f: {  	v29 =	vld [tilespmem:s9+$0x2760];
	v35 =	vadd.s32 v2, v35;
	v34 =	vmul.f32 v51, v59;
	v32 =	vsub.f32 v32, v43  }
0x220: {  	v27 =	vld [tilespmem:s9+$0x810];
	v54 =	vadd.s32 s14, v6;
	v33 =	vadd.f32 v36, v33  }
0x221: {  	v30 =	vld [tilespmem:s9+$0x40];
	v55 =	vadd.s32 s14, v9;
	v32 =	vsub.f32 v32, v34  }
0x222: {  	v13 =	vadd.f32 v14, v13;
	v15 =	vadd.f32 v16, v15;
	vm15 =	vgt.u32 v50, $0x7A7;
	v53 =	vld [tilespmem:s8+$0x7640];
	[tilespmem:s9+$0xBE30] =	vst v33  }
0x223: {  	v37 =	vsel vm15, $0xFFFFF830, v1;
	v43 =	vld [tilespmem:s9+$0x8640];
	[tilespmem:s9+$0xC630] =	vst v32  }
0x224: {  	v13 =	vadd.f32 v21, v13;
	v15 =	vmul.f32 v15, v18;
	v37 =	vadd.s32 s14, v37;
	v32 =	vld.idx.msk [tilespmem:v35+s1+$0x0], $0xffff  }
0x225: {  	v56 =	vadd.s32 v3, v37;
	v57 =	vld.idx.msk [tilespmem:v54+s1+$0x0], $0xffff  }
0x226: {  	v13 =	vadd.f32 v15, v13;
	v58 =	vld.idx.msk [tilespmem:v55+s1+$0x0], $0xffff  }
0x227: {  	v35 =	vld.idx.msk [tilespmem:v35+s0+$0x0], $0xffff  }
0x228: {  	v12 =	vmul.f32 v12, v19;
	v13 =	vmul.f32 v17, v13;
	v63 =	vld.idx.msk [tilespmem:v54+s0+$0x0], $0xffff  }
0x229: {  	v22 =	vadd.f32 v22, v24;
	v60 =	vmul.f32 v11, v11;
	v42 =	vld.idx.msk [tilespmem:v55+s0+$0x0], $0xffff  }
0x22a: {  	v12 =	vsub.f32 v12, v13;
	v62 =	vmul.f32 v25, v18;
	v61 =	vmul.f32 v19, v19;
	v59 =	vld.idx.msk [tilespmem:v56+s1+$0x0], $0xffff  }
0x22b: {  	v45 =	vadd.f32 v31, v30;
	v47 =	vadd.f32 v29, v26;
	v46 =	vld.idx.msk [tilespmem:v56+s0+$0x0], $0xffff  }
0x22c: {  	v22 =	vadd.f32 v62, v22;
	v48 =	vld [tilespmem:s9+$0x1F90];
	v41 =	vadd.f32 v61, v60  }
0x22d: {  	v28 =	vld [tilespmem:s9+$0x5E40];
	v21 =	vadd.f32 v32, v45;
	v50 =	vadd.f32 v58, v57  }
0x22e: {  	v51 =	vld [tilespmem:s9+$0x7E40];
	v16 =	vadd.f32 v35, v47;
	v14 =	vadd.f32 v42, v63  }
0x22f: {  	v22 =	vmul.f32 v17, v22;
	v49 =	vld [tilespmem:s8+$0x6640];
	v21 =	vadd.f32 v59, v21;
	v52 =	vmul.f32 v50, v43  }
0x230: {  	v44 =	vmul.f32 v53, v41;
	v53 =	vld [tilespmem:s9+$0x7640];
	v16 =	vadd.f32 v46, v16;
	v14 =	vmul.f32 v14, v43  }
0x231: {  	v54 =	vmul.f32 v27, v27;
	v55 =	vmul.f32 v48, v48;
	v21 =	vadd.f32 v52, v21  }
0x232: {  	v20 =	vsub.f32 v22, v20;
	v56 =	vld [tilespmem:s9+$0x6640];
	v14 =	vadd.f32 v14, v16  }
0x233: {  	v23 =	vld [tilespmem:s9+$0x6E40];
	v57 =	vmul.f32 v28, v27;
	v58 =	vadd.f32 v55, v54;
	v21 =	vmul.f32 v51, v21  }
0x234: {  	v20 =	vsub.f32 v20, v49;
	v59 =	vmul.f32 v28, v48;
	v14 =	vmul.f32 v51, v14  }
0x235: {  	v11 =	vmul.f32 v44, v11;
	v15 =	vmul.f32 v53, v58;
	v16 =	vsub.f32 v21, v57  }
0x236: {  	v10 =	vadd.f32 v10, v12;
	v60 =	vmul.f32 v44, v19;
	v61 =	vsub.f32 v59, v14  }
0x237: {  	v11 =	vsub.f32 v20, v11;
	v63 =	vmul.f32 v15, v27;
	v62 =	vsub.f32 v16, v56  }
0x238: {  	v10 =	vadd.f32 v60, v10;
	v15 =	vmul.f32 v15, v48;
	v12 =	vadd.f32 v23, v61  }
0x239: {  	[tilespmem:s8+$0xC640] =	vst v11;
	v11 =	vsub.f32 v62, v63  }
0x23a: {  	[tilespmem:s8+$0xBE40] =	vst v10;
	v10 =	vadd.f32 v15, v12  }
.Ltmp3:
0x23b: {  	[tilespmem:s9+$0xC640] =	vst v11;
	(pc) =	sbr.rel @p0 .LBB2_7-.Ltmp3, $4  }
0x23c: {  	s15 =	simm.s32 $0xBE00;
	[tilespmem:s9+$0xBE40] =	vst v10  }
0x23d: {  	[hbm4b:s21+s1] =	stream.linear.scatter [tilespmem:s15], [sflag:$0x3], $0x7D0, $0x38;
	[tilespmem:$0xDE00] =	vst v63  }
0x23e: {  	s16 =	simm.s32 $0xC600  }
0x23f: {  	[hbm4b:s23+s1] =	stream.linear.scatter [tilespmem:s16], [sflag:$0x3], $0x7D0, $0x38;
	[tilespmem:$0xDE00] =	vst v63  }
0x240: {  	_ =	swait.ge [sflag:s25], $0x7D0  }
0x241: {  	[sflag:s25] =	ssyncset.done $0x0  }
0x242: {  	[sflag:s25] =	ssyncadd.s32 $0xFFFFF830  }
0x243: {  	_ =	swait.ge [sflag:s25], $0x7D0  }
0x244: {  	[sflag:s25] =	ssyncset.done $0x0  }
0x245: {  	[sflag:s25] =	ssyncadd.s32 $0xFFFFF830  }
0x246: {  	_ =	swait.ge [sflag:s25], $0x7D0  }
0x247: {  	[sflag:s25] =	ssyncset.done $0x0  }
0x248: {  	[sflag:s25] =	ssyncadd.s32 $0xFFFFF830  }
0x249: {  	_ =	swait.ge [sflag:s25], $0x7D0  }
0x24a: {  	[sflag:s25] =	ssyncset.done $0x0  }
0x24b: {  	[sflag:s25] =	ssyncadd.s32 $0xFFFFF830  }
0x24c: {  	_ =	swait.ge [sflag:s25], $0x7D0  }
0x24d: {  	[sflag:s25] =	ssyncset.done $0x0  }
0x24e: {  	[sflag:s25] =	ssyncadd.s32 $0xFFFFF830  }
0x24f: {  	_ =	swait.ge [sflag:s25], $0x7D0  }
0x250: {  	[sflag:s25] =	ssyncset.done $0x0  }
0x251: {  	[sflag:s25] =	ssyncadd.s32 $0xFFFFF830  }
0x252: {  	_ =	swait.ge [sflag:s25], $0x7D0  }
0x253: {  	[sflag:s25] =	ssyncset.done $0x0  }
0x254: {  	[sflag:s25] =	ssyncadd.s32 $0xFFFFF830  }
0x255: {  	_ =	swait.ge [sflag:s25], $0x7D0  }
0x256: {  	[sflag:s25] =	ssyncset.done $0x0  }
0x257: {  	[sflag:s25] =	ssyncadd.s32 $0xFFFFF830  }
0x258: {  	_ =	swait.ge [sflag:s25], $0x7D0  }
0x259: {  	[sflag:s25] =	ssyncset.done $0x0  }
0x25a: {  	[sflag:s25] =	ssyncadd.s32 $0xFFFFF830  }
0x25b: {  	_ =	swait.ge [sflag:s25], $0x7D0  }
0x25c: {  	[sflag:s25] =	ssyncset.done $0x0  }
0x25d: {  	[sflag:s25] =	ssyncadd.s32 $0xFFFFF830  }
0x25e: {  	_ =	swait.ge [sflag:s25], $0x7D0  }
0x25f: {  	[sflag:s25] =	ssyncset.done $0x0  }
0x260: {  	[sflag:s25] =	ssyncadd.s32 $0xFFFFF830  }
0x261: {  	_ =	swait.ge [sflag:s25], $0x7D0  }
0x262: {  	[sflag:s25] =	ssyncset.done $0x0  }
0x263: {  	s8 =	simm.s32 $0x0;
	[sflag:s25] =	ssyncadd.s32 $0xFFFFF830  }
0x264: {  	s11 =	simm.s32 $0x0;
	v10 =	vld [tilespmem:s8+$0x36D0]  }
0x265: {  	v11 =	vadd.s32 s11, v4;
	v12 =	vor.u32 s11, v0;
	v13 =	vld [tilespmem:s8+$0xB600]  }
0x266: {  	v14 =	vadd.s32 s11, v5;
	vm0 =	vlt.u32 v12, $0x28;
	v15 =	vld [tilespmem:s8+$0x4680]  }
0x267: {  	v16 =	vsel vm0, $0x7D0, v1;
	v17 =	vld [tilespmem:s8+$0x5620]  }
0x268: {  	vm6 =	vgt.u32 v12, $0x7A7;
	v12 =	vadd.s32 s11, v16;
	v16 =	vld [tilespmem:s8+$0x2F00]  }
0x269: {  	v18 =	vsel vm6, $0xFFFFF830, v1;
	v12 =	vadd.s32 v2, v12;
	v19 =	vld [tilespmem:s8+$0x3EA0]  }
0x26a: {  	v18 =	vadd.s32 s11, v18;
	v20 =	vld.idx.msk [tilespmem:v11+s4+$0x0], $0xffff  }
0x26b: {  	v18 =	vadd.s32 v3, v18;
	v21 =	vld.idx.msk [tilespmem:v14+s4+$0x0], $0xffff  }
0x26c: {  	v11 =	vld.idx.msk [tilespmem:v11+s5+$0x0], $0xffff  }
0x26d: {  	v14 =	vld.idx.msk [tilespmem:v14+s5+$0x0], $0xffff  }
0x26e: {  	v22 =	vld.idx.msk [tilespmem:v12+s4+$0x0], $0xffff  }
0x26f: {  	v12 =	vld.idx.msk [tilespmem:v12+s5+$0x0], $0xffff  }
0x270: {  	v23 =	vld.idx.msk [tilespmem:v18+s4+$0x0], $0xffff  }
0x271: {  	v18 =	vld.idx.msk [tilespmem:v18+s5+$0x0], $0xffff;
	v15 =	vadd.f32 v17, v15  }
0x272: {  	v17 =	vld [tilespmem:s8+$0x4E50];
	v16 =	vadd.f32 v19, v16  }
0x273: {  	v19 =	vld [tilespmem:s8+$0x8E00];
	v20 =	vadd.f32 v21, v20;
	v15 =	vadd.f32 v22, v15  }
0x274: {  	v11 =	vadd.f32 v14, v11;
	v12 =	vadd.f32 v12, v16;
	v16 =	vld [tilespmem:s8+$0xAE00]  }
0x275: {  	v14 =	vadd.f32 v23, v15;
	v15 =	vmul.f32 v20, v13  }
0x276: {  	v11 =	vmul.f32 v11, v13;
	v20 =	vld [tilespmem:s8+$0xA600];
	v12 =	vadd.f32 v18, v12  }
0x277: {  	v21 =	vmul.f32 v10, v10;
	v13 =	vmul.f32 v17, v17;
	v14 =	vadd.f32 v15, v14  }
0x278: {  	v22 =	vld [tilespmem:s8+$0x9E00];
	v18 =	vmul.f32 v19, v17;
	v11 =	vadd.f32 v11, v12  }
0x279: {  	s9 =	simm.s32 $0x10;
	v12 =	vadd.f32 v13, v21;
	v13 =	vmul.f32 v16, v14;
	v14 =	vmul.f32 v19, v10;
	v19 =	vld [tilespmem:s8+$0x9600]  }
0x27a: {  	v15 =	vor.u32 s9, v0;
	v11 =	vmul.f32 v16, v11  }
0x27b: {  	vm7 =	vlt.u32 v15, $0x28;
	v12 =	vmul.f32 v20, v12;
	v16 =	vsub.f32 v18, v13  }
0x27c: {  	v25 =	vld [tilespmem:s8+$0x36E0];
	v18 =	vsel vm7, $0x7D0, v1;
	v11 =	vsub.f32 v11, v14  }
0x27d: {  	v24 =	vld [tilespmem:s8+$0x4E60];
	v10 =	vmul.f32 v12, v10;
	v14 =	vadd.f32 v22, v16;
	v16 =	vmul.f32 v12, v17  }
0x27e: {  	v17 =	vadd.s32 s9, v18;
	v18 =	vld [tilespmem:s8+$0xB610];
	v11 =	vsub.f32 v11, v19;
	v19 =	vadd.s32 s9, v5  }
0x27f: {  	v12 =	vadd.f32 v16, v14;
	v14 =	vld [tilespmem:s8+$0x4690]  }
0x280: {  	v16 =	vadd.s32 v2, v17;
	v17 =	vld [tilespmem:s8+$0x5630];
	v10 =	vsub.f32 v11, v10  }
0x281: {  	vm8 =	vgt.u32 v15, $0x7A7;
	[tilespmem:s8+$0xCE00] =	vst v12;
	v12 =	vld [tilespmem:s8+$0x2F10]  }
0x282: {  	v15 =	vsel vm8, $0xFFFFF830, v1;
	v11 =	vadd.s32 s9, v6;
	[tilespmem:s8+$0xD600] =	vst v10;
	v10 =	vld [tilespmem:s8+$0x3EB0]  }
0x283: {  	v15 =	vadd.s32 s9, v15;
	v22 =	vld.idx.msk [tilespmem:v19+s4+$0x0], $0xffff  }
0x284: {  	v15 =	vadd.s32 v3, v15;
	v19 =	vld.idx.msk [tilespmem:v19+s5+$0x0], $0xffff  }
0x285: {  	v20 =	vld.idx.msk [tilespmem:v16+s4+$0x0], $0xffff  }
0x286: {  	v16 =	vld.idx.msk [tilespmem:v16+s5+$0x0], $0xffff  }
0x287: {  	v21 =	vld.idx.msk [tilespmem:v11+s4+$0x0], $0xffff  }
0x288: {  	v11 =	vld.idx.msk [tilespmem:v11+s5+$0x0], $0xffff  }
0x289: {  	v23 =	vld.idx.msk [tilespmem:v15+s4+$0x0], $0xffff  }
0x28a: {  	s14 =	sand.u32 $0xFF0, s11;
	s11 =	simm.s32 $0x50;
	v15 =	vld.idx.msk [tilespmem:v15+s5+$0x0], $0xffff;
	v14 =	vadd.f32 v17, v14  }
0x28b: {  	v38 =	vadd.s32 s11, v5;
	v30 =	vld [tilespmem:s8+$0xA630];
	v10 =	vadd.f32 v10, v12  }
0x28c: {  	v12 =	vadd.f32 v20, v14;
	v20 =	vld [tilespmem:s8+$0x8E10];
	v14 =	vadd.f32 v22, v21  }
0x28d: {  	v10 =	vadd.f32 v16, v10;
	v16 =	vld [tilespmem:s8+$0xAE10];
	v11 =	vadd.f32 v19, v11  }
0x28e: {  	v37 =	vadd.s32 s11, v4;
	v31 =	vld [tilespmem:s8+$0xB630];
	v12 =	vadd.f32 v23, v12;
	v14 =	vmul.f32 v14, v18  }
0x28f: {  	v15 =	vadd.f32 v15, v10;
	v11 =	vmul.f32 v11, v18;
	v18 =	vld [tilespmem:s8+$0xA610]  }
0x290: {  	v53 =	vld.idx.msk [tilespmem:v38+s4+$0x0], $0xffff;
	v19 =	vmul.f32 v24, v24;
	v12 =	vadd.f32 v14, v12;
	v14 =	vmul.f32 v25, v25  }
0x291: {  	v11 =	vadd.f32 v11, v15;
	v15 =	vld [tilespmem:s8+$0x9E10]  }
0x292: {  	s15 =	simm.s32 $0x20;
	v22 =	vld [tilespmem:s8+$0x9610];
	v14 =	vadd.f32 v19, v14;
	v19 =	vmul.f32 v20, v24;
	v21 =	vmul.f32 v16, v12  }
0x293: {  	v54 =	vld.idx.msk [tilespmem:v37+s5+$0x0], $0xffff;
	v23 =	vor.u32 s15, v0;
	v16 =	vmul.f32 v16, v11;
	v20 =	vmul.f32 v20, v25  }
0x294: {  	v13 =	vld [tilespmem:s8+$0x46C0];
	s9 =	simm.s32 $0x50;
	vm9 =	vlt.u32 v23, $0x28;
	v14 =	vmul.f32 v18, v14;
	v18 =	vsub.f32 v19, v21  }
0x295: {  	v32 =	vld [tilespmem:s9+$0xA600];
	vm10 =	vgt.u32 v23, $0x7A7;
	v16 =	vsub.f32 v16, v20;
	v20 =	vsel vm9, $0x7D0, v1  }
0x296: {  	v40 =	vld [tilespmem:s9+$0x8E00];
	v20 =	vadd.s32 s15, v20;
	v15 =	vadd.f32 v15, v18;
	v18 =	vmul.f32 v14, v24  }
0x297: {  	v23 =	vld [tilespmem:s8+$0x3EC0];
	v16 =	vsub.f32 v16, v22;
	v14 =	vmul.f32 v14, v25;
	v20 =	vadd.s32 v2, v20  }
0x298: {  	v21 =	vld [tilespmem:s8+$0xB620];
	v25 =	vadd.s32 s15, v7;
	v15 =	vadd.f32 v18, v15  }
0x299: {  	v22 =	vld [tilespmem:s8+$0x5640];
	v14 =	vsub.f32 v16, v14  }
0x29a: {  	v18 =	vld [tilespmem:s8+$0x46A0];
	[tilespmem:s8+$0xCE10] =	vst v15  }
0x29b: {  	v16 =	vld [tilespmem:s8+$0x2F20];
	[tilespmem:s8+$0xD610] =	vst v14  }
0x29c: {  	v15 =	vadd.s32 s15, v8;
	v14 =	vsel vm10, $0xFFFFF830, v1;
	v26 =	vld.idx.msk [tilespmem:v20+s4+$0x0], $0xffff  }
0x29d: {  	v14 =	vadd.s32 s15, v14;
	v27 =	vld.idx.msk [tilespmem:v25+s4+$0x0], $0xffff  }
0x29e: {  	v20 =	vld.idx.msk [tilespmem:v20+s5+$0x0], $0xffff;
	v14 =	vadd.s32 v3, v14  }
0x29f: {  	v25 =	vld.idx.msk [tilespmem:v25+s5+$0x0], $0xffff  }
0x2a0: {  	v18 =	vadd.f32 v22, v18;
	v22 =	vld [tilespmem:s8+$0x36F0]  }
0x2a1: {  	v28 =	vld.idx.msk [tilespmem:v15+s4+$0x0], $0xffff  }
0x2a2: {  	v15 =	vld.idx.msk [tilespmem:v15+s5+$0x0], $0xffff  }
0x2a3: {  	v29 =	vld.idx.msk [tilespmem:v14+s4+$0x0], $0xffff  }
0x2a4: {  	v16 =	vadd.f32 v23, v16;
	v14 =	vld.idx.msk [tilespmem:v14+s5+$0x0], $0xffff  }
0x2a5: {  	v23 =	vld [tilespmem:s8+$0x4E70];
	v18 =	vadd.f32 v26, v18  }
0x2a6: {  	v16 =	vadd.f32 v20, v16;
	v20 =	vld [tilespmem:s8+$0xAE20];
	v26 =	vadd.f32 v28, v27  }
0x2a7: {  	v27 =	vld [tilespmem:s8+$0x8E20];
	v15 =	vadd.f32 v15, v25  }
0x2a8: {  	v49 =	vld [tilespmem:s9+$0xB600];
	v18 =	vadd.f32 v29, v18;
	v25 =	vmul.f32 v26, v21  }
0x2a9: {  	v14 =	vadd.f32 v14, v16;
	v15 =	vmul.f32 v15, v21;
	v16 =	vld [tilespmem:s8+$0xA620]  }
0x2aa: {  	v51 =	vld [tilespmem:s9+$0x5620];
	v21 =	vmul.f32 v22, v22;
	v18 =	vadd.f32 v25, v18;
	v25 =	vmul.f32 v23, v23  }
0x2ab: {  	v14 =	vadd.f32 v15, v14;
	v15 =	vld [tilespmem:s8+$0x9E20]  }
0x2ac: {  	s13 =	simm.s32 $0x30;
	v29 =	vld [tilespmem:s8+$0x9620];
	v21 =	vadd.f32 v25, v21;
	v25 =	vmul.f32 v27, v23;
	v18 =	vmul.f32 v20, v18  }
0x2ad: {  	v41 =	vld [tilespmem:s9+$0x2F00];
	v14 =	vmul.f32 v20, v14;
	v20 =	vmul.f32 v27, v22;
	v27 =	vor.u32 s13, v0  }
0x2ae: {  	v60 =	vld [tilespmem:s9+$0xAE00];
	vm11 =	vlt.u32 v27, $0x28;
	v16 =	vmul.f32 v16, v21;
	v18 =	vsub.f32 v25, v18  }
0x2af: {  	v17 =	vld [tilespmem:s8+$0x5660];
	v14 =	vsub.f32 v14, v20;
	v25 =	vsel vm11, $0x7D0, v1  }
0x2b0: {  	v10 =	vld [tilespmem:s8+$0x9E40];
	v15 =	vadd.f32 v15, v18;
	v18 =	vmul.f32 v16, v23;
	v23 =	vadd.s32 s13, v25  }
0x2b1: {  	v12 =	vld [tilespmem:s8+$0x8E40];
	v14 =	vsub.f32 v14, v29;
	v16 =	vmul.f32 v16, v22;
	v22 =	vadd.s32 v2, v23  }
0x2b2: {  	v25 =	vld [tilespmem:s8+$0x46B0];
	v23 =	vadd.s32 s13, v6;
	v15 =	vadd.f32 v18, v15  }
0x2b3: {  	v29 =	vld [tilespmem:s8+$0x2F30];
	v14 =	vsub.f32 v14, v16  }
0x2b4: {  	v18 =	vld [tilespmem:s8+$0x5650];
	[tilespmem:s8+$0xCE20] =	vst v15  }
0x2b5: {  	vm12 =	vgt.u32 v27, $0x7A7;
	v16 =	vadd.s32 s13, v5;
	v15 =	vld [tilespmem:s8+$0x3ED0];
	[tilespmem:s8+$0xD620] =	vst v14  }
0x2b6: {  	v14 =	vsel vm12, $0xFFFFF830, v1;
	v27 =	vld.idx.msk [tilespmem:v22+s4+$0x0], $0xffff  }
0x2b7: {  	v14 =	vadd.s32 s13, v14;
	v33 =	vld.idx.msk [tilespmem:v23+s4+$0x0], $0xffff  }
0x2b8: {  	v14 =	vadd.s32 v3, v14;
	v22 =	vld.idx.msk [tilespmem:v22+s5+$0x0], $0xffff  }
0x2b9: {  	v35 =	vld.idx.msk [tilespmem:v23+s5+$0x0], $0xffff  }
0x2ba: {  	v34 =	vld.idx.msk [tilespmem:v16+s4+$0x0], $0xffff  }
0x2bb: {  	v16 =	vld.idx.msk [tilespmem:v16+s5+$0x0], $0xffff  }
0x2bc: {  	v18 =	vadd.f32 v18, v25;
	v25 =	vld [tilespmem:s14+$0x3700]  }
0x2bd: {  	v36 =	vld.idx.msk [tilespmem:v14+s4+$0x0], $0xffff  }
0x2be: {  	v14 =	vld.idx.msk [tilespmem:v14+s5+$0x0], $0xffff  }
0x2bf: {  	s16 =	simm.s32 $0x40;
	v15 =	vadd.f32 v15, v29;
	v29 =	vld [tilespmem:s14+$0x4E80]  }
0x2c0: {  	v39 =	vor.u32 s16, v0;
	v19 =	vld [tilespmem:s8+$0x2F40];
	v18 =	vadd.f32 v27, v18;
	v33 =	vadd.f32 v34, v33  }
0x2c1: {  	v21 =	vld [tilespmem:s8+$0x8E30];
	v23 =	vor.u32 s11, v0;
	v15 =	vadd.f32 v22, v15;
	v16 =	vadd.f32 v16, v35  }
0x2c2: {  	v20 =	vld [tilespmem:s8+$0xAE30];
	vm13 =	vgt.u32 v23, $0x7A7;
	v22 =	vmul.f32 v33, v31;
	v18 =	vadd.f32 v36, v18  }
0x2c3: {  	v24 =	vld [tilespmem:s8+$0x3EE0];
	vm1 =	vlt.u32 v23, $0x28;
	v14 =	vadd.f32 v14, v15;
	v15 =	vmul.f32 v16, v31  }
0x2c4: {  	v28 =	vld [tilespmem:s8+$0x9630];
	v16 =	vadd.f32 v22, v18;
	v18 =	vmul.f32 v25, v25;
	v22 =	vmul.f32 v29, v29  }
0x2c5: {  	vm2 =	vlt.u32 v39, $0x28;
	v26 =	vld [tilespmem:s8+$0x9E30];
	v48 =	vsel vm1, $0x7D0, v1;
	v50 =	vsel vm13, $0xFFFFF830, v1  }
0x2c6: {  	v23 =	vld [tilespmem:s9+$0x36D0];
	v33 =	vadd.s32 s11, v48;
	v14 =	vadd.f32 v15, v14;
	v15 =	vadd.f32 v22, v18  }
0x2c7: {  	v27 =	vld [tilespmem:s9+$0x4E50];
	v18 =	vmul.f32 v21, v29;
	v16 =	vmul.f32 v20, v16;
	v22 =	vadd.s32 v2, v33  }
0x2c8: {  	v52 =	vadd.s32 s11, v50;
	v31 =	vld [tilespmem:s9+$0x4680];
	v14 =	vmul.f32 v20, v14;
	v21 =	vmul.f32 v21, v25  }
0x2c9: {  	v20 =	vld [tilespmem:s9+$0x3EA0];
	v15 =	vmul.f32 v30, v15;
	v16 =	vsub.f32 v18, v16;
	v18 =	vadd.s32 v3, v52  }
0x2ca: {  	v30 =	vld.idx.msk [tilespmem:v37+s4+$0x0], $0xffff;
	v14 =	vsub.f32 v14, v21;
	v21 =	vsel vm2, $0x7D0, v1  }
0x2cb: {  	v21 =	vadd.s32 s16, v21;
	v16 =	vadd.f32 v26, v16;
	v26 =	vmul.f32 v15, v29;
	v29 =	vld.idx.msk [tilespmem:v38+s5+$0x0], $0xffff  }
0x2cc: {  	v28 =	vsub.f32 v14, v28;
	v25 =	vmul.f32 v15, v25;
	v14 =	vadd.s32 v2, v21;
	v55 =	vld.idx.msk [tilespmem:v22+s4+$0x0], $0xffff  }
0x2cd: {  	vm14 =	vgt.u32 v39, $0x7A7;
	v15 =	vadd.s32 s16, v6;
	v22 =	vld.idx.msk [tilespmem:v22+s5+$0x0], $0xffff;
	v21 =	vadd.f32 v26, v16  }
0x2ce: {  	v25 =	vsub.f32 v28, v25;
	v26 =	vsel vm14, $0xFFFFF830, v1;
	v16 =	vadd.s32 s16, v9;
	v56 =	vld.idx.msk [tilespmem:v18+s4+$0x0], $0xffff  }
0x2cf: {  	v13 =	vadd.f32 v17, v13;
	v24 =	vadd.f32 v24, v19;
	v18 =	vld.idx.msk [tilespmem:v18+s5+$0x0], $0xffff;
	[tilespmem:s8+$0xCE30] =	vst v21;
	v21 =	vadd.s32 s16, v26  }
0x2d0: {  	v11 =	vld [tilespmem:s8+$0x3710];
	v17 =	vadd.f32 v20, v41;
	[tilespmem:s8+$0xD630] =	vst v25;
	v25 =	vadd.f32 v51, v31;
	v21 =	vadd.s32 v3, v21  }
0x2d1: {  	v61 =	vmul.f32 v23, v23;
	v62 =	vmul.f32 v27, v27;
	v30 =	vadd.f32 v53, v30;
	v26 =	vld.idx.msk [tilespmem:v14+s5+$0x0], $0xffff  }
0x2d2: {  	v57 =	vld.idx.msk [tilespmem:v15+s5+$0x0], $0xffff;
	v25 =	vadd.f32 v55, v25;
	v17 =	vadd.f32 v22, v17  }
0x2d3: {  	v63 =	vadd.f32 v62, v61;
	v29 =	vadd.f32 v29, v54;
	v59 =	vld.idx.msk [tilespmem:v16+s5+$0x0], $0xffff  }
0x2d4: {  	s15 =	simm.s32 $0x60;
	v30 =	vmul.f32 v30, v49;
	v25 =	vadd.f32 v56, v25;
	v17 =	vadd.f32 v18, v17;
	v18 =	vld [tilespmem:s8+$0xB640]  }
0x2d5: {  	v34 =	vmul.f32 v40, v23;
	v28 =	vor.u32 s15, v0;
	v29 =	vmul.f32 v29, v49;
	v22 =	vld.idx.msk [tilespmem:v21+s5+$0x0], $0xffff  }
0x2d6: {  	v19 =	vld [tilespmem:s8+$0x4E90];
	v32 =	vmul.f32 v32, v63;
	vm15 =	vlt.u32 v28, $0x28;
	v25 =	vadd.f32 v30, v25  }
0x2d7: {  	v58 =	vsel vm15, $0x7D0, v1;
	v31 =	vmul.f32 v40, v27;
	v17 =	vadd.f32 v29, v17;
	v30 =	vld [tilespmem:s9+$0x9E00]  }
0x2d8: {  	v29 =	vld [tilespmem:s9+$0x9600];
	v24 =	vadd.f32 v26, v24;
	v35 =	vmul.f32 v60, v25;
	v25 =	vadd.f32 v59, v57  }
0x2d9: {  	s13 =	simm.s32 $0x50;
	s14 =	simm.s32 $0x280;
	v20 =	vmul.f32 v12, v11;
	v33 =	vadd.s32 s15, v58;
	v36 =	vmul.f32 v60, v17;
	v17 =	vld [tilespmem:s8+$0xAE40]  }
.LBB2_5:
0x2da: {  	p1 =	sne.s32 s14, $0x1E00;
	v26 =	vsub.f32 v31, v35;
	v31 =	vld [tilespmem:s9+$0x46C0];
	v22 =	vadd.f32 v22, v24;
	v24 =	vmul.f32 v25, v18  }
0x2db: {  	v25 =	vsub.f32 v36, v34;
	v35 =	vmul.f32 v11, v11;
	v36 =	vmul.f32 v19, v19;
	v34 =	vld [tilespmem:s8+$0xA640]  }
0x2dc: {  	v27 =	vmul.f32 v32, v27;
	v26 =	vadd.f32 v30, v26;
	v22 =	vadd.f32 v24, v22;
	v24 =	vld [tilespmem:s8+$0x9640]  }
0x2dd: {  	v23 =	vmul.f32 v32, v23;
	v25 =	vsub.f32 v25, v29;
	v29 =	vadd.s32 v2, v33;
	v30 =	vld [tilespmem:s9+$0xB610]  }
0x2de: {  	v32 =	vadd.f32 v36, v35;
	v26 =	vadd.f32 v27, v26;
	v27 =	vld [tilespmem:s9+$0x4690];
	v22 =	vmul.f32 v17, v22  }
0x2df: {  	v33 =	vmul.f32 v12, v19;
	v23 =	vsub.f32 v25, v23;
	v25 =	vld [tilespmem:s9+$0x5630]  }
0x2e0: {  	[tilespmem:s9+$0xCE00] =	vst v26;
	v12 =	vld [tilespmem:s9+$0x2F10];
	v26 =	vmul.f32 v34, v32;
	v20 =	vsub.f32 v22, v20  }
0x2e1: {  	[tilespmem:s9+$0xD600] =	vst v23;
	v22 =	vld [tilespmem:s9+$0x3EB0]  }
0x2e2: {  	v23 =	vadd.s32 s15, v6;
	v32 =	vld.idx.msk [tilespmem:v29+s4+$0x0], $0xffff;
	v20 =	vsub.f32 v20, v24;
	v11 =	vmul.f32 v26, v11  }
0x2e3: {  	v24 =	vadd.s32 s15, v5;
	v26 =	vmul.f32 v26, v19;
	v21 =	vld.idx.msk [tilespmem:v21+s4+$0x0], $0xffff  }
0x2e4: {  	vm0 =	vgt.u32 v28, $0x7A7;
	v14 =	vld.idx.msk [tilespmem:v14+s4+$0x0], $0xffff;
	v11 =	vsub.f32 v20, v11  }
0x2e5: {  	v19 =	vsel vm0, $0xFFFFF830, v1;
	v15 =	vld.idx.msk [tilespmem:v15+s4+$0x0], $0xffff  }
0x2e6: {  	v19 =	vadd.s32 s15, v19;
	v16 =	vld.idx.msk [tilespmem:v16+s4+$0x0], $0xffff;
	[tilespmem:s8+$0xD640] =	vst v11  }
0x2e7: {  	v11 =	vadd.s32 v3, v19;
	v19 =	vld.idx.msk [tilespmem:v23+s4+$0x0], $0xffff  }
0x2e8: {  	v20 =	vld.idx.msk [tilespmem:v24+s4+$0x0], $0xffff  }
0x2e9: {  	v28 =	vld.idx.msk [tilespmem:v29+s5+$0x0], $0xffff  }
0x2ea: {  	v13 =	vadd.f32 v14, v13;
	v23 =	vld.idx.msk [tilespmem:v23+s5+$0x0], $0xffff  }
0x2eb: {  	v14 =	vld.idx.msk [tilespmem:v24+s5+$0x0], $0xffff  }
0x2ec: {  	v13 =	vadd.f32 v21, v13;
	v15 =	vadd.f32 v16, v15;
	v24 =	vld.idx.msk [tilespmem:v11+s4+$0x0], $0xffff  }
0x2ed: {  	v11 =	vld.idx.msk [tilespmem:v11+s5+$0x0], $0xffff  }
0x2ee: {  	v16 =	vadd.f32 v25, v27;
	v15 =	vmul.f32 v15, v18;
	v21 =	vld [tilespmem:s9+$0x36E0]  }
0x2ef: {  	v12 =	vadd.f32 v22, v12;
	v18 =	vld [tilespmem:s9+$0x4E60]  }
0x2f0: {  	v16 =	vadd.f32 v32, v16;
	v19 =	vadd.f32 v20, v19;
	v20 =	vld [tilespmem:s9+$0x8E10]  }
0x2f1: {  	v12 =	vadd.f32 v28, v12;
	v14 =	vadd.f32 v14, v23;
	v22 =	vld [tilespmem:s9+$0xAE10]  }
0x2f2: {  	v19 =	vmul.f32 v19, v30;
	v13 =	vadd.f32 v15, v13;
	v16 =	vadd.f32 v24, v16;
	v23 =	vld [tilespmem:s9+$0x5660]  }
0x2f3: {  	v11 =	vadd.f32 v11, v12;
	v12 =	vmul.f32 v14, v30;
	v14 =	vld [tilespmem:s9+$0xA610]  }
0x2f4: {  	v15 =	vadd.f32 v19, v16;
	v16 =	vmul.f32 v21, v21;
	v19 =	vmul.f32 v18, v18;
	v24 =	vld [tilespmem:s9+$0x9E40]  }
0x2f5: {  	v27 =	vmul.f32 v17, v13;
	v11 =	vadd.f32 v12, v11;
	v25 =	vld [tilespmem:s9+$0x9E10]  }
0x2f6: {  	s15 =	sadd.s32 $0x20, s11;
	v13 =	vadd.f32 v19, v16;
	v16 =	vmul.f32 v20, v18;
	v15 =	vmul.f32 v22, v15;
	v28 =	vld [tilespmem:s9+$0x9610]  }
0x2f7: {  	v17 =	vmul.f32 v22, v11;
	v19 =	vmul.f32 v20, v21;
	v20 =	vor.u32 s15, v0;
	v12 =	vld [tilespmem:s9+$0x8E40]  }
0x2f8: {  	vm0 =	vlt.u32 v20, $0x28;
	v14 =	vmul.f32 v14, v13;
	v15 =	vsub.f32 v16, v15;
	v11 =	vld [tilespmem:s9+$0x3710]  }
0x2f9: {  	v16 =	vsub.f32 v17, v19;
	v19 =	vsel vm0, $0x7D0, v1;
	v13 =	vadd.f32 v23, v31;
	v17 =	vld [tilespmem:s9+$0x2F40]  }
0x2fa: {  	v22 =	vadd.s32 s15, v19;
	v15 =	vadd.f32 v25, v15;
	v18 =	vmul.f32 v14, v18;
	v19 =	vld [tilespmem:s9+$0x3EE0]  }
0x2fb: {  	v14 =	vmul.f32 v14, v21;
	v21 =	vadd.s32 v2, v22;
	v16 =	vsub.f32 v16, v28;
	v22 =	vld [tilespmem:s9+$0xB620]  }
0x2fc: {  	v25 =	vsub.f32 v33, v27;
	v15 =	vadd.f32 v18, v15;
	v18 =	vadd.s32 s15, v7;
	v23 =	vld [tilespmem:s9+$0x46A0]  }
0x2fd: {  	v14 =	vsub.f32 v16, v14;
	v16 =	vadd.s32 s15, v8;
	v27 =	vld [tilespmem:s9+$0x5640]  }
0x2fe: {  	vm0 =	vgt.u32 v20, $0x7A7;
	v20 =	vadd.f32 v10, v25;
	v10 =	vmov v24;
	[tilespmem:s9+$0xCE10] =	vst v15;
	v15 =	vld [tilespmem:s9+$0x2F20]  }
0x2ff: {  	[tilespmem:s9+$0xD610] =	vst v14;
	v14 =	vsel vm0, $0xFFFFF830, v1;
	v24 =	vld [tilespmem:s9+$0x3EC0]  }
0x300: {  	v20 =	vadd.f32 v26, v20;
	v14 =	vadd.s32 s15, v14;
	v25 =	vld.idx.msk [tilespmem:v21+s4+$0x0], $0xffff  }
0x301: {  	v14 =	vadd.s32 v3, v14;
	v26 =	vld.idx.msk [tilespmem:v18+s4+$0x0], $0xffff  }
0x302: {  	v28 =	vld.idx.msk [tilespmem:v16+s4+$0x0], $0xffff;
	[tilespmem:s8+$0xCE40] =	vst v20;
	s8 =	smov.u32 s9  }
0x303: {  	v20 =	vld.idx.msk [tilespmem:v21+s5+$0x0], $0xffff  }
0x304: {  	v18 =	vld.idx.msk [tilespmem:v18+s5+$0x0], $0xffff  }
0x305: {  	v16 =	vld.idx.msk [tilespmem:v16+s5+$0x0], $0xffff  }
0x306: {  	v21 =	vld.idx.msk [tilespmem:v14+s4+$0x0], $0xffff  }
0x307: {  	v29 =	vld.idx.msk [tilespmem:v14+s5+$0x0], $0xffff  }
0x308: {  	v14 =	vadd.f32 v27, v23;
	v23 =	vld [tilespmem:s8+$0x36F0]  }
0x309: {  	v15 =	vadd.f32 v24, v15;
	v24 =	vld [tilespmem:s8+$0x4E70]  }
0x30a: {  	v14 =	vadd.f32 v25, v14;
	v25 =	vadd.f32 v28, v26;
	v26 =	vld [tilespmem:s8+$0x8E20]  }
0x30b: {  	v15 =	vadd.f32 v20, v15;
	v16 =	vadd.f32 v16, v18;
	v18 =	vld [tilespmem:s8+$0xAE20]  }
0x30c: {  	v20 =	vadd.f32 v21, v14;
	v21 =	vmul.f32 v25, v22;
	v14 =	vld [tilespmem:s8+$0x9E30]  }
0x30d: {  	v25 =	vadd.f32 v29, v15;
	v16 =	vmul.f32 v16, v22;
	v22 =	vld [tilespmem:s8+$0xA620]  }
0x30e: {  	v20 =	vadd.f32 v21, v20;
	v21 =	vmul.f32 v23, v23;
	v27 =	vmul.f32 v24, v24;
	v15 =	vld [tilespmem:s8+$0x9630]  }
0x30f: {  	v16 =	vadd.f32 v16, v25;
	v25 =	vld [tilespmem:s8+$0x9E20]  }
0x310: {  	s15 =	sadd.s32 $0x30, s11;
	v21 =	vadd.f32 v27, v21;
	v27 =	vmul.f32 v26, v24;
	v20 =	vmul.f32 v18, v20;
	v28 =	vld [tilespmem:s8+$0x9620]  }
0x311: {  	v16 =	vmul.f32 v18, v16;
	v18 =	vmul.f32 v26, v23;
	v26 =	vor.u32 s15, v0;
	v29 =	vld [tilespmem:s8+$0xA630]  }
0x312: {  	vm0 =	vlt.u32 v26, $0x28;
	v21 =	vmul.f32 v22, v21;
	v20 =	vsub.f32 v27, v20;
	v22 =	vld [tilespmem:s8+$0x8E30]  }
0x313: {  	v16 =	vsub.f32 v16, v18;
	v18 =	vsel vm0, $0x7D0, v1;
	v30 =	vld [tilespmem:s8+$0xAE30]  }
0x314: {  	v18 =	vadd.s32 s15, v18;
	v20 =	vadd.f32 v25, v20;
	v24 =	vmul.f32 v21, v24;
	v25 =	vld [tilespmem:s8+$0xB630]  }
0x315: {  	v21 =	vmul.f32 v21, v23;
	v18 =	vadd.s32 v2, v18;
	v16 =	vsub.f32 v16, v28;
	v23 =	vld [tilespmem:s8+$0x46B0]  }
0x316: {  	v20 =	vadd.f32 v24, v20;
	v24 =	vadd.s32 s15, v6;
	v27 =	vld [tilespmem:s8+$0x5650]  }
0x317: {  	v16 =	vsub.f32 v16, v21;
	v21 =	vadd.s32 s15, v5;
	v28 =	vld [tilespmem:s8+$0x2F30]  }
0x318: {  	s9 =	sshra.s32 s14, $0x2;
	vm0 =	vgt.u32 v26, $0x7A7;
	[tilespmem:s8+$0xCE20] =	vst v20;
	v20 =	vld [tilespmem:s8+$0x3ED0]  }
0x319: {  	v26 =	vld [tilespmem:s9+$0xA600];
	[tilespmem:s8+$0xD620] =	vst v16;
	v16 =	vsel vm0, $0xFFFFF830, v1  }
0x31a: {  	v16 =	vadd.s32 s15, v16;
	v31 =	vld.idx.msk [tilespmem:v18+s4+$0x0], $0xffff  }
0x31b: {  	v16 =	vadd.s32 v3, v16;
	v32 =	vld.idx.msk [tilespmem:v24+s4+$0x0], $0xffff  }
0x31c: {  	v33 =	vld.idx.msk [tilespmem:v21+s4+$0x0], $0xffff  }
0x31d: {  	v18 =	vld.idx.msk [tilespmem:v18+s5+$0x0], $0xffff  }
0x31e: {  	v24 =	vld.idx.msk [tilespmem:v24+s5+$0x0], $0xffff  }
0x31f: {  	v21 =	vld.idx.msk [tilespmem:v21+s5+$0x0], $0xffff  }
0x320: {  	v34 =	vld.idx.msk [tilespmem:v16+s4+$0x0], $0xffff  }
0x321: {  	s16 =	sand.u32 $0xFF0, s13;
	s11 =	sadd.s32 $0x50, s11;
	v16 =	vld.idx.msk [tilespmem:v16+s5+$0x0], $0xffff  }
0x322: {  	v35 =	vadd.s32 s11, v4;
	v36 =	vadd.s32 s11, v5;
	s15 =	sadd.s32 $0x40, s13;
	s13 =	smov.u32 s11;
	v23 =	vadd.f32 v27, v23;
	v37 =	vld [tilespmem:s16+$0x3700]  }
0x323: {  	v27 =	vor.u32 s11, v0;
	v38 =	vor.u32 s15, v0;
	v20 =	vadd.f32 v20, v28;
	v28 =	vld [tilespmem:s16+$0x4E80]  }
0x324: {  	vm1 =	vgt.u32 v27, $0x7A7;
	v31 =	vadd.f32 v31, v23;
	v32 =	vadd.f32 v33, v32;
	v39 =	vld [tilespmem:s9+$0x8E00]  }
0x325: {  	vm2 =	vlt.u32 v27, $0x28;
	v18 =	vadd.f32 v18, v20;
	v20 =	vadd.f32 v21, v24;
	v23 =	vld [tilespmem:s9+$0x36D0]  }
0x326: {  	vm0 =	vlt.u32 v38, $0x28;
	v24 =	vmul.f32 v32, v25;
	v21 =	vadd.f32 v34, v31;
	v27 =	vld [tilespmem:s9+$0x4E50]  }
0x327: {  	v31 =	vsel vm2, $0x7D0, v1;
	v16 =	vadd.f32 v16, v18;
	v18 =	vmul.f32 v20, v25;
	v32 =	vld [tilespmem:s9+$0xB600]  }
0x328: {  	v21 =	vadd.f32 v24, v21;
	v24 =	vmul.f32 v37, v37;
	v20 =	vld [tilespmem:s9+$0x4680];
	v25 =	vmul.f32 v28, v28  }
0x329: {  	v33 =	vsel vm1, $0xFFFFF830, v1;
	v31 =	vadd.s32 s11, v31;
	v16 =	vadd.f32 v18, v16;
	v34 =	vld [tilespmem:s9+$0x5620]  }
0x32a: {  	v21 =	vmul.f32 v30, v21;
	v18 =	vld [tilespmem:s9+$0x2F00];
	v24 =	vadd.f32 v25, v24;
	v25 =	vmul.f32 v22, v28  }
0x32b: {  	v31 =	vadd.s32 v2, v31;
	v16 =	vmul.f32 v30, v16;
	v22 =	vmul.f32 v22, v37;
	v40 =	vld [tilespmem:s9+$0x3EA0]  }
0x32c: {  	v30 =	vadd.s32 s11, v33;
	v33 =	vld.idx.msk [tilespmem:v35+s4+$0x0], $0xffff;
	v24 =	vmul.f32 v29, v24;
	v21 =	vsub.f32 v25, v21  }
0x32d: {  	v25 =	vadd.s32 v3, v30;
	v16 =	vsub.f32 v16, v22;
	v22 =	vsel vm0, $0x7D0, v1;
	v29 =	vld.idx.msk [tilespmem:v36+s4+$0x0], $0xffff  }
0x32e: {  	v30 =	vld.idx.msk [tilespmem:v35+s5+$0x0], $0xffff;
	v21 =	vadd.f32 v14, v21;
	v28 =	vmul.f32 v24, v28;
	v14 =	vadd.s32 s15, v22  }
0x32f: {  	v16 =	vsub.f32 v16, v15;
	v24 =	vmul.f32 v24, v37;
	v22 =	vld.idx.msk [tilespmem:v36+s5+$0x0], $0xffff;
	v14 =	vadd.s32 v2, v14  }
0x330: {  	vm0 =	vgt.u32 v38, $0x7A7;
	v15 =	vadd.s32 s15, v6;
	v35 =	vld.idx.msk [tilespmem:v31+s4+$0x0], $0xffff;
	v21 =	vadd.f32 v28, v21  }
0x331: {  	v24 =	vsub.f32 v16, v24;
	v28 =	vsel vm0, $0xFFFFF830, v1;
	v16 =	vadd.s32 s15, v9;
	v31 =	vld.idx.msk [tilespmem:v31+s5+$0x0], $0xffff  }
0x332: {  	v36 =	vld.idx.msk [tilespmem:v25+s4+$0x0], $0xffff;
	[tilespmem:s8+$0xCE30] =	vst v21;
	v21 =	vadd.s32 s15, v28  }
0x333: {  	s15 =	sadd.s32 $0x10, s11;
	v25 =	vld.idx.msk [tilespmem:v25+s5+$0x0], $0xffff;
	[tilespmem:s8+$0xD630] =	vst v24;
	v21 =	vadd.s32 v3, v21  }
0x334: {  	v20 =	vadd.f32 v34, v20;
	v28 =	vor.u32 s15, v0;
	v24 =	vld.idx.msk [tilespmem:v14+s5+$0x0], $0xffff  }
0x335: {  	v18 =	vadd.f32 v40, v18;
	vm0 =	vlt.u32 v28, $0x28;
	v37 =	vld.idx.msk [tilespmem:v15+s5+$0x0], $0xffff  }
0x336: {  	v29 =	vadd.f32 v29, v33;
	v34 =	vadd.f32 v35, v20;
	v33 =	vsel vm0, $0x7D0, v1;
	v38 =	vld.idx.msk [tilespmem:v16+s5+$0x0], $0xffff  }
0x337: {  	v30 =	vadd.f32 v22, v30;
	v20 =	vmul.f32 v12, v11;
	v18 =	vadd.f32 v31, v18;
	v40 =	vld [tilespmem:s9+$0xAE00]  }
0x338: {  	v29 =	vmul.f32 v29, v32;
	v31 =	vadd.f32 v36, v34;
	v34 =	vmul.f32 v23, v23;
	v22 =	vld.idx.msk [tilespmem:v21+s5+$0x0], $0xffff  }
.Ltmp4:
0x339: {  	v30 =	vmul.f32 v30, v32;
	v32 =	vmul.f32 v27, v27;
	v25 =	vadd.f32 v25, v18;
	v18 =	vld [tilespmem:s8+$0xB640];
	(pc) =	sbr.rel @p1 .LBB2_5-.Ltmp4, $4  }
0x33a: {  	v17 =	vadd.f32 v19, v17;
	v29 =	vadd.f32 v29, v31;
	v31 =	vmul.f32 v39, v27;
	v19 =	vld [tilespmem:s8+$0x4E90]  }
0x33b: {  	v32 =	vadd.f32 v32, v34;
	v34 =	vmul.f32 v39, v23;
	v36 =	vadd.f32 v30, v25;
	v30 =	vld [tilespmem:s9+$0x9E00]  }
0x33c: {  	v24 =	vadd.f32 v24, v17;
	v25 =	vadd.f32 v38, v37;
	v35 =	vmul.f32 v40, v29;
	v29 =	vld [tilespmem:s9+$0x9600]  }
0x33d: {  	s14 =	sadd.s32 $0x140, s14;
	v33 =	vadd.s32 s15, v33;
	v32 =	vmul.f32 v26, v32;
	v36 =	vmul.f32 v40, v36;
	v17 =	vld [tilespmem:s8+$0xAE40]  }
.Ltmp5:
0x33e: {  	_ = 	snop;
	(pc) =	sbr.rel .LBB2_6-.Ltmp5, $1  }
0x33f: {  	_ =	sdelay $0x3  }
.LBB2_8:
0x340: {  	_ =	sfence.sel $0x180000  }
0x341: {  	[bflag:$0x0] =	sbarrier.arrive $0xFFFF  }
0x342: {  	_ =	strace $0x90000047  }
0x343: {  	s0 =	stileid.u32;
	[bflag:$0x2] =	sbarrier.arrive $0xFFFF  }
0x344: {  	p0 =	sne.s32 s0, $0x0;
	s0 =	rddreg [dreg:$0x8]  }
0x345: {  	s0 =	sadd.s32 @!p0 $0x100000, s0  }
0x346: {  	[sflag:s0] =	ssyncadd.tile.s32 @!p0 $0x1;
	_ =	shalt  }
.Lfunc_end2:
_tile_overlayer_lowered:
.L_overlay_start_2:
0x347: {  	(tag) =	ssettag $0x2  }
0x348: {  	s0 =	rddreg [dreg:$0x0];
	s2 =	stileid.u32  }
0x349: {  	s1 =	rddreg [dreg:$0x1];
	p0 =	sne.s32 s2, $0x0  }
0x34a: {  	s3 =	rddreg [dreg:$0x2];
	[bflag:$0x3] =	sbarrier.arrive $0xFFFF;
	s2 =	simm.s32 @!p0 $0x1C04  }
0x34b: {  	[timem:s3], [sflag:s2] =	dma.local @!p0 [hbm:s0], s1  }
0x34c: {  	s0 =	simm.s32 @!p0 $0x4  }
0x34d: {  	_ =	swait.ge @!p0 [sflag:s0], s1  }
0x34e: {  	s1 =	ssub.s32 @!p0 $0x0, s1;
	[sflag:s0] =	ssyncset.done @!p0 $0x0  }
0x34f: {  	[sflag:s0] =	ssyncadd.s32 @!p0 s1  }
0x350: {  	[bflag:$0x3] =	sbarrier.arrive $0xFFFF  }
0x351: {  	_ =	shalt  }

</sc_bundles>
